<compile_context>
chip_gen: v7x
topology: tpu7x:2x2x1
jax: 0.10.2.dev20260603
libtpu: 0.0.44.dev20260713+nightly
codegen_flags: <defaults>
</compile_context>

<pallas_src>
import functools

import jax
import jax.numpy as jnp
from jax import lax
from jax.experimental import pallas as pl
from jax.experimental.pallas import tpu as pltpu
from jax.experimental.pallas import tpu_sc as plsc

N_NODES = 100000
N_EDGES = 6400000
NPAD = 104000
CHUNK = 2048
NCHUNKS = N_EDGES // CHUNK
NC, NS = 2, 16
NW = NC * NS
NSETS = 4
ROUNDS = 25
MSETS = 6
MROUNDS = 17
ZCH = 4000
NZ = NPAD // ZCH
KC = 4000
KN = N_NODES // KC

_sc_mesh = plsc.VectorSubcoreMesh(core_axis_name="c", subcore_axis_name="s")


@functools.partial(
    pl.kernel,
    out_type=jax.ShapeDtypeStruct((NC * NPAD,), jnp.float32),
    mesh=_sc_mesh,
    scratch_types=(
        [pltpu.VMEM((ZCH,), jnp.float32),
         pltpu.VMEM((CHUNK,), jnp.float32)]
        + [pltpu.VMEM((CHUNK,), jnp.int32) for _ in range(NSETS)]
        + [pltpu.VMEM_SHARED((NPAD,), jnp.float32)]
        + [pltpu.SemaphoreType.DMA for _ in range(2 * NSETS)]
    ),
)
def _hist_kernel(ei_hbm, out_hbm, zero_v, ones_v, *rest):
    cid = lax.axis_index("c")
    sid = lax.axis_index("s")
    wid = sid * NC + cid
    bufs = rest[0:NSETS]
    h_sh = rest[NSETS]
    isems = rest[NSETS + 1:NSETS + 1 + NSETS]
    csems = rest[NSETS + 1 + NSETS:]
    ones16 = jnp.full((16,), 1.0, jnp.float32)
    zeros16 = jnp.zeros((16,), jnp.float32)
    last = NCHUNKS - 1

    def zero_body(i, _):
        zero_v[pl.ds(i * 16, 16)] = zeros16
        return 0

    lax.fori_loop(0, ZCH // 16, zero_body, 0, unroll=8)

    def ones_body(i, _):
        ones_v[pl.ds(i * 16, 16)] = ones16
        return 0

    lax.fori_loop(0, CHUNK // 16, ones_body, 0, unroll=8)

    for i in range(-(-NZ // NS)):
        j = sid + NS * i

        @pl.when(j < NZ)
        def _(j=j):
            pltpu.sync_copy(zero_v, h_sh.at[pl.ds(j * ZCH, ZCH)])

    plsc.subcore_barrier()

    for b in range(NSETS):
        k = jnp.minimum(wid + NW * b, last)
        pltpu.async_copy(ei_hbm.at[pl.ds(N_EDGES + k * CHUNK, CHUNK)], bufs[b], isems[b])

    def round_body(j, _):
        for b in range(NSETS):
            c = wid + NW * (NSETS * j + b)
            pltpu.make_async_copy(
                ei_hbm.at[pl.ds(0, CHUNK)], bufs[b], isems[b]).wait()

            @pl.when(c < NCHUNKS)
            def _(b=b):
                pltpu.async_copy(ones_v, h_sh.at[bufs[b]], csems[b], add=True)

        for b in range(NSETS):
            c = wid + NW * (NSETS * j + b)

            @pl.when(c < NCHUNKS)
            def _(b=b):
                pltpu.make_async_copy(ones_v, h_sh.at[bufs[b]], csems[b]).wait()

            k = jnp.minimum(c + NW * NSETS, last)
            pltpu.async_copy(ei_hbm.at[pl.ds(N_EDGES + k * CHUNK, CHUNK)], bufs[b], isems[b])
        return 0

    lax.fori_loop(0, ROUNDS, round_body, 0)
    for b in range(NSETS):
        pltpu.make_async_copy(ei_hbm.at[pl.ds(0, CHUNK)], bufs[b], isems[b]).wait()
    plsc.subcore_barrier()

    for t in range(-(-NZ // NS)):
        j = sid + NS * t

        @pl.when(j < NZ)
        def _(j=j):
            pltpu.sync_copy(h_sh.at[pl.ds(j * ZCH, ZCH)], zero_v)
            pltpu.sync_copy(zero_v, out_hbm.at[pl.ds(cid * NPAD + j * ZCH, ZCH)])


@functools.partial(
    pl.kernel,
    out_type=jax.ShapeDtypeStruct((NC * NPAD,), jnp.float32),
    mesh=_sc_mesh,
    scratch_types=(
        [pltpu.VMEM((ZCH,), jnp.float32)]
        + [pltpu.VMEM((CHUNK,), jnp.int32) for _ in range(2 * MSETS)]
        + [pltpu.VMEM((CHUNK,), jnp.float32) for _ in range(MSETS)]
        + [pltpu.VMEM_SHARED((NPAD,), jnp.float32) for _ in range(2)]
        + [pltpu.SemaphoreType.DMA for _ in range(4 * MSETS)]
    ),
)
def _msg_kernel(ei_hbm, d_hbm, out_hbm, zero_v, *rest):
    cid = lax.axis_index("c")
    sid = lax.axis_index("s")
    wid = sid * NC + cid
    sbufs = rest[0:MSETS]
    dbufs = rest[MSETS:2 * MSETS]
    vbufs = rest[2 * MSETS:3 * MSETS]
    d_sh = rest[3 * MSETS]
    s_sh = rest[3 * MSETS + 1]
    sems = rest[3 * MSETS + 2:]
    ssems = sems[0:MSETS]
    dsems = sems[MSETS:2 * MSETS]
    gsems = sems[2 * MSETS:3 * MSETS]
    csems = sems[3 * MSETS:4 * MSETS]
    zeros16 = jnp.zeros((16,), jnp.float32)
    last = NCHUNKS - 1

    def zero_body(i, _):
        zero_v[pl.ds(i * 16, 16)] = zeros16
        return 0

    lax.fori_loop(0, ZCH // 16, zero_body, 0, unroll=8)

    for i in range(-(-NZ // NS)):
        j = sid + NS * i

        @pl.when(j < NZ)
        def _(j=j):
            pltpu.sync_copy(zero_v, s_sh.at[pl.ds(j * ZCH, ZCH)])

    for i in range(-(-NZ // NS)):
        j = sid + NS * i

        @pl.when(j < NZ)
        def _(j=j):
            pltpu.sync_copy(d_hbm.at[pl.ds(j * ZCH, ZCH)], zero_v)
            pltpu.sync_copy(zero_v, d_sh.at[pl.ds(j * ZCH, ZCH)])

    plsc.subcore_barrier()

    for b in range(MSETS):
        k = jnp.minimum(wid + NW * b, last)
        pltpu.async_copy(ei_hbm.at[pl.ds(k * CHUNK, CHUNK)], sbufs[b], ssems[b])
        pltpu.async_copy(ei_hbm.at[pl.ds(N_EDGES + k * CHUNK, CHUNK)], dbufs[b], dsems[b])

    def round_body(j, _):
        for b in range(MSETS):
            c = wid + NW * (MSETS * j + b)
            pltpu.make_async_copy(
                ei_hbm.at[pl.ds(0, CHUNK)], sbufs[b], ssems[b]).wait()

            @pl.when(c < NCHUNKS)
            def _(b=b):
                pltpu.async_copy(d_sh.at[sbufs[b]], vbufs[b], gsems[b])

        for b in range(MSETS):
            c = wid + NW * (MSETS * j + b)
            pltpu.make_async_copy(
                ei_hbm.at[pl.ds(0, CHUNK)], dbufs[b], dsems[b]).wait()

            @pl.when(c < NCHUNKS)
            def _(b=b):
                pltpu.make_async_copy(d_sh.at[sbufs[b]], vbufs[b], gsems[b]).wait()
                pltpu.async_copy(vbufs[b], s_sh.at[dbufs[b]], csems[b], add=True)

        for b in range(MSETS):
            c = wid + NW * (MSETS * j + b)

            @pl.when(c < NCHUNKS)
            def _(b=b):
                pltpu.make_async_copy(vbufs[b], s_sh.at[dbufs[b]], csems[b]).wait()

            k = jnp.minimum(c + NW * MSETS, last)
            pltpu.async_copy(ei_hbm.at[pl.ds(k * CHUNK, CHUNK)], sbufs[b], ssems[b])
            pltpu.async_copy(ei_hbm.at[pl.ds(N_EDGES + k * CHUNK, CHUNK)], dbufs[b], dsems[b])
        return 0

    lax.fori_loop(0, MROUNDS, round_body, 0)
    for b in range(MSETS):
        pltpu.make_async_copy(ei_hbm.at[pl.ds(0, CHUNK)], sbufs[b], ssems[b]).wait()
        pltpu.make_async_copy(ei_hbm.at[pl.ds(0, CHUNK)], dbufs[b], dsems[b]).wait()
    plsc.subcore_barrier()

    for t in range(-(-NZ // NS)):
        j = sid + NS * t

        @pl.when(j < NZ)
        def _(j=j):
            pltpu.sync_copy(s_sh.at[pl.ds(j * ZCH, ZCH)], zero_v)
            pltpu.sync_copy(zero_v, out_hbm.at[pl.ds(cid * NPAD + j * ZCH, ZCH)])


def _rsqrt_body(cnt_ref, d_ref):
    deg = cnt_ref[0, 0, 0, :] + cnt_ref[1, 0, 0, :]
    d_ref[0, 0, :] = lax.rsqrt(deg + 1.0)


_rsqrt_call = pl.pallas_call(
    _rsqrt_body,
    out_shape=jax.ShapeDtypeStruct((NZ, 1, ZCH), jnp.float32),
    grid=(NZ,),
    in_specs=[pl.BlockSpec((NC, 1, 1, ZCH), lambda i: (0, i, 0, 0))],
    out_specs=pl.BlockSpec((1, 1, ZCH), lambda i: (i, 0, 0)),
)


def _final_body(d_ref, s0_ref, s1_ref, wn_ref, wch_ref, wtr_ref, wtx_ref,
                trig_ref, chain_ref, tx_ref, wt_ref, bt_ref, bn_ref,
                wg_ref, bg_ref, out_ref, acc, colsum):
    i = pl.program_id(0)

    @pl.when(i == 0)
    def _():
        acc[...] = jnp.zeros_like(acc)
        colsum[...] = jnp.zeros_like(colsum)

    d = d_ref[0, 0, :]
    g = d * (s0_ref[0, 0, 0, :] + s1_ref[0, 0, 0, :] + d)
    w = wn_ref[...]
    acc[...] += jnp.dot(g.reshape(1, KC), w, preferred_element_type=jnp.float32)
    colsum[...] += jnp.sum(w, axis=0, keepdims=True)

    @pl.when(i == KN - 1)
    def _():
        v = wg_ref[...] * acc[...] + bg_ref[...] * colsum[...]
        trig = jnp.maximum(
            jnp.dot(trig_ref[...], wt_ref[...], preferred_element_type=jnp.float32)
            + bt_ref[...], 0.0)
        out_ref[...] = (
            v
            + chain_ref[...] * wch_ref[...]
            + jnp.dot(trig, wtr_ref[...], preferred_element_type=jnp.float32)
            + jnp.dot(tx_ref[...], wtx_ref[...], preferred_element_type=jnp.float32)
            + bn_ref[...]
        )


_final_call = pl.pallas_call(
    _final_body,
    out_shape=jax.ShapeDtypeStruct((64, 128), jnp.float32),
    grid=(KN,),
    in_specs=[
        pl.BlockSpec((1, 1, KC), lambda i: (i, 0, 0)),
        pl.BlockSpec((1, 1, 1, KC), lambda i: (0, i, 0, 0)),
        pl.BlockSpec((1, 1, 1, KC), lambda i: (1, i, 0, 0)),
        pl.BlockSpec((KC, 128), lambda i: (i, 0)),
        pl.BlockSpec((1, 128), lambda i: (0, 0)),
        pl.BlockSpec((32, 128), lambda i: (0, 0)),
        pl.BlockSpec((8, 128), lambda i: (0, 0)),
        pl.BlockSpec((64, 16), lambda i: (0, 0)),
        pl.BlockSpec((64, 1), lambda i: (0, 0)),
        pl.BlockSpec((64, 8), lambda i: (0, 0)),
        pl.BlockSpec((16, 32), lambda i: (0, 0)),
        pl.BlockSpec((1, 32), lambda i: (0, 0)),
        pl.BlockSpec((1, 128), lambda i: (0, 0)),
        pl.BlockSpec((1, 1), lambda i: (0, 0)),
        pl.BlockSpec((1, 1), lambda i: (0, 0)),
    ],
    out_specs=pl.BlockSpec((64, 128), lambda i: (0, 0)),
    scratch_shapes=[
        pltpu.VMEM((1, 128), jnp.float32),
        pltpu.VMEM((1, 128), jnp.float32),
    ],
)


def kernel(trigger_data, batched_chain, tx_start_time, batched_graphs, edge_index,
           W_gcn, b_gcn, W_t, b_t, W_n, b_n):
    del batched_graphs
    ei_flat = edge_index.reshape(2 * N_EDGES)

    cnt = _hist_kernel(ei_flat).reshape(NC, NZ, 1, ZCH)
    d3 = _rsqrt_call(cnt)
    sarr = _msg_kernel(ei_flat, d3.reshape(NPAD)).reshape(NC, NZ, 1, ZCH)

    return _final_call(
        d3, sarr, sarr, W_n,
        W_n[N_NODES:N_NODES + 1],
        W_n[N_NODES + 1:N_NODES + 33],
        W_n[N_NODES + 33:N_NODES + 41],
        trigger_data,
        batched_chain.reshape(64, 1),
        tx_start_time,
        W_t,
        b_t.reshape(1, 32),
        b_n.reshape(1, 128),
        W_gcn,
        b_gcn.reshape(1, 1),
    )

# --- scband reference (transcript-rebuilt; emitter-appended) ---
"""Pipeline reference for scband-noise-89910845374637 (READ-ONLY COPY).

The authoritative reference and input builder live on the scoring server;
editing this copy changes nothing except your own understanding.
"""

import jax, jax.numpy as jnp
import numpy as np

N_NODES = 100000
N_EDGES = 6400000
BATCH = 64
META_DIM = 16
TX_DIM = 8
NOISE_DIM = 128
IN_DIM = N_NODES + 1 + 32 + TX_DIM  # graph_dim + chain(1) + trigger(32) + tx_start_time


def setup_inputs(seed: int = 0) -> dict:
    key = jax.random.key(seed)
    ks = jax.random.split(key, 12)
    inp = {}
    inp["trigger_data"] = jax.random.normal(ks[0], (BATCH, META_DIM), dtype=jnp.float32)
    inp["batched_chain"] = jax.random.normal(ks[1], (BATCH,), dtype=jnp.float32)
    inp["tx_start_time"] = jax.random.normal(ks[2], (BATCH, TX_DIM), dtype=jnp.float32)
    # all examples reference graph index 0 (single shared transaction graph)
    inp["batched_graphs"] = jnp.zeros((BATCH,), dtype=jnp.int32)
    inp["edge_index"] = jax.random.randint(ks[3], (2, N_EDGES), 0, N_NODES, dtype=jnp.int32)
    # learned parameters
    inp["W_gcn"] = jax.random.normal(ks[4], (1, 1), dtype=jnp.float32) * 0.5
    inp["b_gcn"] = jnp.zeros((1,), dtype=jnp.float32)
    inp["W_t"] = jax.random.normal(ks[5], (META_DIM, 32), dtype=jnp.float32) * 0.1
    inp["b_t"] = jnp.zeros((32,), dtype=jnp.float32)
    inp["W_n"] = jax.random.normal(ks[6], (IN_DIM, NOISE_DIM), dtype=jnp.float32) * 0.01
    inp["b_n"] = jnp.zeros((NOISE_DIM,), dtype=jnp.float32)
    return inp


def _gcn_conv(edge_index, W_gcn, b_gcn):
    # GCNConv(1, 1) applied to all-ones node features, with self-loops and
    # symmetric normalization, matching torch_geometric.nn.GCNConv defaults.
    src = edge_index[0]
    dst = edge_index[1]
    loop = jnp.arange(N_NODES, dtype=src.dtype)
    src = jnp.concatenate([src, loop])
    dst = jnp.concatenate([dst, loop])
    x = jnp.ones((N_NODES, 1), dtype=jnp.float32)
    h = x @ W_gcn  # [N, 1]
    deg = jax.ops.segment_sum(jnp.ones(src.shape[0], dtype=jnp.float32), dst, num_segments=N_NODES)
    deg_inv_sqrt = jnp.where(deg > 0, deg ** -0.5, 0.0)
    norm = deg_inv_sqrt[src] * deg_inv_sqrt[dst]  # gather
    msgs = norm[:, None] * h[src]                 # gather
    out = jax.ops.segment_sum(msgs, dst, num_segments=N_NODES) + b_gcn  # scatter-add
    return out.reshape(-1)  # flatten() -> [N_NODES]


def reference(trigger_data, batched_chain, tx_start_time, batched_graphs, edge_index,
              W_gcn, b_gcn, W_t, b_t, W_n, b_n):
    # unique_gcn: single unique graph (index 0) -> one GCN pass, then gather per row
    gcn_flat = _gcn_conv(edge_index, W_gcn, b_gcn)     # [N_NODES]
    unique_stack = gcn_flat[None, :]                   # [1, N_NODES]
    graph_embedding = jnp.take(unique_stack, batched_graphs, axis=0)  # [B, N_NODES]
    trig = jax.nn.relu(trigger_data @ W_t + b_t)       # triggering_layer
    embed_to_noise = jnp.concatenate(
        [graph_embedding, batched_chain[:, None], trig, tx_start_time], axis=1
    ).astype(jnp.float32)                              # [B, IN_DIM]
    return embed_to_noise @ W_n + b_n                  # noise_embedding Linear -> [B, 128]

if __name__ == "__main__":
    import jax
    _d = setup_inputs()
    print(jax.jit(kernel)(*tuple(_d.values())))

</pallas_src>

<mosaic_0001>
#map = affine_map<(d0, d1) -> (0)>
module attributes {stable_mosaic.version = 14 : i64} {
  func.func @_hist_kernel(%arg0: i32, %arg1: i32, %arg2: memref<12800000xi32, #tpu.memory_space<hbm>>, %arg3: memref<208000xf32, #tpu.memory_space<hbm>>, %arg4: memref<4000xf32, #tpu.memory_space<vmem>>, %arg5: memref<2048xf32, #tpu.memory_space<vmem>>, %arg6: memref<2048xi32, #tpu.memory_space<vmem>>, %arg7: memref<2048xi32, #tpu.memory_space<vmem>>, %arg8: memref<2048xi32, #tpu.memory_space<vmem>>, %arg9: memref<2048xi32, #tpu.memory_space<vmem>>, %arg10: memref<104000xf32, #tpu.memory_space<vmem_shared>>, %arg11: memref<!tpu.dma_semaphore, #tpu.memory_space<semaphore_mem>>, %arg12: memref<!tpu.dma_semaphore, #tpu.memory_space<semaphore_mem>>, %arg13: memref<!tpu.dma_semaphore, #tpu.memory_space<semaphore_mem>>, %arg14: memref<!tpu.dma_semaphore, #tpu.memory_space<semaphore_mem>>, %arg15: memref<!tpu.dma_semaphore, #tpu.memory_space<semaphore_mem>>, %arg16: memref<!tpu.dma_semaphore, #tpu.memory_space<semaphore_mem>>, %arg17: memref<!tpu.dma_semaphore, #tpu.memory_space<semaphore_mem>>, %arg18: memref<!tpu.dma_semaphore, #tpu.memory_space<semaphore_mem>>) attributes {dimension_semantics = [#tpu.dimension_semantics<core_parallel>, #tpu.dimension_semantics<subcore_parallel>], iteration_bounds = array<i64: 2, 16>, scalar_prefetch = 0 : i64, scratch_operands = 15 : i64, tpu.core_type = #tpu.core_type<sc_vector_subcore>, window_params = [{transform_indices = #map}, {transform_indices = #map}]} {
    %mul3A = arith.constant 2 : i32
    %mul3A_0 = arith.muli %arg1, %mul3A : i32
    %add3A = arith.addi %mul3A_0, %arg0 : i32
    %broadcast_in_dim3A = arith.constant 1.000000e+00 : f32
    %broadcast_in_dim3A_1 = vector.broadcast %broadcast_in_dim3A : f32 to vector<16xf32>
    %broadcast_in_dim3A_2 = arith.constant 0.000000e+00 : f32
    %broadcast_in_dim3A_3 = vector.broadcast %broadcast_in_dim3A_2 : f32 to vector<16xf32>
    %scan3A = arith.constant 0 : i32
    %scan3A_4 = arith.constant 0 : i32
    %scan3A_5 = arith.constant 248 : i32
    %scan3A_6 = arith.addi %scan3A_4, %scan3A_5 : i32
    %scan3A_7 = arith.constant 8 : i32
    %scan3A_8 = scf.for %scan3A_120 = %scan3A_4 to %scan3A_6 step %scan3A_7 iter_args(%scan3A_121 = %scan3A) -> (i32)  : i32 {
      %mul3A_122 = arith.constant 16 : i32
      %mul3A_123 = arith.muli %scan3A_120, %mul3A_122 : i32
      %swap3A_124 = arith.index_cast %mul3A_123 : i32 to index
      %swap3A_125 = tpu.vector_load %arg4[%swap3A_124] {strides = array<i32>} : memref<4000xf32, #tpu.memory_space<vmem>>, vector<16xf32>,
      %swap3A_126 = vector.shape_cast %swap3A_125 : vector<16xf32> to vector<16xf32>
      %swap3A_127 = vector.shape_cast %broadcast_in_dim3A_3 : vector<16xf32> to vector<16xf32>
      tpu.vector_store %arg4[%swap3A_124], %swap3A_127 {strides = array<i32>} : memref<4000xf32, #tpu.memory_space<vmem>>, vector<16xf32>,
      %scan3A_128 = arith.constant 0 : i32
      %scan3A_129 = arith.constant 1 : i32
      %scan3A_130 = arith.addi %scan3A_120, %scan3A_129 : i32
      %mul3A_131 = arith.constant 16 : i32
      %mul3A_132 = arith.muli %scan3A_130, %mul3A_131 : i32
      %swap3A_133 = arith.index_cast %mul3A_132 : i32 to index
      %swap3A_134 = tpu.vector_load %arg4[%swap3A_133] {strides = array<i32>} : memref<4000xf32, #tpu.memory_space<vmem>>, vector<16xf32>,
      %swap3A_135 = vector.shape_cast %swap3A_134 : vector<16xf32> to vector<16xf32>
      %swap3A_136 = vector.shape_cast %broadcast_in_dim3A_3 : vector<16xf32> to vector<16xf32>
      tpu.vector_store %arg4[%swap3A_133], %swap3A_136 {strides = array<i32>} : memref<4000xf32, #tpu.memory_space<vmem>>, vector<16xf32>,
      %scan3A_137 = arith.constant 0 : i32
      %scan3A_138 = arith.constant 2 : i32
      %scan3A_139 = arith.addi %scan3A_120, %scan3A_138 : i32
      %mul3A_140 = arith.constant 16 : i32
      %mul3A_141 = arith.muli %scan3A_139, %mul3A_140 : i32
      %swap3A_142 = arith.index_cast %mul3A_141 : i32 to index
      %swap3A_143 = tpu.vector_load %arg4[%swap3A_142] {strides = array<i32>} : memref<4000xf32, #tpu.memory_space<vmem>>, vector<16xf32>,
      %swap3A_144 = vector.shape_cast %swap3A_143 : vector<16xf32> to vector<16xf32>
      %swap3A_145 = vector.shape_cast %broadcast_in_dim3A_3 : vector<16xf32> to vector<16xf32>
      tpu.vector_store %arg4[%swap3A_142], %swap3A_145 {strides = array<i32>} : memref<4000xf32, #tpu.memory_space<vmem>>, vector<16xf32>,
      %scan3A_146 = arith.constant 0 : i32
      %scan3A_147 = arith.constant 3 : i32
      %scan3A_148 = arith.addi %scan3A_120, %scan3A_147 : i32
      %mul3A_149 = arith.constant 16 : i32
      %mul3A_150 = arith.muli %scan3A_148, %mul3A_149 : i32
      %swap3A_151 = arith.index_cast %mul3A_150 : i32 to index
      %swap3A_152 = tpu.vector_load %arg4[%swap3A_151] {strides = array<i32>} : memref<4000xf32, #tpu.memory_space<vmem>>, vector<16xf32>,
      %swap3A_153 = vector.shape_cast %swap3A_152 : vector<16xf32> to vector<16xf32>
      %swap3A_154 = vector.shape_cast %broadcast_in_dim3A_3 : vector<16xf32> to vector<16xf32>
      tpu.vector_store %arg4[%swap3A_151], %swap3A_154 {strides = array<i32>} : memref<4000xf32, #tpu.memory_space<vmem>>, vector<16xf32>,
      %scan3A_155 = arith.constant 0 : i32
      %scan3A_156 = arith.constant 4 : i32
      %scan3A_157 = arith.addi %scan3A_120, %scan3A_156 : i32
      %mul3A_158 = arith.constant 16 : i32
      %mul3A_159 = arith.muli %scan3A_157, %mul3A_158 : i32
      %swap3A_160 = arith.index_cast %mul3A_159 : i32 to index
      %swap3A_161 = tpu.vector_load %arg4[%swap3A_160] {strides = array<i32>} : memref<4000xf32, #tpu.memory_space<vmem>>, vector<16xf32>,
      %swap3A_162 = vector.shape_cast %swap3A_161 : vector<16xf32> to vector<16xf32>
      %swap3A_163 = vector.shape_cast %broadcast_in_dim3A_3 : vector<16xf32> to vector<16xf32>
      tpu.vector_store %arg4[%swap3A_160], %swap3A_163 {strides = array<i32>} : memref<4000xf32, #tpu.memory_space<vmem>>, vector<16xf32>,
      %scan3A_164 = arith.constant 0 : i32
      %scan3A_165 = arith.constant 5 : i32
      %scan3A_166 = arith.addi %scan3A_120, %scan3A_165 : i32
      %mul3A_167 = arith.constant 16 : i32
      %mul3A_168 = arith.muli %scan3A_166, %mul3A_167 : i32
      %swap3A_169 = arith.index_cast %mul3A_168 : i32 to index
      %swap3A_170 = tpu.vector_load %arg4[%swap3A_169] {strides = array<i32>} : memref<4000xf32, #tpu.memory_space<vmem>>, vector<16xf32>,
      %swap3A_171 = vector.shape_cast %swap3A_170 : vector<16xf32> to vector<16xf32>
      %swap3A_172 = vector.shape_cast %broadcast_in_dim3A_3 : vector<16xf32> to vector<16xf32>
      tpu.vector_store %arg4[%swap3A_169], %swap3A_172 {strides = array<i32>} : memref<4000xf32, #tpu.memory_space<vmem>>, vector<16xf32>,
      %scan3A_173 = arith.constant 0 : i32
      %scan3A_174 = arith.constant 6 : i32
      %scan3A_175 = arith.addi %scan3A_120, %scan3A_174 : i32
      %mul3A_176 = arith.constant 16 : i32
      %mul3A_177 = arith.muli %scan3A_175, %mul3A_176 : i32
      %swap3A_178 = arith.index_cast %mul3A_177 : i32 to index
      %swap3A_179 = tpu.vector_load %arg4[%swap3A_178] {strides = array<i32>} : memref<4000xf32, #tpu.memory_space<vmem>>, vector<16xf32>,
      %swap3A_180 = vector.shape_cast %swap3A_179 : vector<16xf32> to vector<16xf32>
      %swap3A_181 = vector.shape_cast %broadcast_in_dim3A_3 : vector<16xf32> to vector<16xf32>
      tpu.vector_store %arg4[%swap3A_178], %swap3A_181 {strides = array<i32>} : memref<4000xf32, #tpu.memory_space<vmem>>, vector<16xf32>,
      %scan3A_182 = arith.constant 0 : i32
      %scan3A_183 = arith.constant 7 : i32
      %scan3A_184 = arith.addi %scan3A_120, %scan3A_183 : i32
      %mul3A_185 = arith.constant 16 : i32
      %mul3A_186 = arith.muli %scan3A_184, %mul3A_185 : i32
      %swap3A_187 = arith.index_cast %mul3A_186 : i32 to index
      %swap3A_188 = tpu.vector_load %arg4[%swap3A_187] {strides = array<i32>} : memref<4000xf32, #tpu.memory_space<vmem>>, vector<16xf32>,
      %swap3A_189 = vector.shape_cast %swap3A_188 : vector<16xf32> to vector<16xf32>
      %swap3A_190 = vector.shape_cast %broadcast_in_dim3A_3 : vector<16xf32> to vector<16xf32>
      tpu.vector_store %arg4[%swap3A_187], %swap3A_190 {strides = array<i32>} : memref<4000xf32, #tpu.memory_space<vmem>>, vector<16xf32>,
      %scan3A_191 = arith.constant 0 : i32
      scf.yield %scan3A_191 : i32
    }
    %scan3A_9 = arith.constant 248 : i32
    %scan3A_10 = arith.addi %scan3A_4, %scan3A_9 : i32
    %mul3A_11 = arith.constant 16 : i32
    %mul3A_12 = arith.muli %scan3A_10, %mul3A_11 : i32
    %swap3A = arith.index_cast %mul3A_12 : i32 to index
    %swap3A_13 = tpu.vector_load %arg4[%swap3A] {strides = array<i32>} : memref<4000xf32, #tpu.memory_space<vmem>>, vector<16xf32>,
    %swap3A_14 = vector.shape_cast %swap3A_13 : vector<16xf32> to vector<16xf32>
    %swap3A_15 = vector.shape_cast %broadcast_in_dim3A_3 : vector<16xf32> to vector<16xf32>
    tpu.vector_store %arg4[%swap3A], %swap3A_15 {strides = array<i32>} : memref<4000xf32, #tpu.memory_space<vmem>>, vector<16xf32>,
    %scan3A_16 = arith.constant 0 : i32
    %scan3A_17 = arith.constant 249 : i32
    %scan3A_18 = arith.addi %scan3A_4, %scan3A_17 : i32
    %mul3A_19 = arith.constant 16 : i32
    %mul3A_20 = arith.muli %scan3A_18, %mul3A_19 : i32
    %swap3A_21 = arith.index_cast %mul3A_20 : i32 to index
    %swap3A_22 = tpu.vector_load %arg4[%swap3A_21] {strides = array<i32>} : memref<4000xf32, #tpu.memory_space<vmem>>, vector<16xf32>,
    %swap3A_23 = vector.shape_cast %swap3A_22 : vector<16xf32> to vector<16xf32>
    %swap3A_24 = vector.shape_cast %broadcast_in_dim3A_3 : vector<16xf32> to vector<16xf32>
    tpu.vector_store %arg4[%swap3A_21], %swap3A_24 {strides = array<i32>} : memref<4000xf32, #tpu.memory_space<vmem>>, vector<16xf32>,
    %scan3A_25 = arith.constant 0 : i32
    %scan3A_26 = arith.constant 250 : i32
    %scan3A_27 = arith.constant 0 : i32
    %scan3A_28 = arith.constant 0 : i32
    %scan3A_29 = arith.constant 128 : i32
    %scan3A_30 = arith.addi %scan3A_28, %scan3A_29 : i32
    %scan3A_31 = arith.constant 8 : i32
    %scan3A_32 = scf.for %scan3A_120 = %scan3A_28 to %scan3A_30 step %scan3A_31 iter_args(%scan3A_121 = %scan3A_27) -> (i32)  : i32 {
      %mul3A_122 = arith.constant 16 : i32
      %mul3A_123 = arith.muli %scan3A_120, %mul3A_122 : i32
      %swap3A_124 = arith.index_cast %mul3A_123 : i32 to index
      %swap3A_125 = tpu.vector_load %arg5[%swap3A_124] {strides = array<i32>} : memref<2048xf32, #tpu.memory_space<vmem>>, vector<16xf32>,
      %swap3A_126 = vector.shape_cast %swap3A_125 : vector<16xf32> to vector<16xf32>
      %swap3A_127 = vector.shape_cast %broadcast_in_dim3A_1 : vector<16xf32> to vector<16xf32>
      tpu.vector_store %arg5[%swap3A_124], %swap3A_127 {strides = array<i32>} : memref<2048xf32, #tpu.memory_space<vmem>>, vector<16xf32>,
      %scan3A_128 = arith.constant 0 : i32
      %scan3A_129 = arith.constant 1 : i32
      %scan3A_130 = arith.addi %scan3A_120, %scan3A_129 : i32
      %mul3A_131 = arith.constant 16 : i32
      %mul3A_132 = arith.muli %scan3A_130, %mul3A_131 : i32
      %swap3A_133 = arith.index_cast %mul3A_132 : i32 to index
      %swap3A_134 = tpu.vector_load %arg5[%swap3A_133] {strides = array<i32>} : memref<2048xf32, #tpu.memory_space<vmem>>, vector<16xf32>,
      %swap3A_135 = vector.shape_cast %swap3A_134 : vector<16xf32> to vector<16xf32>
      %swap3A_136 = vector.shape_cast %broadcast_in_dim3A_1 : vector<16xf32> to vector<16xf32>
      tpu.vector_store %arg5[%swap3A_133], %swap3A_136 {strides = array<i32>} : memref<2048xf32, #tpu.memory_space<vmem>>, vector<16xf32>,
      %scan3A_137 = arith.constant 0 : i32
      %scan3A_138 = arith.constant 2 : i32
      %scan3A_139 = arith.addi %scan3A_120, %scan3A_138 : i32
      %mul3A_140 = arith.constant 16 : i32
      %mul3A_141 = arith.muli %scan3A_139, %mul3A_140 : i32
      %swap3A_142 = arith.index_cast %mul3A_141 : i32 to index
      %swap3A_143 = tpu.vector_load %arg5[%swap3A_142] {strides = array<i32>} : memref<2048xf32, #tpu.memory_space<vmem>>, vector<16xf32>,
      %swap3A_144 = vector.shape_cast %swap3A_143 : vector<16xf32> to vector<16xf32>
      %swap3A_145 = vector.shape_cast %broadcast_in_dim3A_1 : vector<16xf32> to vector<16xf32>
      tpu.vector_store %arg5[%swap3A_142], %swap3A_145 {strides = array<i32>} : memref<2048xf32, #tpu.memory_space<vmem>>, vector<16xf32>,
      %scan3A_146 = arith.constant 0 : i32
      %scan3A_147 = arith.constant 3 : i32
      %scan3A_148 = arith.addi %scan3A_120, %scan3A_147 : i32
      %mul3A_149 = arith.constant 16 : i32
      %mul3A_150 = arith.muli %scan3A_148, %mul3A_149 : i32
      %swap3A_151 = arith.index_cast %mul3A_150 : i32 to index
      %swap3A_152 = tpu.vector_load %arg5[%swap3A_151] {strides = array<i32>} : memref<2048xf32, #tpu.memory_space<vmem>>, vector<16xf32>,
      %swap3A_153 = vector.shape_cast %swap3A_152 : vector<16xf32> to vector<16xf32>
      %swap3A_154 = vector.shape_cast %broadcast_in_dim3A_1 : vector<16xf32> to vector<16xf32>
      tpu.vector_store %arg5[%swap3A_151], %swap3A_154 {strides = array<i32>} : memref<2048xf32, #tpu.memory_space<vmem>>, vector<16xf32>,
      %scan3A_155 = arith.constant 0 : i32
      %scan3A_156 = arith.constant 4 : i32
      %scan3A_157 = arith.addi %scan3A_120, %scan3A_156 : i32
      %mul3A_158 = arith.constant 16 : i32
      %mul3A_159 = arith.muli %scan3A_157, %mul3A_158 : i32
      %swap3A_160 = arith.index_cast %mul3A_159 : i32 to index
      %swap3A_161 = tpu.vector_load %arg5[%swap3A_160] {strides = array<i32>} : memref<2048xf32, #tpu.memory_space<vmem>>, vector<16xf32>,
      %swap3A_162 = vector.shape_cast %swap3A_161 : vector<16xf32> to vector<16xf32>
      %swap3A_163 = vector.shape_cast %broadcast_in_dim3A_1 : vector<16xf32> to vector<16xf32>
      tpu.vector_store %arg5[%swap3A_160], %swap3A_163 {strides = array<i32>} : memref<2048xf32, #tpu.memory_space<vmem>>, vector<16xf32>,
      %scan3A_164 = arith.constant 0 : i32
      %scan3A_165 = arith.constant 5 : i32
      %scan3A_166 = arith.addi %scan3A_120, %scan3A_165 : i32
      %mul3A_167 = arith.constant 16 : i32
      %mul3A_168 = arith.muli %scan3A_166, %mul3A_167 : i32
      %swap3A_169 = arith.index_cast %mul3A_168 : i32 to index
      %swap3A_170 = tpu.vector_load %arg5[%swap3A_169] {strides = array<i32>} : memref<2048xf32, #tpu.memory_space<vmem>>, vector<16xf32>,
      %swap3A_171 = vector.shape_cast %swap3A_170 : vector<16xf32> to vector<16xf32>
      %swap3A_172 = vector.shape_cast %broadcast_in_dim3A_1 : vector<16xf32> to vector<16xf32>
      tpu.vector_store %arg5[%swap3A_169], %swap3A_172 {strides = array<i32>} : memref<2048xf32, #tpu.memory_space<vmem>>, vector<16xf32>,
      %scan3A_173 = arith.constant 0 : i32
      %scan3A_174 = arith.constant 6 : i32
      %scan3A_175 = arith.addi %scan3A_120, %scan3A_174 : i32
      %mul3A_176 = arith.constant 16 : i32
      %mul3A_177 = arith.muli %scan3A_175, %mul3A_176 : i32
      %swap3A_178 = arith.index_cast %mul3A_177 : i32 to index
      %swap3A_179 = tpu.vector_load %arg5[%swap3A_178] {strides = array<i32>} : memref<2048xf32, #tpu.memory_space<vmem>>, vector<16xf32>,
      %swap3A_180 = vector.shape_cast %swap3A_179 : vector<16xf32> to vector<16xf32>
      %swap3A_181 = vector.shape_cast %broadcast_in_dim3A_1 : vector<16xf32> to vector<16xf32>
      tpu.vector_store %arg5[%swap3A_178], %swap3A_181 {strides = array<i32>} : memref<2048xf32, #tpu.memory_space<vmem>>, vector<16xf32>,
      %scan3A_182 = arith.constant 0 : i32
      %scan3A_183 = arith.constant 7 : i32
      %scan3A_184 = arith.addi %scan3A_120, %scan3A_183 : i32
      %mul3A_185 = arith.constant 16 : i32
      %mul3A_186 = arith.muli %scan3A_184, %mul3A_185 : i32
      %swap3A_187 = arith.index_cast %mul3A_186 : i32 to index
      %swap3A_188 = tpu.vector_load %arg5[%swap3A_187] {strides = array<i32>} : memref<2048xf32, #tpu.memory_space<vmem>>, vector<16xf32>,
      %swap3A_189 = vector.shape_cast %swap3A_188 : vector<16xf32> to vector<16xf32>
      %swap3A_190 = vector.shape_cast %broadcast_in_dim3A_1 : vector<16xf32> to vector<16xf32>
      tpu.vector_store %arg5[%swap3A_187], %swap3A_190 {strides = array<i32>} : memref<2048xf32, #tpu.memory_space<vmem>>, vector<16xf32>,
      %scan3A_191 = arith.constant 0 : i32
      scf.yield %scan3A_191 : i32
    }
    %scan3A_33 = arith.constant 128 : i32
    %add3A_34 = arith.constant 0 : i32
    %add3A_35 = arith.addi %arg1, %add3A_34 : i32
    %lt3A = arith.constant 26 : i32
    %lt3A_36 = arith.cmpi slt, %add3A_35, %lt3A : i32
    %convert_element_type3A = arith.extui %lt3A_36 : i1 to i32
    %cond3A = arith.constant 0 : i32
    %cond3A_37 = arith.cmpi ne, %convert_element_type3A, %cond3A : i32
    scf.if %cond3A_37 {
      %mul3A_120 = arith.constant 4000 : i32
      %mul3A_121 = arith.muli %add3A_35, %mul3A_120 : i32
      "tpu.region"() ({
        %run_scoped3A = tpu.sem_alloc : memref<!tpu.dma_semaphore, #tpu.memory_space<semaphore_mem>>
        %dma_start3A_122 = tpu.memref_slice %arg10[%mul3A_121] : memref<104000xf32, #tpu.memory_space<vmem_shared>> -> memref<4000xf32, #tpu.memory_space<vmem_shared>>
        %dma_start3A_123 = tpu.memref_slice %arg10[%mul3A_121] : memref<104000xf32, #tpu.memory_space<vmem_shared>> -> memref<4000xf32, #tpu.memory_space<vmem_shared>>
        tpu.enqueue_dma source(%arg4 : memref<4000xf32, #tpu.memory_space<vmem>>) target(%dma_start3A_123 : memref<4000xf32, #tpu.memory_space<vmem_shared>>) target_semaphore(%run_scoped3A : memref<!tpu.dma_semaphore, #tpu.memory_space<semaphore_mem>>)
        %dma_wait3A_124 = tpu.memref_slice %arg10[%mul3A_121] : memref<104000xf32, #tpu.memory_space<vmem_shared>> -> memref<4000xf32, #tpu.memory_space<vmem_shared>>
        %dma_wait3A_125 = tpu.memref_slice %arg10[%mul3A_121] : memref<104000xf32, #tpu.memory_space<vmem_shared>> -> memref<4000xf32, #tpu.memory_space<vmem_shared>>
        tpu.wait_dma2 semaphore(%run_scoped3A : memref<!tpu.dma_semaphore, #tpu.memory_space<semaphore_mem>>) src(%arg4 : memref<4000xf32, #tpu.memory_space<vmem>>) dst(%dma_wait3A_125 : memref<4000xf32, #tpu.memory_space<vmem_shared>>)
        tpu.yield
      }) : () -> ()
    } else {
    }
    %add3A_38 = arith.constant 16 : i32
    %add3A_39 = arith.addi %arg1, %add3A_38 : i32
    %lt3A_40 = arith.constant 26 : i32
    %lt3A_41 = arith.cmpi slt, %add3A_39, %lt3A_40 : i32
    %convert_element_type3A_42 = arith.extui %lt3A_41 : i1 to i32
    %cond3A_43 = arith.constant 0 : i32
    %cond3A_44 = arith.cmpi ne, %convert_element_type3A_42, %cond3A_43 : i32
    scf.if %cond3A_44 {
      %mul3A_120 = arith.constant 4000 : i32
      %mul3A_121 = arith.muli %add3A_39, %mul3A_120 : i32
      "tpu.region"() ({
        %run_scoped3A = tpu.sem_alloc : memref<!tpu.dma_semaphore, #tpu.memory_space<semaphore_mem>>
        %dma_start3A_122 = tpu.memref_slice %arg10[%mul3A_121] : memref<104000xf32, #tpu.memory_space<vmem_shared>> -> memref<4000xf32, #tpu.memory_space<vmem_shared>>
        %dma_start3A_123 = tpu.memref_slice %arg10[%mul3A_121] : memref<104000xf32, #tpu.memory_space<vmem_shared>> -> memref<4000xf32, #tpu.memory_space<vmem_shared>>
        tpu.enqueue_dma source(%arg4 : memref<4000xf32, #tpu.memory_space<vmem>>) target(%dma_start3A_123 : memref<4000xf32, #tpu.memory_space<vmem_shared>>) target_semaphore(%run_scoped3A : memref<!tpu.dma_semaphore, #tpu.memory_space<semaphore_mem>>)
        %dma_wait3A_124 = tpu.memref_slice %arg10[%mul3A_121] : memref<104000xf32, #tpu.memory_space<vmem_shared>> -> memref<4000xf32, #tpu.memory_space<vmem_shared>>
        %dma_wait3A_125 = tpu.memref_slice %arg10[%mul3A_121] : memref<104000xf32, #tpu.memory_space<vmem_shared>> -> memref<4000xf32, #tpu.memory_space<vmem_shared>>
        tpu.wait_dma2 semaphore(%run_scoped3A : memref<!tpu.dma_semaphore, #tpu.memory_space<semaphore_mem>>) src(%arg4 : memref<4000xf32, #tpu.memory_space<vmem>>) dst(%dma_wait3A_125 : memref<4000xf32, #tpu.memory_space<vmem_shared>>)
        tpu.yield
      }) : () -> ()
    } else {
    }
    %barrier3A = arith.constant 0 : index
    tpu.barrier barrier_id(%barrier3A)
    %add3A_45 = arith.constant 0 : i32
    %add3A_46 = arith.addi %add3A, %add3A_45 : i32
    %min3A = arith.constant 3124 : i32
    %min3A_47 = arith.minsi %add3A_46, %min3A : i32
    %mul3A_48 = arith.constant 2048 : i32
    %mul3A_49 = arith.muli %min3A_47, %mul3A_48 : i32
    %add3A_50 = arith.constant 6400000 : i32
    %add3A_51 = arith.addi %add3A_50, %mul3A_49 : i32
    %dma_start3A = tpu.memref_slice %arg2[%add3A_51] : memref<12800000xi32, #tpu.memory_space<hbm>> -> memref<2048xi32, #tpu.memory_space<hbm>>
    %dma_start3A_52 = tpu.memref_slice %arg2[%add3A_51] : memref<12800000xi32, #tpu.memory_space<hbm>> -> memref<2048xi32, #tpu.memory_space<hbm>>
    tpu.enqueue_dma source(%dma_start3A_52 : memref<2048xi32, #tpu.memory_space<hbm>>) target(%arg6 : memref<2048xi32, #tpu.memory_space<vmem>>) target_semaphore(%arg11 : memref<!tpu.dma_semaphore, #tpu.memory_space<semaphore_mem>>)
    %add3A_53 = arith.constant 32 : i32
    %add3A_54 = arith.addi %add3A, %add3A_53 : i32
    %min3A_55 = arith.constant 3124 : i32
    %min3A_56 = arith.minsi %add3A_54, %min3A_55 : i32
    %mul3A_57 = arith.constant 2048 : i32
    %mul3A_58 = arith.muli %min3A_56, %mul3A_57 : i32
    %add3A_59 = arith.constant 6400000 : i32
    %add3A_60 = arith.addi %add3A_59, %mul3A_58 : i32
    %dma_start3A_61 = tpu.memref_slice %arg2[%add3A_60] : memref<12800000xi32, #tpu.memory_space<hbm>> -> memref<2048xi32, #tpu.memory_space<hbm>>
    %dma_start3A_62 = tpu.memref_slice %arg2[%add3A_60] : memref<12800000xi32, #tpu.memory_space<hbm>> -> memref<2048xi32, #tpu.memory_space<hbm>>
    tpu.enqueue_dma source(%dma_start3A_62 : memref<2048xi32, #tpu.memory_space<hbm>>) target(%arg7 : memref<2048xi32, #tpu.memory_space<vmem>>) target_semaphore(%arg12 : memref<!tpu.dma_semaphore, #tpu.memory_space<semaphore_mem>>)
    %add3A_63 = arith.constant 64 : i32
    %add3A_64 = arith.addi %add3A, %add3A_63 : i32
    %min3A_65 = arith.constant 3124 : i32
    %min3A_66 = arith.minsi %add3A_64, %min3A_65 : i32
    %mul3A_67 = arith.constant 2048 : i32
    %mul3A_68 = arith.muli %min3A_66, %mul3A_67 : i32
    %add3A_69 = arith.constant 6400000 : i32
    %add3A_70 = arith.addi %add3A_69, %mul3A_68 : i32
    %dma_start3A_71 = tpu.memref_slice %arg2[%add3A_70] : memref<12800000xi32, #tpu.memory_space<hbm>> -> memref<2048xi32, #tpu.memory_space<hbm>>
    %dma_start3A_72 = tpu.memref_slice %arg2[%add3A_70] : memref<12800000xi32, #tpu.memory_space<hbm>> -> memref<2048xi32, #tpu.memory_space<hbm>>
    tpu.enqueue_dma source(%dma_start3A_72 : memref<2048xi32, #tpu.memory_space<hbm>>) target(%arg8 : memref<2048xi32, #tpu.memory_space<vmem>>) target_semaphore(%arg13 : memref<!tpu.dma_semaphore, #tpu.memory_space<semaphore_mem>>)
    %add3A_73 = arith.constant 96 : i32
    %add3A_74 = arith.addi %add3A, %add3A_73 : i32
    %min3A_75 = arith.constant 3124 : i32
    %min3A_76 = arith.minsi %add3A_74, %min3A_75 : i32
    %mul3A_77 = arith.constant 2048 : i32
    %mul3A_78 = arith.muli %min3A_76, %mul3A_77 : i32
    %add3A_79 = arith.constant 6400000 : i32
    %add3A_80 = arith.addi %add3A_79, %mul3A_78 : i32
    %dma_start3A_81 = tpu.memref_slice %arg2[%add3A_80] : memref<12800000xi32, #tpu.memory_space<hbm>> -> memref<2048xi32, #tpu.memory_space<hbm>>
    %dma_start3A_82 = tpu.memref_slice %arg2[%add3A_80] : memref<12800000xi32, #tpu.memory_space<hbm>> -> memref<2048xi32, #tpu.memory_space<hbm>>
    tpu.enqueue_dma source(%dma_start3A_82 : memref<2048xi32, #tpu.memory_space<hbm>>) target(%arg9 : memref<2048xi32, #tpu.memory_space<vmem>>) target_semaphore(%arg14 : memref<!tpu.dma_semaphore, #tpu.memory_space<semaphore_mem>>)
    %scan3A_83 = arith.constant 0 : i32
    %scan3A_84 = arith.constant 0 : i32
    %scan3A_85 = arith.constant 25 : i32
    %scan3A_86 = arith.addi %scan3A_84, %scan3A_85 : i32
    %scan3A_87 = arith.constant 1 : i32
    %scan3A_88 = scf.for %scan3A_120 = %scan3A_84 to %scan3A_86 step %scan3A_87 iter_args(%scan3A_121 = %scan3A_83) -> (i32)  : i32 {
      %mul3A_122 = arith.constant 4 : i32
      %mul3A_123 = arith.muli %mul3A_122, %scan3A_120 : i32
      %add3A_124 = arith.constant 0 : i32
      %add3A_125 = arith.addi %mul3A_123, %add3A_124 : i32
      %mul3A_126 = arith.constant 32 : i32
      %mul3A_127 = arith.muli %mul3A_126, %add3A_125 : i32
      %add3A_128 = arith.addi %add3A, %mul3A_127 : i32
      %dma_wait3A_129 = arith.constant 0 : i32
      %dma_wait3A_130 = tpu.memref_slice %arg2[%dma_wait3A_129] : memref<12800000xi32, #tpu.memory_space<hbm>> -> memref<2048xi32, #tpu.memory_space<hbm>>
      %dma_wait3A_131 = arith.constant 0 : i32
      %dma_wait3A_132 = tpu.memref_slice %arg2[%dma_wait3A_131] : memref<12800000xi32, #tpu.memory_space<hbm>> -> memref<2048xi32, #tpu.memory_space<hbm>>
      tpu.wait_dma2 semaphore(%arg11 : memref<!tpu.dma_semaphore, #tpu.memory_space<semaphore_mem>>) src(%dma_wait3A_132 : memref<2048xi32, #tpu.memory_space<hbm>>) dst(%arg6 : memref<2048xi32, #tpu.memory_space<vmem>>)
      %lt3A_133 = arith.constant 3125 : i32
      %lt3A_134 = arith.cmpi slt, %add3A_128, %lt3A_133 : i32
      %convert_element_type3A_135 = arith.extui %lt3A_134 : i1 to i32
      %cond3A_136 = arith.constant 0 : i32
      %cond3A_137 = arith.cmpi ne, %convert_element_type3A_135, %cond3A_136 : i32
      scf.if %cond3A_137 {
        %dma_start3A_275 = arith.constant 0 : i32
        %dma_start3A_276 = tpu.memref_slice %arg10[%dma_start3A_275] : memref<104000xf32, #tpu.memory_space<vmem_shared>> -> memref<104000xf32, #tpu.memory_space<vmem_shared>>
        tpu.enqueue_indirect_dma source(%arg5 : memref<2048xf32, #tpu.memory_space<vmem>>) target(%dma_start3A_276 : memref<104000xf32, #tpu.memory_space<vmem_shared>>) offsets(%arg6 : memref<2048xi32, #tpu.memory_space<vmem>>) semaphore(%arg15 : memref<!tpu.dma_semaphore, #tpu.memory_space<semaphore_mem>>) {add = true}
      } else {
      }
      %mul3A_138 = arith.constant 4 : i32
      %mul3A_139 = arith.muli %mul3A_138, %scan3A_120 : i32
      %add3A_140 = arith.constant 1 : i32
      %add3A_141 = arith.addi %mul3A_139, %add3A_140 : i32
      %mul3A_142 = arith.constant 32 : i32
      %mul3A_143 = arith.muli %mul3A_142, %add3A_141 : i32
      %add3A_144 = arith.addi %add3A, %mul3A_143 : i32
      %dma_wait3A_145 = arith.constant 0 : i32
      %dma_wait3A_146 = tpu.memref_slice %arg2[%dma_wait3A_145] : memref<12800000xi32, #tpu.memory_space<hbm>> -> memref<2048xi32, #tpu.memory_space<hbm>>
      %dma_wait3A_147 = arith.constant 0 : i32
      %dma_wait3A_148 = tpu.memref_slice %arg2[%dma_wait3A_147] : memref<12800000xi32, #tpu.memory_space<hbm>> -> memref<2048xi32, #tpu.memory_space<hbm>>
      tpu.wait_dma2 semaphore(%arg12 : memref<!tpu.dma_semaphore, #tpu.memory_space<semaphore_mem>>) src(%dma_wait3A_148 : memref<2048xi32, #tpu.memory_space<hbm>>) dst(%arg7 : memref<2048xi32, #tpu.memory_space<vmem>>)
      %lt3A_149 = arith.constant 3125 : i32
      %lt3A_150 = arith.cmpi slt, %add3A_144, %lt3A_149 : i32
      %convert_element_type3A_151 = arith.extui %lt3A_150 : i1 to i32
      %cond3A_152 = arith.constant 0 : i32
      %cond3A_153 = arith.cmpi ne, %convert_element_type3A_151, %cond3A_152 : i32
      scf.if %cond3A_153 {
        %dma_start3A_275 = arith.constant 0 : i32
        %dma_start3A_276 = tpu.memref_slice %arg10[%dma_start3A_275] : memref<104000xf32, #tpu.memory_space<vmem_shared>> -> memref<104000xf32, #tpu.memory_space<vmem_shared>>
        tpu.enqueue_indirect_dma source(%arg5 : memref<2048xf32, #tpu.memory_space<vmem>>) target(%dma_start3A_276 : memref<104000xf32, #tpu.memory_space<vmem_shared>>) offsets(%arg7 : memref<2048xi32, #tpu.memory_space<vmem>>) semaphore(%arg16 : memref<!tpu.dma_semaphore, #tpu.memory_space<semaphore_mem>>) {add = true}
      } else {
      }
      %mul3A_154 = arith.constant 4 : i32
      %mul3A_155 = arith.muli %mul3A_154, %scan3A_120 : i32
      %add3A_156 = arith.constant 2 : i32
      %add3A_157 = arith.addi %mul3A_155, %add3A_156 : i32
      %mul3A_158 = arith.constant 32 : i32
      %mul3A_159 = arith.muli %mul3A_158, %add3A_157 : i32
      %add3A_160 = arith.addi %add3A, %mul3A_159 : i32
      %dma_wait3A_161 = arith.constant 0 : i32
      %dma_wait3A_162 = tpu.memref_slice %arg2[%dma_wait3A_161] : memref<12800000xi32, #tpu.memory_space<hbm>> -> memref<2048xi32, #tpu.memory_space<hbm>>
      %dma_wait3A_163 = arith.constant 0 : i32
      %dma_wait3A_164 = tpu.memref_slice %arg2[%dma_wait3A_163] : memref<12800000xi32, #tpu.memory_space<hbm>> -> memref<2048xi32, #tpu.memory_space<hbm>>
      tpu.wait_dma2 semaphore(%arg13 : memref<!tpu.dma_semaphore, #tpu.memory_space<semaphore_mem>>) src(%dma_wait3A_164 : memref<2048xi32, #tpu.memory_space<hbm>>) dst(%arg8 : memref<2048xi32, #tpu.memory_space<vmem>>)
      %lt3A_165 = arith.constant 3125 : i32
      %lt3A_166 = arith.cmpi slt, %add3A_160, %lt3A_165 : i32
      %convert_element_type3A_167 = arith.extui %lt3A_166 : i1 to i32
      %cond3A_168 = arith.constant 0 : i32
      %cond3A_169 = arith.cmpi ne, %convert_element_type3A_167, %cond3A_168 : i32
      scf.if %cond3A_169 {
        %dma_start3A_275 = arith.constant 0 : i32
        %dma_start3A_276 = tpu.memref_slice %arg10[%dma_start3A_275] : memref<104000xf32, #tpu.memory_space<vmem_shared>> -> memref<104000xf32, #tpu.memory_space<vmem_shared>>
        tpu.enqueue_indirect_dma source(%arg5 : memref<2048xf32, #tpu.memory_space<vmem>>) target(%dma_start3A_276 : memref<104000xf32, #tpu.memory_space<vmem_shared>>) offsets(%arg8 : memref<2048xi32, #tpu.memory_space<vmem>>) semaphore(%arg17 : memref<!tpu.dma_semaphore, #tpu.memory_space<semaphore_mem>>) {add = true}
      } else {
      }
      %mul3A_170 = arith.constant 4 : i32
      %mul3A_171 = arith.muli %mul3A_170, %scan3A_120 : i32
      %add3A_172 = arith.constant 3 : i32
      %add3A_173 = arith.addi %mul3A_171, %add3A_172 : i32
      %mul3A_174 = arith.constant 32 : i32
      %mul3A_175 = arith.muli %mul3A_174, %add3A_173 : i32
      %add3A_176 = arith.addi %add3A, %mul3A_175 : i32
      %dma_wait3A_177 = arith.constant 0 : i32
      %dma_wait3A_178 = tpu.memref_slice %arg2[%dma_wait3A_177] : memref<12800000xi32, #tpu.memory_space<hbm>> -> memref<2048xi32, #tpu.memory_space<hbm>>
      %dma_wait3A_179 = arith.constant 0 : i32
      %dma_wait3A_180 = tpu.memref_slice %arg2[%dma_wait3A_179] : memref<12800000xi32, #tpu.memory_space<hbm>> -> memref<2048xi32, #tpu.memory_space<hbm>>
      tpu.wait_dma2 semaphore(%arg14 : memref<!tpu.dma_semaphore, #tpu.memory_space<semaphore_mem>>) src(%dma_wait3A_180 : memref<2048xi32, #tpu.memory_space<hbm>>) dst(%arg9 : memref<2048xi32, #tpu.memory_space<vmem>>)
      %lt3A_181 = arith.constant 3125 : i32
      %lt3A_182 = arith.cmpi slt, %add3A_176, %lt3A_181 : i32
      %convert_element_type3A_183 = arith.extui %lt3A_182 : i1 to i32
      %cond3A_184 = arith.constant 0 : i32
      %cond3A_185 = arith.cmpi ne, %convert_element_type3A_183, %cond3A_184 : i32
      scf.if %cond3A_185 {
        %dma_start3A_275 = arith.constant 0 : i32
        %dma_start3A_276 = tpu.memref_slice %arg10[%dma_start3A_275] : memref<104000xf32, #tpu.memory_space<vmem_shared>> -> memref<104000xf32, #tpu.memory_space<vmem_shared>>
        tpu.enqueue_indirect_dma source(%arg5 : memref<2048xf32, #tpu.memory_space<vmem>>) target(%dma_start3A_276 : memref<104000xf32, #tpu.memory_space<vmem_shared>>) offsets(%arg9 : memref<2048xi32, #tpu.memory_space<vmem>>) semaphore(%arg18 : memref<!tpu.dma_semaphore, #tpu.memory_space<semaphore_mem>>) {add = true}
      } else {
      }
      %mul3A_186 = arith.constant 4 : i32
      %mul3A_187 = arith.muli %mul3A_186, %scan3A_120 : i32
      %add3A_188 = arith.constant 0 : i32
      %add3A_189 = arith.addi %mul3A_187, %add3A_188 : i32
      %mul3A_190 = arith.constant 32 : i32
      %mul3A_191 = arith.muli %mul3A_190, %add3A_189 : i32
      %add3A_192 = arith.addi %add3A, %mul3A_191 : i32
      %lt3A_193 = arith.constant 3125 : i32
      %lt3A_194 = arith.cmpi slt, %add3A_192, %lt3A_193 : i32
      %convert_element_type3A_195 = arith.extui %lt3A_194 : i1 to i32
      %cond3A_196 = arith.constant 0 : i32
      %cond3A_197 = arith.cmpi ne, %convert_element_type3A_195, %cond3A_196 : i32
      scf.if %cond3A_197 {
        %dma_wait3A_275 = arith.constant 0 : i32
        %dma_wait3A_276 = tpu.memref_slice %arg10[%dma_wait3A_275] : memref<104000xf32, #tpu.memory_space<vmem_shared>> -> memref<104000xf32, #tpu.memory_space<vmem_shared>>
        tpu.wait_indirect_dma semaphore(%arg15 : memref<!tpu.dma_semaphore, #tpu.memory_space<semaphore_mem>>) src(%arg5 : memref<2048xf32, #tpu.memory_space<vmem>>) dst(%dma_wait3A_276 : memref<104000xf32, #tpu.memory_space<vmem_shared>>)
      } else {
      }
      %add3A_198 = arith.constant 128 : i32
      %add3A_199 = arith.addi %add3A_192, %add3A_198 : i32
      %min3A_200 = arith.constant 3124 : i32
      %min3A_201 = arith.minsi %add3A_199, %min3A_200 : i32
      %mul3A_202 = arith.constant 2048 : i32
      %mul3A_203 = arith.muli %min3A_201, %mul3A_202 : i32
      %add3A_204 = arith.constant 6400000 : i32
      %add3A_205 = arith.addi %add3A_204, %mul3A_203 : i32
      %dma_start3A_206 = tpu.memref_slice %arg2[%add3A_205] : memref<12800000xi32, #tpu.memory_space<hbm>> -> memref<2048xi32, #tpu.memory_space<hbm>>
      %dma_start3A_207 = tpu.memref_slice %arg2[%add3A_205] : memref<12800000xi32, #tpu.memory_space<hbm>> -> memref<2048xi32, #tpu.memory_space<hbm>>
      tpu.enqueue_dma source(%dma_start3A_207 : memref<2048xi32, #tpu.memory_space<hbm>>) target(%arg6 : memref<2048xi32, #tpu.memory_space<vmem>>) target_semaphore(%arg11 : memref<!tpu.dma_semaphore, #tpu.memory_space<semaphore_mem>>)
      %mul3A_208 = arith.constant 4 : i32
      %mul3A_209 = arith.muli %mul3A_208, %scan3A_120 : i32
      %add3A_210 = arith.constant 1 : i32
      %add3A_211 = arith.addi %mul3A_209, %add3A_210 : i32
      %mul3A_212 = arith.constant 32 : i32
      %mul3A_213 = arith.muli %mul3A_212, %add3A_211 : i32
      %add3A_214 = arith.addi %add3A, %mul3A_213 : i32
      %lt3A_215 = arith.constant 3125 : i32
      %lt3A_216 = arith.cmpi slt, %add3A_214, %lt3A_215 : i32
      %convert_element_type3A_217 = arith.extui %lt3A_216 : i1 to i32
      %cond3A_218 = arith.constant 0 : i32
      %cond3A_219 = arith.cmpi ne, %convert_element_type3A_217, %cond3A_218 : i32
      scf.if %cond3A_219 {
        %dma_wait3A_275 = arith.constant 0 : i32
        %dma_wait3A_276 = tpu.memref_slice %arg10[%dma_wait3A_275] : memref<104000xf32, #tpu.memory_space<vmem_shared>> -> memref<104000xf32, #tpu.memory_space<vmem_shared>>
        tpu.wait_indirect_dma semaphore(%arg16 : memref<!tpu.dma_semaphore, #tpu.memory_space<semaphore_mem>>) src(%arg5 : memref<2048xf32, #tpu.memory_space<vmem>>) dst(%dma_wait3A_276 : memref<104000xf32, #tpu.memory_space<vmem_shared>>)
      } else {
      }
      %add3A_220 = arith.constant 128 : i32
      %add3A_221 = arith.addi %add3A_214, %add3A_220 : i32
      %min3A_222 = arith.constant 3124 : i32
      %min3A_223 = arith.minsi %add3A_221, %min3A_222 : i32
      %mul3A_224 = arith.constant 2048 : i32
      %mul3A_225 = arith.muli %min3A_223, %mul3A_224 : i32
      %add3A_226 = arith.constant 6400000 : i32
      %add3A_227 = arith.addi %add3A_226, %mul3A_225 : i32
      %dma_start3A_228 = tpu.memref_slice %arg2[%add3A_227] : memref<12800000xi32, #tpu.memory_space<hbm>> -> memref<2048xi32, #tpu.memory_space<hbm>>
      %dma_start3A_229 = tpu.memref_slice %arg2[%add3A_227] : memref<12800000xi32, #tpu.memory_space<hbm>> -> memref<2048xi32, #tpu.memory_space<hbm>>
      tpu.enqueue_dma source(%dma_start3A_229 : memref<2048xi32, #tpu.memory_space<hbm>>) target(%arg7 : memref<2048xi32, #tpu.memory_space<vmem>>) target_semaphore(%arg12 : memref<!tpu.dma_semaphore, #tpu.memory_space<semaphore_mem>>)
      %mul3A_230 = arith.constant 4 : i32
      %mul3A_231 = arith.muli %mul3A_230, %scan3A_120 : i32
      %add3A_232 = arith.constant 2 : i32
      %add3A_233 = arith.addi %mul3A_231, %add3A_232 : i32
      %mul3A_234 = arith.constant 32 : i32
      %mul3A_235 = arith.muli %mul3A_234, %add3A_233 : i32
      %add3A_236 = arith.addi %add3A, %mul3A_235 : i32
      %lt3A_237 = arith.constant 3125 : i32
      %lt3A_238 = arith.cmpi slt, %add3A_236, %lt3A_237 : i32
      %convert_element_type3A_239 = arith.extui %lt3A_238 : i1 to i32
      %cond3A_240 = arith.constant 0 : i32
      %cond3A_241 = arith.cmpi ne, %convert_element_type3A_239, %cond3A_240 : i32
      scf.if %cond3A_241 {
        %dma_wait3A_275 = arith.constant 0 : i32
        %dma_wait3A_276 = tpu.memref_slice %arg10[%dma_wait3A_275] : memref<104000xf32, #tpu.memory_space<vmem_shared>> -> memref<104000xf32, #tpu.memory_space<vmem_shared>>
        tpu.wait_indirect_dma semaphore(%arg17 : memref<!tpu.dma_semaphore, #tpu.memory_space<semaphore_mem>>) src(%arg5 : memref<2048xf32, #tpu.memory_space<vmem>>) dst(%dma_wait3A_276 : memref<104000xf32, #tpu.memory_space<vmem_shared>>)
      } else {
      }
      %add3A_242 = arith.constant 128 : i32
      %add3A_243 = arith.addi %add3A_236, %add3A_242 : i32
      %min3A_244 = arith.constant 3124 : i32
      %min3A_245 = arith.minsi %add3A_243, %min3A_244 : i32
      %mul3A_246 = arith.constant 2048 : i32
      %mul3A_247 = arith.muli %min3A_245, %mul3A_246 : i32
      %add3A_248 = arith.constant 6400000 : i32
      %add3A_249 = arith.addi %add3A_248, %mul3A_247 : i32
      %dma_start3A_250 = tpu.memref_slice %arg2[%add3A_249] : memref<12800000xi32, #tpu.memory_space<hbm>> -> memref<2048xi32, #tpu.memory_space<hbm>>
      %dma_start3A_251 = tpu.memref_slice %arg2[%add3A_249] : memref<12800000xi32, #tpu.memory_space<hbm>> -> memref<2048xi32, #tpu.memory_space<hbm>>
      tpu.enqueue_dma source(%dma_start3A_251 : memref<2048xi32, #tpu.memory_space<hbm>>) target(%arg8 : memref<2048xi32, #tpu.memory_space<vmem>>) target_semaphore(%arg13 : memref<!tpu.dma_semaphore, #tpu.memory_space<semaphore_mem>>)
      %mul3A_252 = arith.constant 4 : i32
      %mul3A_253 = arith.muli %mul3A_252, %scan3A_120 : i32
      %add3A_254 = arith.constant 3 : i32
      %add3A_255 = arith.addi %mul3A_253, %add3A_254 : i32
      %mul3A_256 = arith.constant 32 : i32
      %mul3A_257 = arith.muli %mul3A_256, %add3A_255 : i32
      %add3A_258 = arith.addi %add3A, %mul3A_257 : i32
      %lt3A_259 = arith.constant 3125 : i32
      %lt3A_260 = arith.cmpi slt, %add3A_258, %lt3A_259 : i32
      %convert_element_type3A_261 = arith.extui %lt3A_260 : i1 to i32
      %cond3A_262 = arith.constant 0 : i32
      %cond3A_263 = arith.cmpi ne, %convert_element_type3A_261, %cond3A_262 : i32
      scf.if %cond3A_263 {
        %dma_wait3A_275 = arith.constant 0 : i32
        %dma_wait3A_276 = tpu.memref_slice %arg10[%dma_wait3A_275] : memref<104000xf32, #tpu.memory_space<vmem_shared>> -> memref<104000xf32, #tpu.memory_space<vmem_shared>>
        tpu.wait_indirect_dma semaphore(%arg18 : memref<!tpu.dma_semaphore, #tpu.memory_space<semaphore_mem>>) src(%arg5 : memref<2048xf32, #tpu.memory_space<vmem>>) dst(%dma_wait3A_276 : memref<104000xf32, #tpu.memory_space<vmem_shared>>)
      } else {
      }
      %add3A_264 = arith.constant 128 : i32
      %add3A_265 = arith.addi %add3A_258, %add3A_264 : i32
      %min3A_266 = arith.constant 3124 : i32
      %min3A_267 = arith.minsi %add3A_265, %min3A_266 : i32
      %mul3A_268 = arith.constant 2048 : i32
      %mul3A_269 = arith.muli %min3A_267, %mul3A_268 : i32
      %add3A_270 = arith.constant 6400000 : i32
      %add3A_271 = arith.addi %add3A_270, %mul3A_269 : i32
      %dma_start3A_272 = tpu.memref_slice %arg2[%add3A_271] : memref<12800000xi32, #tpu.memory_space<hbm>> -> memref<2048xi32, #tpu.memory_space<hbm>>
      %dma_start3A_273 = tpu.memref_slice %arg2[%add3A_271] : memref<12800000xi32, #tpu.memory_space<hbm>> -> memref<2048xi32, #tpu.memory_space<hbm>>
      tpu.enqueue_dma source(%dma_start3A_273 : memref<2048xi32, #tpu.memory_space<hbm>>) target(%arg9 : memref<2048xi32, #tpu.memory_space<vmem>>) target_semaphore(%arg14 : memref<!tpu.dma_semaphore, #tpu.memory_space<semaphore_mem>>)
      %scan3A_274 = arith.constant 0 : i32
      scf.yield %scan3A_274 : i32
    }
    %scan3A_89 = arith.constant 25 : i32
    %dma_wait3A = arith.constant 0 : i32
    %dma_wait3A_90 = tpu.memref_slice %arg2[%dma_wait3A] : memref<12800000xi32, #tpu.memory_space<hbm>> -> memref<2048xi32, #tpu.memory_space<hbm>>
    %dma_wait3A_91 = arith.constant 0 : i32
    %dma_wait3A_92 = tpu.memref_slice %arg2[%dma_wait3A_91] : memref<12800000xi32, #tpu.memory_space<hbm>> -> memref<2048xi32, #tpu.memory_space<hbm>>
    tpu.wait_dma2 semaphore(%arg11 : memref<!tpu.dma_semaphore, #tpu.memory_space<semaphore_mem>>) src(%dma_wait3A_92 : memref<2048xi32, #tpu.memory_space<hbm>>) dst(%arg6 : memref<2048xi32, #tpu.memory_space<vmem>>)
    %dma_wait3A_93 = arith.constant 0 : i32
    %dma_wait3A_94 = tpu.memref_slice %arg2[%dma_wait3A_93] : memref<12800000xi32, #tpu.memory_space<hbm>> -> memref<2048xi32, #tpu.memory_space<hbm>>
    %dma_wait3A_95 = arith.constant 0 : i32
    %dma_wait3A_96 = tpu.memref_slice %arg2[%dma_wait3A_95] : memref<12800000xi32, #tpu.memory_space<hbm>> -> memref<2048xi32, #tpu.memory_space<hbm>>
    tpu.wait_dma2 semaphore(%arg12 : memref<!tpu.dma_semaphore, #tpu.memory_space<semaphore_mem>>) src(%dma_wait3A_96 : memref<2048xi32, #tpu.memory_space<hbm>>) dst(%arg7 : memref<2048xi32, #tpu.memory_space<vmem>>)
    %dma_wait3A_97 = arith.constant 0 : i32
    %dma_wait3A_98 = tpu.memref_slice %arg2[%dma_wait3A_97] : memref<12800000xi32, #tpu.memory_space<hbm>> -> memref<2048xi32, #tpu.memory_space<hbm>>
    %dma_wait3A_99 = arith.constant 0 : i32
    %dma_wait3A_100 = tpu.memref_slice %arg2[%dma_wait3A_99] : memref<12800000xi32, #tpu.memory_space<hbm>> -> memref<2048xi32, #tpu.memory_space<hbm>>
    tpu.wait_dma2 semaphore(%arg13 : memref<!tpu.dma_semaphore, #tpu.memory_space<semaphore_mem>>) src(%dma_wait3A_100 : memref<2048xi32, #tpu.memory_space<hbm>>) dst(%arg8 : memref<2048xi32, #tpu.memory_space<vmem>>)
    %dma_wait3A_101 = arith.constant 0 : i32
    %dma_wait3A_102 = tpu.memref_slice %arg2[%dma_wait3A_101] : memref<12800000xi32, #tpu.memory_space<hbm>> -> memref<2048xi32, #tpu.memory_space<hbm>>
    %dma_wait3A_103 = arith.constant 0 : i32
    %dma_wait3A_104 = tpu.memref_slice %arg2[%dma_wait3A_103] : memref<12800000xi32, #tpu.memory_space<hbm>> -> memref<2048xi32, #tpu.memory_space<hbm>>
    tpu.wait_dma2 semaphore(%arg14 : memref<!tpu.dma_semaphore, #tpu.memory_space<semaphore_mem>>) src(%dma_wait3A_104 : memref<2048xi32, #tpu.memory_space<hbm>>) dst(%arg9 : memref<2048xi32, #tpu.memory_space<vmem>>)
    %barrier3A_105 = arith.constant 0 : index
    tpu.barrier barrier_id(%barrier3A_105)
    %add3A_106 = arith.constant 0 : i32
    %add3A_107 = arith.addi %arg1, %add3A_106 : i32
    %lt3A_108 = arith.constant 26 : i32
    %lt3A_109 = arith.cmpi slt, %add3A_107, %lt3A_108 : i32
    %convert_element_type3A_110 = arith.extui %lt3A_109 : i1 to i32
    %cond3A_111 = arith.constant 0 : i32
    %cond3A_112 = arith.cmpi ne, %convert_element_type3A_110, %cond3A_111 : i32
    scf.if %cond3A_112 {
      %mul3A_120 = arith.constant 4000 : i32
      %mul3A_121 = arith.muli %add3A_107, %mul3A_120 : i32
      "tpu.region"() ({
        %run_scoped3A = tpu.sem_alloc : memref<!tpu.dma_semaphore, #tpu.memory_space<semaphore_mem>>
        %dma_start3A_127 = tpu.memref_slice %arg10[%mul3A_121] : memref<104000xf32, #tpu.memory_space<vmem_shared>> -> memref<4000xf32, #tpu.memory_space<vmem_shared>>
        %dma_start3A_128 = tpu.memref_slice %arg10[%mul3A_121] : memref<104000xf32, #tpu.memory_space<vmem_shared>> -> memref<4000xf32, #tpu.memory_space<vmem_shared>>
        tpu.enqueue_dma source(%dma_start3A_128 : memref<4000xf32, #tpu.memory_space<vmem_shared>>) target(%arg4 : memref<4000xf32, #tpu.memory_space<vmem>>) target_semaphore(%run_scoped3A : memref<!tpu.dma_semaphore, #tpu.memory_space<semaphore_mem>>)
        %dma_wait3A_129 = tpu.memref_slice %arg10[%mul3A_121] : memref<104000xf32, #tpu.memory_space<vmem_shared>> -> memref<4000xf32, #tpu.memory_space<vmem_shared>>
        %dma_wait3A_130 = tpu.memref_slice %arg10[%mul3A_121] : memref<104000xf32, #tpu.memory_space<vmem_shared>> -> memref<4000xf32, #tpu.memory_space<vmem_shared>>
        tpu.wait_dma2 semaphore(%run_scoped3A : memref<!tpu.dma_semaphore, #tpu.memory_space<semaphore_mem>>) src(%dma_wait3A_130 : memref<4000xf32, #tpu.memory_space<vmem_shared>>) dst(%arg4 : memref<4000xf32, #tpu.memory_space<vmem>>)
        tpu.yield
      }) : () -> ()
      %mul3A_122 = arith.constant 104000 : i32
      %mul3A_123 = arith.muli %arg0, %mul3A_122 : i32
      %mul3A_124 = arith.constant 4000 : i32
      %mul3A_125 = arith.muli %add3A_107, %mul3A_124 : i32
      %add3A_126 = arith.addi %mul3A_123, %mul3A_125 : i32
      "tpu.region"() ({
        %run_scoped3A = tpu.sem_alloc : memref<!tpu.dma_semaphore, #tpu.memory_space<semaphore_mem>>
        %dma_start3A_127 = tpu.memref_slice %arg3[%add3A_126] : memref<208000xf32, #tpu.memory_space<hbm>> -> memref<4000xf32, #tpu.memory_space<hbm>>
        %dma_start3A_128 = tpu.memref_slice %arg3[%add3A_126] : memref<208000xf32, #tpu.memory_space<hbm>> -> memref<4000xf32, #tpu.memory_space<hbm>>
        tpu.enqueue_dma source(%arg4 : memref<4000xf32, #tpu.memory_space<vmem>>) target(%dma_start3A_128 : memref<4000xf32, #tpu.memory_space<hbm>>) target_semaphore(%run_scoped3A : memref<!tpu.dma_semaphore, #tpu.memory_space<semaphore_mem>>)
        %dma_wait3A_129 = tpu.memref_slice %arg3[%add3A_126] : memref<208000xf32, #tpu.memory_space<hbm>> -> memref<4000xf32, #tpu.memory_space<hbm>>
        %dma_wait3A_130 = tpu.memref_slice %arg3[%add3A_126] : memref<208000xf32, #tpu.memory_space<hbm>> -> memref<4000xf32, #tpu.memory_space<hbm>>
        tpu.wait_dma2 semaphore(%run_scoped3A : memref<!tpu.dma_semaphore, #tpu.memory_space<semaphore_mem>>) src(%arg4 : memref<4000xf32, #tpu.memory_space<vmem>>) dst(%dma_wait3A_130 : memref<4000xf32, #tpu.memory_space<hbm>>)
        tpu.yield
      }) : () -> ()
    } else {
    }
    %add3A_113 = arith.constant 16 : i32
    %add3A_114 = arith.addi %arg1, %add3A_113 : i32
    %lt3A_115 = arith.constant 26 : i32
    %lt3A_116 = arith.cmpi slt, %add3A_114, %lt3A_115 : i32
    %convert_element_type3A_117 = arith.extui %lt3A_116 : i1 to i32
    %cond3A_118 = arith.constant 0 : i32
    %cond3A_119 = arith.cmpi ne, %convert_element_type3A_117, %cond3A_118 : i32
    scf.if %cond3A_119 {
      %mul3A_120 = arith.constant 4000 : i32
      %mul3A_121 = arith.muli %add3A_114, %mul3A_120 : i32
      "tpu.region"() ({
        %run_scoped3A = tpu.sem_alloc : memref<!tpu.dma_semaphore, #tpu.memory_space<semaphore_mem>>
        %dma_start3A_127 = tpu.memref_slice %arg10[%mul3A_121] : memref<104000xf32, #tpu.memory_space<vmem_shared>> -> memref<4000xf32, #tpu.memory_space<vmem_shared>>
        %dma_start3A_128 = tpu.memref_slice %arg10[%mul3A_121] : memref<104000xf32, #tpu.memory_space<vmem_shared>> -> memref<4000xf32, #tpu.memory_space<vmem_shared>>
        tpu.enqueue_dma source(%dma_start3A_128 : memref<4000xf32, #tpu.memory_space<vmem_shared>>) target(%arg4 : memref<4000xf32, #tpu.memory_space<vmem>>) target_semaphore(%run_scoped3A : memref<!tpu.dma_semaphore, #tpu.memory_space<semaphore_mem>>)
        %dma_wait3A_129 = tpu.memref_slice %arg10[%mul3A_121] : memref<104000xf32, #tpu.memory_space<vmem_shared>> -> memref<4000xf32, #tpu.memory_space<vmem_shared>>
        %dma_wait3A_130 = tpu.memref_slice %arg10[%mul3A_121] : memref<104000xf32, #tpu.memory_space<vmem_shared>> -> memref<4000xf32, #tpu.memory_space<vmem_shared>>
        tpu.wait_dma2 semaphore(%run_scoped3A : memref<!tpu.dma_semaphore, #tpu.memory_space<semaphore_mem>>) src(%dma_wait3A_130 : memref<4000xf32, #tpu.memory_space<vmem_shared>>) dst(%arg4 : memref<4000xf32, #tpu.memory_space<vmem>>)
        tpu.yield
      }) : () -> ()
      %mul3A_122 = arith.constant 104000 : i32
      %mul3A_123 = arith.muli %arg0, %mul3A_122 : i32
      %mul3A_124 = arith.constant 4000 : i32
      %mul3A_125 = arith.muli %add3A_114, %mul3A_124 : i32
      %add3A_126 = arith.addi %mul3A_123, %mul3A_125 : i32
      "tpu.region"() ({
        %run_scoped3A = tpu.sem_alloc : memref<!tpu.dma_semaphore, #tpu.memory_space<semaphore_mem>>
        %dma_start3A_127 = tpu.memref_slice %arg3[%add3A_126] : memref<208000xf32, #tpu.memory_space<hbm>> -> memref<4000xf32, #tpu.memory_space<hbm>>
        %dma_start3A_128 = tpu.memref_slice %arg3[%add3A_126] : memref<208000xf32, #tpu.memory_space<hbm>> -> memref<4000xf32, #tpu.memory_space<hbm>>
        tpu.enqueue_dma source(%arg4 : memref<4000xf32, #tpu.memory_space<vmem>>) target(%dma_start3A_128 : memref<4000xf32, #tpu.memory_space<hbm>>) target_semaphore(%run_scoped3A : memref<!tpu.dma_semaphore, #tpu.memory_space<semaphore_mem>>)
        %dma_wait3A_129 = tpu.memref_slice %arg3[%add3A_126] : memref<208000xf32, #tpu.memory_space<hbm>> -> memref<4000xf32, #tpu.memory_space<hbm>>
        %dma_wait3A_130 = tpu.memref_slice %arg3[%add3A_126] : memref<208000xf32, #tpu.memory_space<hbm>> -> memref<4000xf32, #tpu.memory_space<hbm>>
        tpu.wait_dma2 semaphore(%run_scoped3A : memref<!tpu.dma_semaphore, #tpu.memory_space<semaphore_mem>>) src(%arg4 : memref<4000xf32, #tpu.memory_space<vmem>>) dst(%dma_wait3A_130 : memref<4000xf32, #tpu.memory_space<hbm>>)
        tpu.yield
      }) : () -> ()
    } else {
    }
    return
  }
}

#map = affine_map<(d0, d1) -> (0)>
module attributes {stable_mosaic.version = 14 : i64} {
  func.func @_msg_kernel(%arg0: i32, %arg1: i32, %arg2: memref<12800000xi32, #tpu.memory_space<hbm>>, %arg3: memref<104000xf32, #tpu.memory_space<hbm>>, %arg4: memref<208000xf32, #tpu.memory_space<hbm>>, %arg5: memref<4000xf32, #tpu.memory_space<vmem>>, %arg6: memref<2048xi32, #tpu.memory_space<vmem>>, %arg7: memref<2048xi32, #tpu.memory_space<vmem>>, %arg8: memref<2048xi32, #tpu.memory_space<vmem>>, %arg9: memref<2048xi32, #tpu.memory_space<vmem>>, %arg10: memref<2048xi32, #tpu.memory_space<vmem>>, %arg11: memref<2048xi32, #tpu.memory_space<vmem>>, %arg12: memref<2048xi32, #tpu.memory_space<vmem>>, %arg13: memref<2048xi32, #tpu.memory_space<vmem>>, %arg14: memref<2048xi32, #tpu.memory_space<vmem>>, %arg15: memref<2048xi32, #tpu.memory_space<vmem>>, %arg16: memref<2048xi32, #tpu.memory_space<vmem>>, %arg17: memref<2048xi32, #tpu.memory_space<vmem>>, %arg18: memref<2048xf32, #tpu.memory_space<vmem>>, %arg19: memref<2048xf32, #tpu.memory_space<vmem>>, %arg20: memref<2048xf32, #tpu.memory_space<vmem>>, %arg21: memref<2048xf32, #tpu.memory_space<vmem>>, %arg22: memref<2048xf32, #tpu.memory_space<vmem>>, %arg23: memref<2048xf32, #tpu.memory_space<vmem>>, %arg24: memref<104000xf32, #tpu.memory_space<vmem_shared>>, %arg25: memref<104000xf32, #tpu.memory_space<vmem_shared>>, %arg26: memref<!tpu.dma_semaphore, #tpu.memory_space<semaphore_mem>>, %arg27: memref<!tpu.dma_semaphore, #tpu.memory_space<semaphore_mem>>, %arg28: memref<!tpu.dma_semaphore, #tpu.memory_space<semaphore_mem>>, %arg29: memref<!tpu.dma_semaphore, #tpu.memory_space<semaphore_mem>>, %arg30: memref<!tpu.dma_semaphore, #tpu.memory_space<semaphore_mem>>, %arg31: memref<!tpu.dma_semaphore, #tpu.memory_space<semaphore_mem>>, %arg32: memref<!tpu.dma_semaphore, #tpu.memory_space<semaphore_mem>>, %arg33: memref<!tpu.dma_semaphore, #tpu.memory_space<semaphore_mem>>, %arg34: memref<!tpu.dma_semaphore, #tpu.memory_space<semaphore_mem>>, %arg35: memref<!tpu.dma_semaphore, #tpu.memory_space<semaphore_mem>>, %arg36: memref<!tpu.dma_semaphore, #tpu.memory_space<semaphore_mem>>, %arg37: memref<!tpu.dma_semaphore, #tpu.memory_space<semaphore_mem>>, %arg38: memref<!tpu.dma_semaphore, #tpu.memory_space<semaphore_mem>>, %arg39: memref<!tpu.dma_semaphore, #tpu.memory_space<semaphore_mem>>, %arg40: memref<!tpu.dma_semaphore, #tpu.memory_space<semaphore_mem>>, %arg41: memref<!tpu.dma_semaphore, #tpu.memory_space<semaphore_mem>>, %arg42: memref<!tpu.dma_semaphore, #tpu.memory_space<semaphore_mem>>, %arg43: memref<!tpu.dma_semaphore, #tpu.memory_space<semaphore_mem>>, %arg44: memref<!tpu.dma_semaphore, #tpu.memory_space<semaphore_mem>>, %arg45: memref<!tpu.dma_semaphore, #tpu.memory_space<semaphore_mem>>, %arg46: memref<!tpu.dma_semaphore, #tpu.memory_space<semaphore_mem>>, %arg47: memref<!tpu.dma_semaphore, #tpu.memory_space<semaphore_mem>>, %arg48: memref<!tpu.dma_semaphore, #tpu.memory_space<semaphore_mem>>, %arg49: memref<!tpu.dma_semaphore, #tpu.memory_space<semaphore_mem>>) attributes {dimension_semantics = [#tpu.dimension_semantics<core_parallel>, #tpu.dimension_semantics<subcore_parallel>], iteration_bounds = array<i64: 2, 16>, scalar_prefetch = 0 : i64, scratch_operands = 45 : i64, tpu.core_type = #tpu.core_type<sc_vector_subcore>, window_params = [{transform_indices = #map}, {transform_indices = #map}, {transform_indices = #map}]} {
    %mul3A = arith.constant 2 : i32
    %mul3A_0 = arith.muli %arg1, %mul3A : i32
    %add3A = arith.addi %mul3A_0, %arg0 : i32
    %broadcast_in_dim3A = arith.constant 0.000000e+00 : f32
    %broadcast_in_dim3A_1 = vector.broadcast %broadcast_in_dim3A : f32 to vector<16xf32>
    %scan3A = arith.constant 0 : i32
    %scan3A_2 = arith.constant 0 : i32
    %scan3A_3 = arith.constant 248 : i32
    %scan3A_4 = arith.addi %scan3A_2, %scan3A_3 : i32
    %scan3A_5 = arith.constant 8 : i32
    %scan3A_6 = scf.for %scan3A_201 = %scan3A_2 to %scan3A_4 step %scan3A_5 iter_args(%scan3A_202 = %scan3A) -> (i32)  : i32 {
      %mul3A_203 = arith.constant 16 : i32
      %mul3A_204 = arith.muli %scan3A_201, %mul3A_203 : i32
      %swap3A_205 = arith.index_cast %mul3A_204 : i32 to index
      %swap3A_206 = tpu.vector_load %arg5[%swap3A_205] {strides = array<i32>} : memref<4000xf32, #tpu.memory_space<vmem>>, vector<16xf32>,
      %swap3A_207 = vector.shape_cast %swap3A_206 : vector<16xf32> to vector<16xf32>
      %swap3A_208 = vector.shape_cast %broadcast_in_dim3A_1 : vector<16xf32> to vector<16xf32>
      tpu.vector_store %arg5[%swap3A_205], %swap3A_208 {strides = array<i32>} : memref<4000xf32, #tpu.memory_space<vmem>>, vector<16xf32>,
      %scan3A_209 = arith.constant 0 : i32
      %scan3A_210 = arith.constant 1 : i32
      %scan3A_211 = arith.addi %scan3A_201, %scan3A_210 : i32
      %mul3A_212 = arith.constant 16 : i32
      %mul3A_213 = arith.muli %scan3A_211, %mul3A_212 : i32
      %swap3A_214 = arith.index_cast %mul3A_213 : i32 to index
      %swap3A_215 = tpu.vector_load %arg5[%swap3A_214] {strides = array<i32>} : memref<4000xf32, #tpu.memory_space<vmem>>, vector<16xf32>,
      %swap3A_216 = vector.shape_cast %swap3A_215 : vector<16xf32> to vector<16xf32>
      %swap3A_217 = vector.shape_cast %broadcast_in_dim3A_1 : vector<16xf32> to vector<16xf32>
      tpu.vector_store %arg5[%swap3A_214], %swap3A_217 {strides = array<i32>} : memref<4000xf32, #tpu.memory_space<vmem>>, vector<16xf32>,
      %scan3A_218 = arith.constant 0 : i32
      %scan3A_219 = arith.constant 2 : i32
      %scan3A_220 = arith.addi %scan3A_201, %scan3A_219 : i32
      %mul3A_221 = arith.constant 16 : i32
      %mul3A_222 = arith.muli %scan3A_220, %mul3A_221 : i32
      %swap3A_223 = arith.index_cast %mul3A_222 : i32 to index
      %swap3A_224 = tpu.vector_load %arg5[%swap3A_223] {strides = array<i32>} : memref<4000xf32, #tpu.memory_space<vmem>>, vector<16xf32>,
      %swap3A_225 = vector.shape_cast %swap3A_224 : vector<16xf32> to vector<16xf32>
      %swap3A_226 = vector.shape_cast %broadcast_in_dim3A_1 : vector<16xf32> to vector<16xf32>
      tpu.vector_store %arg5[%swap3A_223], %swap3A_226 {strides = array<i32>} : memref<4000xf32, #tpu.memory_space<vmem>>, vector<16xf32>,
      %scan3A_227 = arith.constant 0 : i32
      %scan3A_228 = arith.constant 3 : i32
      %scan3A_229 = arith.addi %scan3A_201, %scan3A_228 : i32
      %mul3A_230 = arith.constant 16 : i32
      %mul3A_231 = arith.muli %scan3A_229, %mul3A_230 : i32
      %swap3A_232 = arith.index_cast %mul3A_231 : i32 to index
      %swap3A_233 = tpu.vector_load %arg5[%swap3A_232] {strides = array<i32>} : memref<4000xf32, #tpu.memory_space<vmem>>, vector<16xf32>,
      %swap3A_234 = vector.shape_cast %swap3A_233 : vector<16xf32> to vector<16xf32>
      %swap3A_235 = vector.shape_cast %broadcast_in_dim3A_1 : vector<16xf32> to vector<16xf32>
      tpu.vector_store %arg5[%swap3A_232], %swap3A_235 {strides = array<i32>} : memref<4000xf32, #tpu.memory_space<vmem>>, vector<16xf32>,
      %scan3A_236 = arith.constant 0 : i32
      %scan3A_237 = arith.constant 4 : i32
      %scan3A_238 = arith.addi %scan3A_201, %scan3A_237 : i32
      %mul3A_239 = arith.constant 16 : i32
      %mul3A_240 = arith.muli %scan3A_238, %mul3A_239 : i32
      %swap3A_241 = arith.index_cast %mul3A_240 : i32 to index
      %swap3A_242 = tpu.vector_load %arg5[%swap3A_241] {strides = array<i32>} : memref<4000xf32, #tpu.memory_space<vmem>>, vector<16xf32>,
      %swap3A_243 = vector.shape_cast %swap3A_242 : vector<16xf32> to vector<16xf32>
      %swap3A_244 = vector.shape_cast %broadcast_in_dim3A_1 : vector<16xf32> to vector<16xf32>
      tpu.vector_store %arg5[%swap3A_241], %swap3A_244 {strides = array<i32>} : memref<4000xf32, #tpu.memory_space<vmem>>, vector<16xf32>,
      %scan3A_245 = arith.constant 0 : i32
      %scan3A_246 = arith.constant 5 : i32
      %scan3A_247 = arith.addi %scan3A_201, %scan3A_246 : i32
      %mul3A_248 = arith.constant 16 : i32
      %mul3A_249 = arith.muli %scan3A_247, %mul3A_248 : i32
      %swap3A_250 = arith.index_cast %mul3A_249 : i32 to index
      %swap3A_251 = tpu.vector_load %arg5[%swap3A_250] {strides = array<i32>} : memref<4000xf32, #tpu.memory_space<vmem>>, vector<16xf32>,
      %swap3A_252 = vector.shape_cast %swap3A_251 : vector<16xf32> to vector<16xf32>
      %swap3A_253 = vector.shape_cast %broadcast_in_dim3A_1 : vector<16xf32> to vector<16xf32>
      tpu.vector_store %arg5[%swap3A_250], %swap3A_253 {strides = array<i32>} : memref<4000xf32, #tpu.memory_space<vmem>>, vector<16xf32>,
      %scan3A_254 = arith.constant 0 : i32
      %scan3A_255 = arith.constant 6 : i32
      %scan3A_256 = arith.addi %scan3A_201, %scan3A_255 : i32
      %mul3A_257 = arith.constant 16 : i32
      %mul3A_258 = arith.muli %scan3A_256, %mul3A_257 : i32
      %swap3A_259 = arith.index_cast %mul3A_258 : i32 to index
      %swap3A_260 = tpu.vector_load %arg5[%swap3A_259] {strides = array<i32>} : memref<4000xf32, #tpu.memory_space<vmem>>, vector<16xf32>,
      %swap3A_261 = vector.shape_cast %swap3A_260 : vector<16xf32> to vector<16xf32>
      %swap3A_262 = vector.shape_cast %broadcast_in_dim3A_1 : vector<16xf32> to vector<16xf32>
      tpu.vector_store %arg5[%swap3A_259], %swap3A_262 {strides = array<i32>} : memref<4000xf32, #tpu.memory_space<vmem>>, vector<16xf32>,
      %scan3A_263 = arith.constant 0 : i32
      %scan3A_264 = arith.constant 7 : i32
      %scan3A_265 = arith.addi %scan3A_201, %scan3A_264 : i32
      %mul3A_266 = arith.constant 16 : i32
      %mul3A_267 = arith.muli %scan3A_265, %mul3A_266 : i32
      %swap3A_268 = arith.index_cast %mul3A_267 : i32 to index
      %swap3A_269 = tpu.vector_load %arg5[%swap3A_268] {strides = array<i32>} : memref<4000xf32, #tpu.memory_space<vmem>>, vector<16xf32>,
      %swap3A_270 = vector.shape_cast %swap3A_269 : vector<16xf32> to vector<16xf32>
      %swap3A_271 = vector.shape_cast %broadcast_in_dim3A_1 : vector<16xf32> to vector<16xf32>
      tpu.vector_store %arg5[%swap3A_268], %swap3A_271 {strides = array<i32>} : memref<4000xf32, #tpu.memory_space<vmem>>, vector<16xf32>,
      %scan3A_272 = arith.constant 0 : i32
      scf.yield %scan3A_272 : i32
    }
    %scan3A_7 = arith.constant 248 : i32
    %scan3A_8 = arith.addi %scan3A_2, %scan3A_7 : i32
    %mul3A_9 = arith.constant 16 : i32
    %mul3A_10 = arith.muli %scan3A_8, %mul3A_9 : i32
    %swap3A = arith.index_cast %mul3A_10 : i32 to index
    %swap3A_11 = tpu.vector_load %arg5[%swap3A] {strides = array<i32>} : memref<4000xf32, #tpu.memory_space<vmem>>, vector<16xf32>,
    %swap3A_12 = vector.shape_cast %swap3A_11 : vector<16xf32> to vector<16xf32>
    %swap3A_13 = vector.shape_cast %broadcast_in_dim3A_1 : vector<16xf32> to vector<16xf32>
    tpu.vector_store %arg5[%swap3A], %swap3A_13 {strides = array<i32>} : memref<4000xf32, #tpu.memory_space<vmem>>, vector<16xf32>,
    %scan3A_14 = arith.constant 0 : i32
    %scan3A_15 = arith.constant 249 : i32
    %scan3A_16 = arith.addi %scan3A_2, %scan3A_15 : i32
    %mul3A_17 = arith.constant 16 : i32
    %mul3A_18 = arith.muli %scan3A_16, %mul3A_17 : i32
    %swap3A_19 = arith.index_cast %mul3A_18 : i32 to index
    %swap3A_20 = tpu.vector_load %arg5[%swap3A_19] {strides = array<i32>} : memref<4000xf32, #tpu.memory_space<vmem>>, vector<16xf32>,
    %swap3A_21 = vector.shape_cast %swap3A_20 : vector<16xf32> to vector<16xf32>
    %swap3A_22 = vector.shape_cast %broadcast_in_dim3A_1 : vector<16xf32> to vector<16xf32>
    tpu.vector_store %arg5[%swap3A_19], %swap3A_22 {strides = array<i32>} : memref<4000xf32, #tpu.memory_space<vmem>>, vector<16xf32>,
    %scan3A_23 = arith.constant 0 : i32
    %scan3A_24 = arith.constant 250 : i32
    %add3A_25 = arith.constant 0 : i32
    %add3A_26 = arith.addi %arg1, %add3A_25 : i32
    %lt3A = arith.constant 26 : i32
    %lt3A_27 = arith.cmpi slt, %add3A_26, %lt3A : i32
    %convert_element_type3A = arith.extui %lt3A_27 : i1 to i32
    %cond3A = arith.constant 0 : i32
    %cond3A_28 = arith.cmpi ne, %convert_element_type3A, %cond3A : i32
    scf.if %cond3A_28 {
      %mul3A_201 = arith.constant 4000 : i32
      %mul3A_202 = arith.muli %add3A_26, %mul3A_201 : i32
      "tpu.region"() ({
        %run_scoped3A = tpu.sem_alloc : memref<!tpu.dma_semaphore, #tpu.memory_space<semaphore_mem>>
        %dma_start3A_203 = tpu.memref_slice %arg25[%mul3A_202] : memref<104000xf32, #tpu.memory_space<vmem_shared>> -> memref<4000xf32, #tpu.memory_space<vmem_shared>>
        %dma_start3A_204 = tpu.memref_slice %arg25[%mul3A_202] : memref<104000xf32, #tpu.memory_space<vmem_shared>> -> memref<4000xf32, #tpu.memory_space<vmem_shared>>
        tpu.enqueue_dma source(%arg5 : memref<4000xf32, #tpu.memory_space<vmem>>) target(%dma_start3A_204 : memref<4000xf32, #tpu.memory_space<vmem_shared>>) target_semaphore(%run_scoped3A : memref<!tpu.dma_semaphore, #tpu.memory_space<semaphore_mem>>)
        %dma_wait3A_205 = tpu.memref_slice %arg25[%mul3A_202] : memref<104000xf32, #tpu.memory_space<vmem_shared>> -> memref<4000xf32, #tpu.memory_space<vmem_shared>>
        %dma_wait3A_206 = tpu.memref_slice %arg25[%mul3A_202] : memref<104000xf32, #tpu.memory_space<vmem_shared>> -> memref<4000xf32, #tpu.memory_space<vmem_shared>>
        tpu.wait_dma2 semaphore(%run_scoped3A : memref<!tpu.dma_semaphore, #tpu.memory_space<semaphore_mem>>) src(%arg5 : memref<4000xf32, #tpu.memory_space<vmem>>) dst(%dma_wait3A_206 : memref<4000xf32, #tpu.memory_space<vmem_shared>>)
        tpu.yield
      }) : () -> ()
    } else {
    }
    %add3A_29 = arith.constant 16 : i32
    %add3A_30 = arith.addi %arg1, %add3A_29 : i32
    %lt3A_31 = arith.constant 26 : i32
    %lt3A_32 = arith.cmpi slt, %add3A_30, %lt3A_31 : i32
    %convert_element_type3A_33 = arith.extui %lt3A_32 : i1 to i32
    %cond3A_34 = arith.constant 0 : i32
    %cond3A_35 = arith.cmpi ne, %convert_element_type3A_33, %cond3A_34 : i32
    scf.if %cond3A_35 {
      %mul3A_201 = arith.constant 4000 : i32
      %mul3A_202 = arith.muli %add3A_30, %mul3A_201 : i32
      "tpu.region"() ({
        %run_scoped3A = tpu.sem_alloc : memref<!tpu.dma_semaphore, #tpu.memory_space<semaphore_mem>>
        %dma_start3A_203 = tpu.memref_slice %arg25[%mul3A_202] : memref<104000xf32, #tpu.memory_space<vmem_shared>> -> memref<4000xf32, #tpu.memory_space<vmem_shared>>
        %dma_start3A_204 = tpu.memref_slice %arg25[%mul3A_202] : memref<104000xf32, #tpu.memory_space<vmem_shared>> -> memref<4000xf32, #tpu.memory_space<vmem_shared>>
        tpu.enqueue_dma source(%arg5 : memref<4000xf32, #tpu.memory_space<vmem>>) target(%dma_start3A_204 : memref<4000xf32, #tpu.memory_space<vmem_shared>>) target_semaphore(%run_scoped3A : memref<!tpu.dma_semaphore, #tpu.memory_space<semaphore_mem>>)
        %dma_wait3A_205 = tpu.memref_slice %arg25[%mul3A_202] : memref<104000xf32, #tpu.memory_space<vmem_shared>> -> memref<4000xf32, #tpu.memory_space<vmem_shared>>
        %dma_wait3A_206 = tpu.memref_slice %arg25[%mul3A_202] : memref<104000xf32, #tpu.memory_space<vmem_shared>> -> memref<4000xf32, #tpu.memory_space<vmem_shared>>
        tpu.wait_dma2 semaphore(%run_scoped3A : memref<!tpu.dma_semaphore, #tpu.memory_space<semaphore_mem>>) src(%arg5 : memref<4000xf32, #tpu.memory_space<vmem>>) dst(%dma_wait3A_206 : memref<4000xf32, #tpu.memory_space<vmem_shared>>)
        tpu.yield
      }) : () -> ()
    } else {
    }
    %add3A_36 = arith.constant 0 : i32
    %add3A_37 = arith.addi %arg1, %add3A_36 : i32
    %lt3A_38 = arith.constant 26 : i32
    %lt3A_39 = arith.cmpi slt, %add3A_37, %lt3A_38 : i32
    %convert_element_type3A_40 = arith.extui %lt3A_39 : i1 to i32
    %cond3A_41 = arith.constant 0 : i32
    %cond3A_42 = arith.cmpi ne, %convert_element_type3A_40, %cond3A_41 : i32
    scf.if %cond3A_42 {
      %mul3A_201 = arith.constant 4000 : i32
      %mul3A_202 = arith.muli %add3A_37, %mul3A_201 : i32
      "tpu.region"() ({
        %run_scoped3A = tpu.sem_alloc : memref<!tpu.dma_semaphore, #tpu.memory_space<semaphore_mem>>
        %dma_start3A_205 = tpu.memref_slice %arg3[%mul3A_202] : memref<104000xf32, #tpu.memory_space<hbm>> -> memref<4000xf32, #tpu.memory_space<hbm>>
        %dma_start3A_206 = tpu.memref_slice %arg3[%mul3A_202] : memref<104000xf32, #tpu.memory_space<hbm>> -> memref<4000xf32, #tpu.memory_space<hbm>>
        tpu.enqueue_dma source(%dma_start3A_206 : memref<4000xf32, #tpu.memory_space<hbm>>) target(%arg5 : memref<4000xf32, #tpu.memory_space<vmem>>) target_semaphore(%run_scoped3A : memref<!tpu.dma_semaphore, #tpu.memory_space<semaphore_mem>>)
        %dma_wait3A_207 = tpu.memref_slice %arg3[%mul3A_202] : memref<104000xf32, #tpu.memory_space<hbm>> -> memref<4000xf32, #tpu.memory_space<hbm>>
        %dma_wait3A_208 = tpu.memref_slice %arg3[%mul3A_202] : memref<104000xf32, #tpu.memory_space<hbm>> -> memref<4000xf32, #tpu.memory_space<hbm>>
        tpu.wait_dma2 semaphore(%run_scoped3A : memref<!tpu.dma_semaphore, #tpu.memory_space<semaphore_mem>>) src(%dma_wait3A_208 : memref<4000xf32, #tpu.memory_space<hbm>>) dst(%arg5 : memref<4000xf32, #tpu.memory_space<vmem>>)
        tpu.yield
      }) : () -> ()
      %mul3A_203 = arith.constant 4000 : i32
      %mul3A_204 = arith.muli %add3A_37, %mul3A_203 : i32
      "tpu.region"() ({
        %run_scoped3A = tpu.sem_alloc : memref<!tpu.dma_semaphore, #tpu.memory_space<semaphore_mem>>
        %dma_start3A_205 = tpu.memref_slice %arg24[%mul3A_204] : memref<104000xf32, #tpu.memory_space<vmem_shared>> -> memref<4000xf32, #tpu.memory_space<vmem_shared>>
        %dma_start3A_206 = tpu.memref_slice %arg24[%mul3A_204] : memref<104000xf32, #tpu.memory_space<vmem_shared>> -> memref<4000xf32, #tpu.memory_space<vmem_shared>>
        tpu.enqueue_dma source(%arg5 : memref<4000xf32, #tpu.memory_space<vmem>>) target(%dma_start3A_206 : memref<4000xf32, #tpu.memory_space<vmem_shared>>) target_semaphore(%run_scoped3A : memref<!tpu.dma_semaphore, #tpu.memory_space<semaphore_mem>>)
        %dma_wait3A_207 = tpu.memref_slice %arg24[%mul3A_204] : memref<104000xf32, #tpu.memory_space<vmem_shared>> -> memref<4000xf32, #tpu.memory_space<vmem_shared>>
        %dma_wait3A_208 = tpu.memref_slice %arg24[%mul3A_204] : memref<104000xf32, #tpu.memory_space<vmem_shared>> -> memref<4000xf32, #tpu.memory_space<vmem_shared>>
        tpu.wait_dma2 semaphore(%run_scoped3A : memref<!tpu.dma_semaphore, #tpu.memory_space<semaphore_mem>>) src(%arg5 : memref<4000xf32, #tpu.memory_space<vmem>>) dst(%dma_wait3A_208 : memref<4000xf32, #tpu.memory_space<vmem_shared>>)
        tpu.yield
      }) : () -> ()
    } else {
    }
    %add3A_43 = arith.constant 16 : i32
    %add3A_44 = arith.addi %arg1, %add3A_43 : i32
    %lt3A_45 = arith.constant 26 : i32
    %lt3A_46 = arith.cmpi slt, %add3A_44, %lt3A_45 : i32
    %convert_element_type3A_47 = arith.extui %lt3A_46 : i1 to i32
    %cond3A_48 = arith.constant 0 : i32
    %cond3A_49 = arith.cmpi ne, %convert_element_type3A_47, %cond3A_48 : i32
    scf.if %cond3A_49 {
      %mul3A_201 = arith.constant 4000 : i32
      %mul3A_202 = arith.muli %add3A_44, %mul3A_201 : i32
      "tpu.region"() ({
        %run_scoped3A = tpu.sem_alloc : memref<!tpu.dma_semaphore, #tpu.memory_space<semaphore_mem>>
        %dma_start3A_205 = tpu.memref_slice %arg3[%mul3A_202] : memref<104000xf32, #tpu.memory_space<hbm>> -> memref<4000xf32, #tpu.memory_space<hbm>>
        %dma_start3A_206 = tpu.memref_slice %arg3[%mul3A_202] : memref<104000xf32, #tpu.memory_space<hbm>> -> memref<4000xf32, #tpu.memory_space<hbm>>
        tpu.enqueue_dma source(%dma_start3A_206 : memref<4000xf32, #tpu.memory_space<hbm>>) target(%arg5 : memref<4000xf32, #tpu.memory_space<vmem>>) target_semaphore(%run_scoped3A : memref<!tpu.dma_semaphore, #tpu.memory_space<semaphore_mem>>)
        %dma_wait3A_207 = tpu.memref_slice %arg3[%mul3A_202] : memref<104000xf32, #tpu.memory_space<hbm>> -> memref<4000xf32, #tpu.memory_space<hbm>>
        %dma_wait3A_208 = tpu.memref_slice %arg3[%mul3A_202] : memref<104000xf32, #tpu.memory_space<hbm>> -> memref<4000xf32, #tpu.memory_space<hbm>>
        tpu.wait_dma2 semaphore(%run_scoped3A : memref<!tpu.dma_semaphore, #tpu.memory_space<semaphore_mem>>) src(%dma_wait3A_208 : memref<4000xf32, #tpu.memory_space<hbm>>) dst(%arg5 : memref<4000xf32, #tpu.memory_space<vmem>>)
        tpu.yield
      }) : () -> ()
      %mul3A_203 = arith.constant 4000 : i32
      %mul3A_204 = arith.muli %add3A_44, %mul3A_203 : i32
      "tpu.region"() ({
        %run_scoped3A = tpu.sem_alloc : memref<!tpu.dma_semaphore, #tpu.memory_space<semaphore_mem>>
        %dma_start3A_205 = tpu.memref_slice %arg24[%mul3A_204] : memref<104000xf32, #tpu.memory_space<vmem_shared>> -> memref<4000xf32, #tpu.memory_space<vmem_shared>>
        %dma_start3A_206 = tpu.memref_slice %arg24[%mul3A_204] : memref<104000xf32, #tpu.memory_space<vmem_shared>> -> memref<4000xf32, #tpu.memory_space<vmem_shared>>
        tpu.enqueue_dma source(%arg5 : memref<4000xf32, #tpu.memory_space<vmem>>) target(%dma_start3A_206 : memref<4000xf32, #tpu.memory_space<vmem_shared>>) target_semaphore(%run_scoped3A : memref<!tpu.dma_semaphore, #tpu.memory_space<semaphore_mem>>)
        %dma_wait3A_207 = tpu.memref_slice %arg24[%mul3A_204] : memref<104000xf32, #tpu.memory_space<vmem_shared>> -> memref<4000xf32, #tpu.memory_space<vmem_shared>>
        %dma_wait3A_208 = tpu.memref_slice %arg24[%mul3A_204] : memref<104000xf32, #tpu.memory_space<vmem_shared>> -> memref<4000xf32, #tpu.memory_space<vmem_shared>>
        tpu.wait_dma2 semaphore(%run_scoped3A : memref<!tpu.dma_semaphore, #tpu.memory_space<semaphore_mem>>) src(%arg5 : memref<4000xf32, #tpu.memory_space<vmem>>) dst(%dma_wait3A_208 : memref<4000xf32, #tpu.memory_space<vmem_shared>>)
        tpu.yield
      }) : () -> ()
    } else {
    }
    %barrier3A = arith.constant 0 : index
    tpu.barrier barrier_id(%barrier3A)
    %add3A_50 = arith.constant 0 : i32
    %add3A_51 = arith.addi %add3A, %add3A_50 : i32
    %min3A = arith.constant 3124 : i32
    %min3A_52 = arith.minsi %add3A_51, %min3A : i32
    %mul3A_53 = arith.constant 2048 : i32
    %mul3A_54 = arith.muli %min3A_52, %mul3A_53 : i32
    %dma_start3A = tpu.memref_slice %arg2[%mul3A_54] : memref<12800000xi32, #tpu.memory_space<hbm>> -> memref<2048xi32, #tpu.memory_space<hbm>>
    %dma_start3A_55 = tpu.memref_slice %arg2[%mul3A_54] : memref<12800000xi32, #tpu.memory_space<hbm>> -> memref<2048xi32, #tpu.memory_space<hbm>>
    tpu.enqueue_dma source(%dma_start3A_55 : memref<2048xi32, #tpu.memory_space<hbm>>) target(%arg6 : memref<2048xi32, #tpu.memory_space<vmem>>) target_semaphore(%arg26 : memref<!tpu.dma_semaphore, #tpu.memory_space<semaphore_mem>>)
    %mul3A_56 = arith.constant 2048 : i32
    %mul3A_57 = arith.muli %min3A_52, %mul3A_56 : i32
    %add3A_58 = arith.constant 6400000 : i32
    %add3A_59 = arith.addi %add3A_58, %mul3A_57 : i32
    %dma_start3A_60 = tpu.memref_slice %arg2[%add3A_59] : memref<12800000xi32, #tpu.memory_space<hbm>> -> memref<2048xi32, #tpu.memory_space<hbm>>
    %dma_start3A_61 = tpu.memref_slice %arg2[%add3A_59] : memref<12800000xi32, #tpu.memory_space<hbm>> -> memref<2048xi32, #tpu.memory_space<hbm>>
    tpu.enqueue_dma source(%dma_start3A_61 : memref<2048xi32, #tpu.memory_space<hbm>>) target(%arg12 : memref<2048xi32, #tpu.memory_space<vmem>>) target_semaphore(%arg32 : memref<!tpu.dma_semaphore, #tpu.memory_space<semaphore_mem>>)
    %add3A_62 = arith.constant 32 : i32
    %add3A_63 = arith.addi %add3A, %add3A_62 : i32
    %min3A_64 = arith.constant 3124 : i32
    %min3A_65 = arith.minsi %add3A_63, %min3A_64 : i32
    %mul3A_66 = arith.constant 2048 : i32
    %mul3A_67 = arith.muli %min3A_65, %mul3A_66 : i32
    %dma_start3A_68 = tpu.memref_slice %arg2[%mul3A_67] : memref<12800000xi32, #tpu.memory_space<hbm>> -> memref<2048xi32, #tpu.memory_space<hbm>>
    %dma_start3A_69 = tpu.memref_slice %arg2[%mul3A_67] : memref<12800000xi32, #tpu.memory_space<hbm>> -> memref<2048xi32, #tpu.memory_space<hbm>>
    tpu.enqueue_dma source(%dma_start3A_69 : memref<2048xi32, #tpu.memory_space<hbm>>) target(%arg7 : memref<2048xi32, #tpu.memory_space<vmem>>) target_semaphore(%arg27 : memref<!tpu.dma_semaphore, #tpu.memory_space<semaphore_mem>>)
    %mul3A_70 = arith.constant 2048 : i32
    %mul3A_71 = arith.muli %min3A_65, %mul3A_70 : i32
    %add3A_72 = arith.constant 6400000 : i32
    %add3A_73 = arith.addi %add3A_72, %mul3A_71 : i32
    %dma_start3A_74 = tpu.memref_slice %arg2[%add3A_73] : memref<12800000xi32, #tpu.memory_space<hbm>> -> memref<2048xi32, #tpu.memory_space<hbm>>
    %dma_start3A_75 = tpu.memref_slice %arg2[%add3A_73] : memref<12800000xi32, #tpu.memory_space<hbm>> -> memref<2048xi32, #tpu.memory_space<hbm>>
    tpu.enqueue_dma source(%dma_start3A_75 : memref<2048xi32, #tpu.memory_space<hbm>>) target(%arg13 : memref<2048xi32, #tpu.memory_space<vmem>>) target_semaphore(%arg33 : memref<!tpu.dma_semaphore, #tpu.memory_space<semaphore_mem>>)
    %add3A_76 = arith.constant 64 : i32
    %add3A_77 = arith.addi %add3A, %add3A_76 : i32
    %min3A_78 = arith.constant 3124 : i32
    %min3A_79 = arith.minsi %add3A_77, %min3A_78 : i32
    %mul3A_80 = arith.constant 2048 : i32
    %mul3A_81 = arith.muli %min3A_79, %mul3A_80 : i32
    %dma_start3A_82 = tpu.memref_slice %arg2[%mul3A_81] : memref<12800000xi32, #tpu.memory_space<hbm>> -> memref<2048xi32, #tpu.memory_space<hbm>>
    %dma_start3A_83 = tpu.memref_slice %arg2[%mul3A_81] : memref<12800000xi32, #tpu.memory_space<hbm>> -> memref<2048xi32, #tpu.memory_space<hbm>>
    tpu.enqueue_dma source(%dma_start3A_83 : memref<2048xi32, #tpu.memory_space<hbm>>) target(%arg8 : memref<2048xi32, #tpu.memory_space<vmem>>) target_semaphore(%arg28 : memref<!tpu.dma_semaphore, #tpu.memory_space<semaphore_mem>>)
    %mul3A_84 = arith.constant 2048 : i32
    %mul3A_85 = arith.muli %min3A_79, %mul3A_84 : i32
    %add3A_86 = arith.constant 6400000 : i32
    %add3A_87 = arith.addi %add3A_86, %mul3A_85 : i32
    %dma_start3A_88 = tpu.memref_slice %arg2[%add3A_87] : memref<12800000xi32, #tpu.memory_space<hbm>> -> memref<2048xi32, #tpu.memory_space<hbm>>
    %dma_start3A_89 = tpu.memref_slice %arg2[%add3A_87] : memref<12800000xi32, #tpu.memory_space<hbm>> -> memref<2048xi32, #tpu.memory_space<hbm>>
    tpu.enqueue_dma source(%dma_start3A_89 : memref<2048xi32, #tpu.memory_space<hbm>>) target(%arg14 : memref<2048xi32, #tpu.memory_space<vmem>>) target_semaphore(%arg34 : memref<!tpu.dma_semaphore, #tpu.memory_space<semaphore_mem>>)
    %add3A_90 = arith.constant 96 : i32
    %add3A_91 = arith.addi %add3A, %add3A_90 : i32
    %min3A_92 = arith.constant 3124 : i32
    %min3A_93 = arith.minsi %add3A_91, %min3A_92 : i32
    %mul3A_94 = arith.constant 2048 : i32
    %mul3A_95 = arith.muli %min3A_93, %mul3A_94 : i32
    %dma_start3A_96 = tpu.memref_slice %arg2[%mul3A_95] : memref<12800000xi32, #tpu.memory_space<hbm>> -> memref<2048xi32, #tpu.memory_space<hbm>>
    %dma_start3A_97 = tpu.memref_slice %arg2[%mul3A_95] : memref<12800000xi32, #tpu.memory_space<hbm>> -> memref<2048xi32, #tpu.memory_space<hbm>>
    tpu.enqueue_dma source(%dma_start3A_97 : memref<2048xi32, #tpu.memory_space<hbm>>) target(%arg9 : memref<2048xi32, #tpu.memory_space<vmem>>) target_semaphore(%arg29 : memref<!tpu.dma_semaphore, #tpu.memory_space<semaphore_mem>>)
    %mul3A_98 = arith.constant 2048 : i32
    %mul3A_99 = arith.muli %min3A_93, %mul3A_98 : i32
    %add3A_100 = arith.constant 6400000 : i32
    %add3A_101 = arith.addi %add3A_100, %mul3A_99 : i32
    %dma_start3A_102 = tpu.memref_slice %arg2[%add3A_101] : memref<12800000xi32, #tpu.memory_space<hbm>> -> memref<2048xi32, #tpu.memory_space<hbm>>
    %dma_start3A_103 = tpu.memref_slice %arg2[%add3A_101] : memref<12800000xi32, #tpu.memory_space<hbm>> -> memref<2048xi32, #tpu.memory_space<hbm>>
    tpu.enqueue_dma source(%dma_start3A_103 : memref<2048xi32, #tpu.memory_space<hbm>>) target(%arg15 : memref<2048xi32, #tpu.memory_space<vmem>>) target_semaphore(%arg35 : memref<!tpu.dma_semaphore, #tpu.memory_space<semaphore_mem>>)
    %add3A_104 = arith.constant 128 : i32
    %add3A_105 = arith.addi %add3A, %add3A_104 : i32
    %min3A_106 = arith.constant 3124 : i32
    %min3A_107 = arith.minsi %add3A_105, %min3A_106 : i32
    %mul3A_108 = arith.constant 2048 : i32
    %mul3A_109 = arith.muli %min3A_107, %mul3A_108 : i32
    %dma_start3A_110 = tpu.memref_slice %arg2[%mul3A_109] : memref<12800000xi32, #tpu.memory_space<hbm>> -> memref<2048xi32, #tpu.memory_space<hbm>>
    %dma_start3A_111 = tpu.memref_slice %arg2[%mul3A_109] : memref<12800000xi32, #tpu.memory_space<hbm>> -> memref<2048xi32, #tpu.memory_space<hbm>>
    tpu.enqueue_dma source(%dma_start3A_111 : memref<2048xi32, #tpu.memory_space<hbm>>) target(%arg10 : memref<2048xi32, #tpu.memory_space<vmem>>) target_semaphore(%arg30 : memref<!tpu.dma_semaphore, #tpu.memory_space<semaphore_mem>>)
    %mul3A_112 = arith.constant 2048 : i32
    %mul3A_113 = arith.muli %min3A_107, %mul3A_112 : i32
    %add3A_114 = arith.constant 6400000 : i32
    %add3A_115 = arith.addi %add3A_114, %mul3A_113 : i32
    %dma_start3A_116 = tpu.memref_slice %arg2[%add3A_115] : memref<12800000xi32, #tpu.memory_space<hbm>> -> memref<2048xi32, #tpu.memory_space<hbm>>
    %dma_start3A_117 = tpu.memref_slice %arg2[%add3A_115] : memref<12800000xi32, #tpu.memory_space<hbm>> -> memref<2048xi32, #tpu.memory_space<hbm>>
    tpu.enqueue_dma source(%dma_start3A_117 : memref<2048xi32, #tpu.memory_space<hbm>>) target(%arg16 : memref<2048xi32, #tpu.memory_space<vmem>>) target_semaphore(%arg36 : memref<!tpu.dma_semaphore, #tpu.memory_space<semaphore_mem>>)
    %add3A_118 = arith.constant 160 : i32
    %add3A_119 = arith.addi %add3A, %add3A_118 : i32
    %min3A_120 = arith.constant 3124 : i32
    %min3A_121 = arith.minsi %add3A_119, %min3A_120 : i32
    %mul3A_122 = arith.constant 2048 : i32
    %mul3A_123 = arith.muli %min3A_121, %mul3A_122 : i32
    %dma_start3A_124 = tpu.memref_slice %arg2[%mul3A_123] : memref<12800000xi32, #tpu.memory_space<hbm>> -> memref<2048xi32, #tpu.memory_space<hbm>>
    %dma_start3A_125 = tpu.memref_slice %arg2[%mul3A_123] : memref<12800000xi32, #tpu.memory_space<hbm>> -> memref<2048xi32, #tpu.memory_space<hbm>>
    tpu.enqueue_dma source(%dma_start3A_125 : memref<2048xi32, #tpu.memory_space<hbm>>) target(%arg11 : memref<2048xi32, #tpu.memory_space<vmem>>) target_semaphore(%arg31 : memref<!tpu.dma_semaphore, #tpu.memory_space<semaphore_mem>>)
    %mul3A_126 = arith.constant 2048 : i32
    %mul3A_127 = arith.muli %min3A_121, %mul3A_126 : i32
    %add3A_128 = arith.constant 6400000 : i32
    %add3A_129 = arith.addi %add3A_128, %mul3A_127 : i32
    %dma_start3A_130 = tpu.memref_slice %arg2[%add3A_129] : memref<12800000xi32, #tpu.memory_space<hbm>> -> memref<2048xi32, #tpu.memory_space<hbm>>
    %dma_start3A_131 = tpu.memref_slice %arg2[%add3A_129] : memref<12800000xi32, #tpu.memory_space<hbm>> -> memref<2048xi32, #tpu.memory_space<hbm>>
    tpu.enqueue_dma source(%dma_start3A_131 : memref<2048xi32, #tpu.memory_space<hbm>>) target(%arg17 : memref<2048xi32, #tpu.memory_space<vmem>>) target_semaphore(%arg37 : memref<!tpu.dma_semaphore, #tpu.memory_space<semaphore_mem>>)
    %scan3A_132 = arith.constant 0 : i32
    %scan3A_133 = arith.constant 0 : i32
    %scan3A_134 = arith.constant 17 : i32
    %scan3A_135 = arith.addi %scan3A_133, %scan3A_134 : i32
    %scan3A_136 = arith.constant 1 : i32
    %scan3A_137 = scf.for %scan3A_201 = %scan3A_133 to %scan3A_135 step %scan3A_136 iter_args(%scan3A_202 = %scan3A_132) -> (i32)  : i32 {
      %mul3A_203 = arith.constant 6 : i32
      %mul3A_204 = arith.muli %mul3A_203, %scan3A_201 : i32
      %add3A_205 = arith.constant 0 : i32
      %add3A_206 = arith.addi %mul3A_204, %add3A_205 : i32
      %mul3A_207 = arith.constant 32 : i32
      %mul3A_208 = arith.muli %mul3A_207, %add3A_206 : i32
      %add3A_209 = arith.addi %add3A, %mul3A_208 : i32
      %dma_wait3A_210 = arith.constant 0 : i32
      %dma_wait3A_211 = tpu.memref_slice %arg2[%dma_wait3A_210] : memref<12800000xi32, #tpu.memory_space<hbm>> -> memref<2048xi32, #tpu.memory_space<hbm>>
      %dma_wait3A_212 = arith.constant 0 : i32
      %dma_wait3A_213 = tpu.memref_slice %arg2[%dma_wait3A_212] : memref<12800000xi32, #tpu.memory_space<hbm>> -> memref<2048xi32, #tpu.memory_space<hbm>>
      tpu.wait_dma2 semaphore(%arg26 : memref<!tpu.dma_semaphore, #tpu.memory_space<semaphore_mem>>) src(%dma_wait3A_213 : memref<2048xi32, #tpu.memory_space<hbm>>) dst(%arg6 : memref<2048xi32, #tpu.memory_space<vmem>>)
      %lt3A_214 = arith.constant 3125 : i32
      %lt3A_215 = arith.cmpi slt, %add3A_209, %lt3A_214 : i32
      %convert_element_type3A_216 = arith.extui %lt3A_215 : i1 to i32
      %cond3A_217 = arith.constant 0 : i32
      %cond3A_218 = arith.cmpi ne, %convert_element_type3A_216, %cond3A_217 : i32
      scf.if %cond3A_218 {
        %dma_start3A_552 = arith.constant 0 : i32
        %dma_start3A_553 = tpu.memref_slice %arg24[%dma_start3A_552] : memref<104000xf32, #tpu.memory_space<vmem_shared>> -> memref<104000xf32, #tpu.memory_space<vmem_shared>>
        tpu.enqueue_indirect_dma source(%dma_start3A_553 : memref<104000xf32, #tpu.memory_space<vmem_shared>>) target(%arg18 : memref<2048xf32, #tpu.memory_space<vmem>>) offsets(%arg6 : memref<2048xi32, #tpu.memory_space<vmem>>) semaphore(%arg38 : memref<!tpu.dma_semaphore, #tpu.memory_space<semaphore_mem>>)
      } else {
      }
      %mul3A_219 = arith.constant 6 : i32
      %mul3A_220 = arith.muli %mul3A_219, %scan3A_201 : i32
      %add3A_221 = arith.constant 1 : i32
      %add3A_222 = arith.addi %mul3A_220, %add3A_221 : i32
      %mul3A_223 = arith.constant 32 : i32
      %mul3A_224 = arith.muli %mul3A_223, %add3A_222 : i32
      %add3A_225 = arith.addi %add3A, %mul3A_224 : i32
      %dma_wait3A_226 = arith.constant 0 : i32
      %dma_wait3A_227 = tpu.memref_slice %arg2[%dma_wait3A_226] : memref<12800000xi32, #tpu.memory_space<hbm>> -> memref<2048xi32, #tpu.memory_space<hbm>>
      %dma_wait3A_228 = arith.constant 0 : i32
      %dma_wait3A_229 = tpu.memref_slice %arg2[%dma_wait3A_228] : memref<12800000xi32, #tpu.memory_space<hbm>> -> memref<2048xi32, #tpu.memory_space<hbm>>
      tpu.wait_dma2 semaphore(%arg27 : memref<!tpu.dma_semaphore, #tpu.memory_space<semaphore_mem>>) src(%dma_wait3A_229 : memref<2048xi32, #tpu.memory_space<hbm>>) dst(%arg7 : memref<2048xi32, #tpu.memory_space<vmem>>)
      %lt3A_230 = arith.constant 3125 : i32
      %lt3A_231 = arith.cmpi slt, %add3A_225, %lt3A_230 : i32
      %convert_element_type3A_232 = arith.extui %lt3A_231 : i1 to i32
      %cond3A_233 = arith.constant 0 : i32
      %cond3A_234 = arith.cmpi ne, %convert_element_type3A_232, %cond3A_233 : i32
      scf.if %cond3A_234 {
        %dma_start3A_552 = arith.constant 0 : i32
        %dma_start3A_553 = tpu.memref_slice %arg24[%dma_start3A_552] : memref<104000xf32, #tpu.memory_space<vmem_shared>> -> memref<104000xf32, #tpu.memory_space<vmem_shared>>
        tpu.enqueue_indirect_dma source(%dma_start3A_553 : memref<104000xf32, #tpu.memory_space<vmem_shared>>) target(%arg19 : memref<2048xf32, #tpu.memory_space<vmem>>) offsets(%arg7 : memref<2048xi32, #tpu.memory_space<vmem>>) semaphore(%arg39 : memref<!tpu.dma_semaphore, #tpu.memory_space<semaphore_mem>>)
      } else {
      }
      %mul3A_235 = arith.constant 6 : i32
      %mul3A_236 = arith.muli %mul3A_235, %scan3A_201 : i32
      %add3A_237 = arith.constant 2 : i32
      %add3A_238 = arith.addi %mul3A_236, %add3A_237 : i32
      %mul3A_239 = arith.constant 32 : i32
      %mul3A_240 = arith.muli %mul3A_239, %add3A_238 : i32
      %add3A_241 = arith.addi %add3A, %mul3A_240 : i32
      %dma_wait3A_242 = arith.constant 0 : i32
      %dma_wait3A_243 = tpu.memref_slice %arg2[%dma_wait3A_242] : memref<12800000xi32, #tpu.memory_space<hbm>> -> memref<2048xi32, #tpu.memory_space<hbm>>
      %dma_wait3A_244 = arith.constant 0 : i32
      %dma_wait3A_245 = tpu.memref_slice %arg2[%dma_wait3A_244] : memref<12800000xi32, #tpu.memory_space<hbm>> -> memref<2048xi32, #tpu.memory_space<hbm>>
      tpu.wait_dma2 semaphore(%arg28 : memref<!tpu.dma_semaphore, #tpu.memory_space<semaphore_mem>>) src(%dma_wait3A_245 : memref<2048xi32, #tpu.memory_space<hbm>>) dst(%arg8 : memref<2048xi32, #tpu.memory_space<vmem>>)
      %lt3A_246 = arith.constant 3125 : i32
      %lt3A_247 = arith.cmpi slt, %add3A_241, %lt3A_246 : i32
      %convert_element_type3A_248 = arith.extui %lt3A_247 : i1 to i32
      %cond3A_249 = arith.constant 0 : i32
      %cond3A_250 = arith.cmpi ne, %convert_element_type3A_248, %cond3A_249 : i32
      scf.if %cond3A_250 {
        %dma_start3A_552 = arith.constant 0 : i32
        %dma_start3A_553 = tpu.memref_slice %arg24[%dma_start3A_552] : memref<104000xf32, #tpu.memory_space<vmem_shared>> -> memref<104000xf32, #tpu.memory_space<vmem_shared>>
        tpu.enqueue_indirect_dma source(%dma_start3A_553 : memref<104000xf32, #tpu.memory_space<vmem_shared>>) target(%arg20 : memref<2048xf32, #tpu.memory_space<vmem>>) offsets(%arg8 : memref<2048xi32, #tpu.memory_space<vmem>>) semaphore(%arg40 : memref<!tpu.dma_semaphore, #tpu.memory_space<semaphore_mem>>)
      } else {
      }
      %mul3A_251 = arith.constant 6 : i32
      %mul3A_252 = arith.muli %mul3A_251, %scan3A_201 : i32
      %add3A_253 = arith.constant 3 : i32
      %add3A_254 = arith.addi %mul3A_252, %add3A_253 : i32
      %mul3A_255 = arith.constant 32 : i32
      %mul3A_256 = arith.muli %mul3A_255, %add3A_254 : i32
      %add3A_257 = arith.addi %add3A, %mul3A_256 : i32
      %dma_wait3A_258 = arith.constant 0 : i32
      %dma_wait3A_259 = tpu.memref_slice %arg2[%dma_wait3A_258] : memref<12800000xi32, #tpu.memory_space<hbm>> -> memref<2048xi32, #tpu.memory_space<hbm>>
      %dma_wait3A_260 = arith.constant 0 : i32
      %dma_wait3A_261 = tpu.memref_slice %arg2[%dma_wait3A_260] : memref<12800000xi32, #tpu.memory_space<hbm>> -> memref<2048xi32, #tpu.memory_space<hbm>>
      tpu.wait_dma2 semaphore(%arg29 : memref<!tpu.dma_semaphore, #tpu.memory_space<semaphore_mem>>) src(%dma_wait3A_261 : memref<2048xi32, #tpu.memory_space<hbm>>) dst(%arg9 : memref<2048xi32, #tpu.memory_space<vmem>>)
      %lt3A_262 = arith.constant 3125 : i32
      %lt3A_263 = arith.cmpi slt, %add3A_257, %lt3A_262 : i32
      %convert_element_type3A_264 = arith.extui %lt3A_263 : i1 to i32
      %cond3A_265 = arith.constant 0 : i32
      %cond3A_266 = arith.cmpi ne, %convert_element_type3A_264, %cond3A_265 : i32
      scf.if %cond3A_266 {
        %dma_start3A_552 = arith.constant 0 : i32
        %dma_start3A_553 = tpu.memref_slice %arg24[%dma_start3A_552] : memref<104000xf32, #tpu.memory_space<vmem_shared>> -> memref<104000xf32, #tpu.memory_space<vmem_shared>>
        tpu.enqueue_indirect_dma source(%dma_start3A_553 : memref<104000xf32, #tpu.memory_space<vmem_shared>>) target(%arg21 : memref<2048xf32, #tpu.memory_space<vmem>>) offsets(%arg9 : memref<2048xi32, #tpu.memory_space<vmem>>) semaphore(%arg41 : memref<!tpu.dma_semaphore, #tpu.memory_space<semaphore_mem>>)
      } else {
      }
      %mul3A_267 = arith.constant 6 : i32
      %mul3A_268 = arith.muli %mul3A_267, %scan3A_201 : i32
      %add3A_269 = arith.constant 4 : i32
      %add3A_270 = arith.addi %mul3A_268, %add3A_269 : i32
      %mul3A_271 = arith.constant 32 : i32
      %mul3A_272 = arith.muli %mul3A_271, %add3A_270 : i32
      %add3A_273 = arith.addi %add3A, %mul3A_272 : i32
      %dma_wait3A_274 = arith.constant 0 : i32
      %dma_wait3A_275 = tpu.memref_slice %arg2[%dma_wait3A_274] : memref<12800000xi32, #tpu.memory_space<hbm>> -> memref<2048xi32, #tpu.memory_space<hbm>>
      %dma_wait3A_276 = arith.constant 0 : i32
      %dma_wait3A_277 = tpu.memref_slice %arg2[%dma_wait3A_276] : memref<12800000xi32, #tpu.memory_space<hbm>> -> memref<2048xi32, #tpu.memory_space<hbm>>
      tpu.wait_dma2 semaphore(%arg30 : memref<!tpu.dma_semaphore, #tpu.memory_space<semaphore_mem>>) src(%dma_wait3A_277 : memref<2048xi32, #tpu.memory_space<hbm>>) dst(%arg10 : memref<2048xi32, #tpu.memory_space<vmem>>)
      %lt3A_278 = arith.constant 3125 : i32
      %lt3A_279 = arith.cmpi slt, %add3A_273, %lt3A_278 : i32
      %convert_element_type3A_280 = arith.extui %lt3A_279 : i1 to i32
      %cond3A_281 = arith.constant 0 : i32
      %cond3A_282 = arith.cmpi ne, %convert_element_type3A_280, %cond3A_281 : i32
      scf.if %cond3A_282 {
        %dma_start3A_552 = arith.constant 0 : i32
        %dma_start3A_553 = tpu.memref_slice %arg24[%dma_start3A_552] : memref<104000xf32, #tpu.memory_space<vmem_shared>> -> memref<104000xf32, #tpu.memory_space<vmem_shared>>
        tpu.enqueue_indirect_dma source(%dma_start3A_553 : memref<104000xf32, #tpu.memory_space<vmem_shared>>) target(%arg22 : memref<2048xf32, #tpu.memory_space<vmem>>) offsets(%arg10 : memref<2048xi32, #tpu.memory_space<vmem>>) semaphore(%arg42 : memref<!tpu.dma_semaphore, #tpu.memory_space<semaphore_mem>>)
      } else {
      }
      %mul3A_283 = arith.constant 6 : i32
      %mul3A_284 = arith.muli %mul3A_283, %scan3A_201 : i32
      %add3A_285 = arith.constant 5 : i32
      %add3A_286 = arith.addi %mul3A_284, %add3A_285 : i32
      %mul3A_287 = arith.constant 32 : i32
      %mul3A_288 = arith.muli %mul3A_287, %add3A_286 : i32
      %add3A_289 = arith.addi %add3A, %mul3A_288 : i32
      %dma_wait3A_290 = arith.constant 0 : i32
      %dma_wait3A_291 = tpu.memref_slice %arg2[%dma_wait3A_290] : memref<12800000xi32, #tpu.memory_space<hbm>> -> memref<2048xi32, #tpu.memory_space<hbm>>
      %dma_wait3A_292 = arith.constant 0 : i32
      %dma_wait3A_293 = tpu.memref_slice %arg2[%dma_wait3A_292] : memref<12800000xi32, #tpu.memory_space<hbm>> -> memref<2048xi32, #tpu.memory_space<hbm>>
      tpu.wait_dma2 semaphore(%arg31 : memref<!tpu.dma_semaphore, #tpu.memory_space<semaphore_mem>>) src(%dma_wait3A_293 : memref<2048xi32, #tpu.memory_space<hbm>>) dst(%arg11 : memref<2048xi32, #tpu.memory_space<vmem>>)
      %lt3A_294 = arith.constant 3125 : i32
      %lt3A_295 = arith.cmpi slt, %add3A_289, %lt3A_294 : i32
      %convert_element_type3A_296 = arith.extui %lt3A_295 : i1 to i32
      %cond3A_297 = arith.constant 0 : i32
      %cond3A_298 = arith.cmpi ne, %convert_element_type3A_296, %cond3A_297 : i32
      scf.if %cond3A_298 {
        %dma_start3A_552 = arith.constant 0 : i32
        %dma_start3A_553 = tpu.memref_slice %arg24[%dma_start3A_552] : memref<104000xf32, #tpu.memory_space<vmem_shared>> -> memref<104000xf32, #tpu.memory_space<vmem_shared>>
        tpu.enqueue_indirect_dma source(%dma_start3A_553 : memref<104000xf32, #tpu.memory_space<vmem_shared>>) target(%arg23 : memref<2048xf32, #tpu.memory_space<vmem>>) offsets(%arg11 : memref<2048xi32, #tpu.memory_space<vmem>>) semaphore(%arg43 : memref<!tpu.dma_semaphore, #tpu.memory_space<semaphore_mem>>)
      } else {
      }
      %mul3A_299 = arith.constant 6 : i32
      %mul3A_300 = arith.muli %mul3A_299, %scan3A_201 : i32
      %add3A_301 = arith.constant 0 : i32
      %add3A_302 = arith.addi %mul3A_300, %add3A_301 : i32
      %mul3A_303 = arith.constant 32 : i32
      %mul3A_304 = arith.muli %mul3A_303, %add3A_302 : i32
      %add3A_305 = arith.addi %add3A, %mul3A_304 : i32
      %dma_wait3A_306 = arith.constant 0 : i32
      %dma_wait3A_307 = tpu.memref_slice %arg2[%dma_wait3A_306] : memref<12800000xi32, #tpu.memory_space<hbm>> -> memref<2048xi32, #tpu.memory_space<hbm>>
      %dma_wait3A_308 = arith.constant 0 : i32
      %dma_wait3A_309 = tpu.memref_slice %arg2[%dma_wait3A_308] : memref<12800000xi32, #tpu.memory_space<hbm>> -> memref<2048xi32, #tpu.memory_space<hbm>>
      tpu.wait_dma2 semaphore(%arg32 : memref<!tpu.dma_semaphore, #tpu.memory_space<semaphore_mem>>) src(%dma_wait3A_309 : memref<2048xi32, #tpu.memory_space<hbm>>) dst(%arg12 : memref<2048xi32, #tpu.memory_space<vmem>>)
      %lt3A_310 = arith.constant 3125 : i32
      %lt3A_311 = arith.cmpi slt, %add3A_305, %lt3A_310 : i32
      %convert_element_type3A_312 = arith.extui %lt3A_311 : i1 to i32
      %cond3A_313 = arith.constant 0 : i32
      %cond3A_314 = arith.cmpi ne, %convert_element_type3A_312, %cond3A_313 : i32
      scf.if %cond3A_314 {
        %dma_wait3A_552 = arith.constant 0 : i32
        %dma_wait3A_553 = tpu.memref_slice %arg24[%dma_wait3A_552] : memref<104000xf32, #tpu.memory_space<vmem_shared>> -> memref<104000xf32, #tpu.memory_space<vmem_shared>>
        tpu.wait_indirect_dma semaphore(%arg38 : memref<!tpu.dma_semaphore, #tpu.memory_space<semaphore_mem>>) src(%dma_wait3A_553 : memref<104000xf32, #tpu.memory_space<vmem_shared>>) dst(%arg18 : memref<2048xf32, #tpu.memory_space<vmem>>)
        %dma_start3A_554 = arith.constant 0 : i32
        %dma_start3A_555 = tpu.memref_slice %arg25[%dma_start3A_554] : memref<104000xf32, #tpu.memory_space<vmem_shared>> -> memref<104000xf32, #tpu.memory_space<vmem_shared>>
        tpu.enqueue_indirect_dma source(%arg18 : memref<2048xf32, #tpu.memory_space<vmem>>) target(%dma_start3A_555 : memref<104000xf32, #tpu.memory_space<vmem_shared>>) offsets(%arg12 : memref<2048xi32, #tpu.memory_space<vmem>>) semaphore(%arg44 : memref<!tpu.dma_semaphore, #tpu.memory_space<semaphore_mem>>) {add = true}
      } else {
      }
      %mul3A_315 = arith.constant 6 : i32
      %mul3A_316 = arith.muli %mul3A_315, %scan3A_201 : i32
      %add3A_317 = arith.constant 1 : i32
      %add3A_318 = arith.addi %mul3A_316, %add3A_317 : i32
      %mul3A_319 = arith.constant 32 : i32
      %mul3A_320 = arith.muli %mul3A_319, %add3A_318 : i32
      %add3A_321 = arith.addi %add3A, %mul3A_320 : i32
      %dma_wait3A_322 = arith.constant 0 : i32
      %dma_wait3A_323 = tpu.memref_slice %arg2[%dma_wait3A_322] : memref<12800000xi32, #tpu.memory_space<hbm>> -> memref<2048xi32, #tpu.memory_space<hbm>>
      %dma_wait3A_324 = arith.constant 0 : i32
      %dma_wait3A_325 = tpu.memref_slice %arg2[%dma_wait3A_324] : memref<12800000xi32, #tpu.memory_space<hbm>> -> memref<2048xi32, #tpu.memory_space<hbm>>
      tpu.wait_dma2 semaphore(%arg33 : memref<!tpu.dma_semaphore, #tpu.memory_space<semaphore_mem>>) src(%dma_wait3A_325 : memref<2048xi32, #tpu.memory_space<hbm>>) dst(%arg13 : memref<2048xi32, #tpu.memory_space<vmem>>)
      %lt3A_326 = arith.constant 3125 : i32
      %lt3A_327 = arith.cmpi slt, %add3A_321, %lt3A_326 : i32
      %convert_element_type3A_328 = arith.extui %lt3A_327 : i1 to i32
      %cond3A_329 = arith.constant 0 : i32
      %cond3A_330 = arith.cmpi ne, %convert_element_type3A_328, %cond3A_329 : i32
      scf.if %cond3A_330 {
        %dma_wait3A_552 = arith.constant 0 : i32
        %dma_wait3A_553 = tpu.memref_slice %arg24[%dma_wait3A_552] : memref<104000xf32, #tpu.memory_space<vmem_shared>> -> memref<104000xf32, #tpu.memory_space<vmem_shared>>
        tpu.wait_indirect_dma semaphore(%arg39 : memref<!tpu.dma_semaphore, #tpu.memory_space<semaphore_mem>>) src(%dma_wait3A_553 : memref<104000xf32, #tpu.memory_space<vmem_shared>>) dst(%arg19 : memref<2048xf32, #tpu.memory_space<vmem>>)
        %dma_start3A_554 = arith.constant 0 : i32
        %dma_start3A_555 = tpu.memref_slice %arg25[%dma_start3A_554] : memref<104000xf32, #tpu.memory_space<vmem_shared>> -> memref<104000xf32, #tpu.memory_space<vmem_shared>>
        tpu.enqueue_indirect_dma source(%arg19 : memref<2048xf32, #tpu.memory_space<vmem>>) target(%dma_start3A_555 : memref<104000xf32, #tpu.memory_space<vmem_shared>>) offsets(%arg13 : memref<2048xi32, #tpu.memory_space<vmem>>) semaphore(%arg45 : memref<!tpu.dma_semaphore, #tpu.memory_space<semaphore_mem>>) {add = true}
      } else {
      }
      %mul3A_331 = arith.constant 6 : i32
      %mul3A_332 = arith.muli %mul3A_331, %scan3A_201 : i32
      %add3A_333 = arith.constant 2 : i32
      %add3A_334 = arith.addi %mul3A_332, %add3A_333 : i32
      %mul3A_335 = arith.constant 32 : i32
      %mul3A_336 = arith.muli %mul3A_335, %add3A_334 : i32
      %add3A_337 = arith.addi %add3A, %mul3A_336 : i32
      %dma_wait3A_338 = arith.constant 0 : i32
      %dma_wait3A_339 = tpu.memref_slice %arg2[%dma_wait3A_338] : memref<12800000xi32, #tpu.memory_space<hbm>> -> memref<2048xi32, #tpu.memory_space<hbm>>
      %dma_wait3A_340 = arith.constant 0 : i32
      %dma_wait3A_341 = tpu.memref_slice %arg2[%dma_wait3A_340] : memref<12800000xi32, #tpu.memory_space<hbm>> -> memref<2048xi32, #tpu.memory_space<hbm>>
      tpu.wait_dma2 semaphore(%arg34 : memref<!tpu.dma_semaphore, #tpu.memory_space<semaphore_mem>>) src(%dma_wait3A_341 : memref<2048xi32, #tpu.memory_space<hbm>>) dst(%arg14 : memref<2048xi32, #tpu.memory_space<vmem>>)
      %lt3A_342 = arith.constant 3125 : i32
      %lt3A_343 = arith.cmpi slt, %add3A_337, %lt3A_342 : i32
      %convert_element_type3A_344 = arith.extui %lt3A_343 : i1 to i32
      %cond3A_345 = arith.constant 0 : i32
      %cond3A_346 = arith.cmpi ne, %convert_element_type3A_344, %cond3A_345 : i32
      scf.if %cond3A_346 {
        %dma_wait3A_552 = arith.constant 0 : i32
        %dma_wait3A_553 = tpu.memref_slice %arg24[%dma_wait3A_552] : memref<104000xf32, #tpu.memory_space<vmem_shared>> -> memref<104000xf32, #tpu.memory_space<vmem_shared>>
        tpu.wait_indirect_dma semaphore(%arg40 : memref<!tpu.dma_semaphore, #tpu.memory_space<semaphore_mem>>) src(%dma_wait3A_553 : memref<104000xf32, #tpu.memory_space<vmem_shared>>) dst(%arg20 : memref<2048xf32, #tpu.memory_space<vmem>>)
        %dma_start3A_554 = arith.constant 0 : i32
        %dma_start3A_555 = tpu.memref_slice %arg25[%dma_start3A_554] : memref<104000xf32, #tpu.memory_space<vmem_shared>> -> memref<104000xf32, #tpu.memory_space<vmem_shared>>
        tpu.enqueue_indirect_dma source(%arg20 : memref<2048xf32, #tpu.memory_space<vmem>>) target(%dma_start3A_555 : memref<104000xf32, #tpu.memory_space<vmem_shared>>) offsets(%arg14 : memref<2048xi32, #tpu.memory_space<vmem>>) semaphore(%arg46 : memref<!tpu.dma_semaphore, #tpu.memory_space<semaphore_mem>>) {add = true}
      } else {
      }
      %mul3A_347 = arith.constant 6 : i32
      %mul3A_348 = arith.muli %mul3A_347, %scan3A_201 : i32
      %add3A_349 = arith.constant 3 : i32
      %add3A_350 = arith.addi %mul3A_348, %add3A_349 : i32
      %mul3A_351 = arith.constant 32 : i32
      %mul3A_352 = arith.muli %mul3A_351, %add3A_350 : i32
      %add3A_353 = arith.addi %add3A, %mul3A_352 : i32
      %dma_wait3A_354 = arith.constant 0 : i32
      %dma_wait3A_355 = tpu.memref_slice %arg2[%dma_wait3A_354] : memref<12800000xi32, #tpu.memory_space<hbm>> -> memref<2048xi32, #tpu.memory_space<hbm>>
      %dma_wait3A_356 = arith.constant 0 : i32
      %dma_wait3A_357 = tpu.memref_slice %arg2[%dma_wait3A_356] : memref<12800000xi32, #tpu.memory_space<hbm>> -> memref<2048xi32, #tpu.memory_space<hbm>>
      tpu.wait_dma2 semaphore(%arg35 : memref<!tpu.dma_semaphore, #tpu.memory_space<semaphore_mem>>) src(%dma_wait3A_357 : memref<2048xi32, #tpu.memory_space<hbm>>) dst(%arg15 : memref<2048xi32, #tpu.memory_space<vmem>>)
      %lt3A_358 = arith.constant 3125 : i32
      %lt3A_359 = arith.cmpi slt, %add3A_353, %lt3A_358 : i32
      %convert_element_type3A_360 = arith.extui %lt3A_359 : i1 to i32
      %cond3A_361 = arith.constant 0 : i32
      %cond3A_362 = arith.cmpi ne, %convert_element_type3A_360, %cond3A_361 : i32
      scf.if %cond3A_362 {
        %dma_wait3A_552 = arith.constant 0 : i32
        %dma_wait3A_553 = tpu.memref_slice %arg24[%dma_wait3A_552] : memref<104000xf32, #tpu.memory_space<vmem_shared>> -> memref<104000xf32, #tpu.memory_space<vmem_shared>>
        tpu.wait_indirect_dma semaphore(%arg41 : memref<!tpu.dma_semaphore, #tpu.memory_space<semaphore_mem>>) src(%dma_wait3A_553 : memref<104000xf32, #tpu.memory_space<vmem_shared>>) dst(%arg21 : memref<2048xf32, #tpu.memory_space<vmem>>)
        %dma_start3A_554 = arith.constant 0 : i32
        %dma_start3A_555 = tpu.memref_slice %arg25[%dma_start3A_554] : memref<104000xf32, #tpu.memory_space<vmem_shared>> -> memref<104000xf32, #tpu.memory_space<vmem_shared>>
        tpu.enqueue_indirect_dma source(%arg21 : memref<2048xf32, #tpu.memory_space<vmem>>) target(%dma_start3A_555 : memref<104000xf32, #tpu.memory_space<vmem_shared>>) offsets(%arg15 : memref<2048xi32, #tpu.memory_space<vmem>>) semaphore(%arg47 : memref<!tpu.dma_semaphore, #tpu.memory_space<semaphore_mem>>) {add = true}
      } else {
      }
      %mul3A_363 = arith.constant 6 : i32
      %mul3A_364 = arith.muli %mul3A_363, %scan3A_201 : i32
      %add3A_365 = arith.constant 4 : i32
      %add3A_366 = arith.addi %mul3A_364, %add3A_365 : i32
      %mul3A_367 = arith.constant 32 : i32
      %mul3A_368 = arith.muli %mul3A_367, %add3A_366 : i32
      %add3A_369 = arith.addi %add3A, %mul3A_368 : i32
      %dma_wait3A_370 = arith.constant 0 : i32
      %dma_wait3A_371 = tpu.memref_slice %arg2[%dma_wait3A_370] : memref<12800000xi32, #tpu.memory_space<hbm>> -> memref<2048xi32, #tpu.memory_space<hbm>>
      %dma_wait3A_372 = arith.constant 0 : i32
      %dma_wait3A_373 = tpu.memref_slice %arg2[%dma_wait3A_372] : memref<12800000xi32, #tpu.memory_space<hbm>> -> memref<2048xi32, #tpu.memory_space<hbm>>
      tpu.wait_dma2 semaphore(%arg36 : memref<!tpu.dma_semaphore, #tpu.memory_space<semaphore_mem>>) src(%dma_wait3A_373 : memref<2048xi32, #tpu.memory_space<hbm>>) dst(%arg16 : memref<2048xi32, #tpu.memory_space<vmem>>)
      %lt3A_374 = arith.constant 3125 : i32
      %lt3A_375 = arith.cmpi slt, %add3A_369, %lt3A_374 : i32
      %convert_element_type3A_376 = arith.extui %lt3A_375 : i1 to i32
      %cond3A_377 = arith.constant 0 : i32
      %cond3A_378 = arith.cmpi ne, %convert_element_type3A_376, %cond3A_377 : i32
      scf.if %cond3A_378 {
        %dma_wait3A_552 = arith.constant 0 : i32
        %dma_wait3A_553 = tpu.memref_slice %arg24[%dma_wait3A_552] : memref<104000xf32, #tpu.memory_space<vmem_shared>> -> memref<104000xf32, #tpu.memory_space<vmem_shared>>
        tpu.wait_indirect_dma semaphore(%arg42 : memref<!tpu.dma_semaphore, #tpu.memory_space<semaphore_mem>>) src(%dma_wait3A_553 : memref<104000xf32, #tpu.memory_space<vmem_shared>>) dst(%arg22 : memref<2048xf32, #tpu.memory_space<vmem>>)
        %dma_start3A_554 = arith.constant 0 : i32
        %dma_start3A_555 = tpu.memref_slice %arg25[%dma_start3A_554] : memref<104000xf32, #tpu.memory_space<vmem_shared>> -> memref<104000xf32, #tpu.memory_space<vmem_shared>>
        tpu.enqueue_indirect_dma source(%arg22 : memref<2048xf32, #tpu.memory_space<vmem>>) target(%dma_start3A_555 : memref<104000xf32, #tpu.memory_space<vmem_shared>>) offsets(%arg16 : memref<2048xi32, #tpu.memory_space<vmem>>) semaphore(%arg48 : memref<!tpu.dma_semaphore, #tpu.memory_space<semaphore_mem>>) {add = true}
      } else {
      }
      %mul3A_379 = arith.constant 6 : i32
      %mul3A_380 = arith.muli %mul3A_379, %scan3A_201 : i32
      %add3A_381 = arith.constant 5 : i32
      %add3A_382 = arith.addi %mul3A_380, %add3A_381 : i32
      %mul3A_383 = arith.constant 32 : i32
      %mul3A_384 = arith.muli %mul3A_383, %add3A_382 : i32
      %add3A_385 = arith.addi %add3A, %mul3A_384 : i32
      %dma_wait3A_386 = arith.constant 0 : i32
      %dma_wait3A_387 = tpu.memref_slice %arg2[%dma_wait3A_386] : memref<12800000xi32, #tpu.memory_space<hbm>> -> memref<2048xi32, #tpu.memory_space<hbm>>
      %dma_wait3A_388 = arith.constant 0 : i32
      %dma_wait3A_389 = tpu.memref_slice %arg2[%dma_wait3A_388] : memref<12800000xi32, #tpu.memory_space<hbm>> -> memref<2048xi32, #tpu.memory_space<hbm>>
      tpu.wait_dma2 semaphore(%arg37 : memref<!tpu.dma_semaphore, #tpu.memory_space<semaphore_mem>>) src(%dma_wait3A_389 : memref<2048xi32, #tpu.memory_space<hbm>>) dst(%arg17 : memref<2048xi32, #tpu.memory_space<vmem>>)
      %lt3A_390 = arith.constant 3125 : i32
      %lt3A_391 = arith.cmpi slt, %add3A_385, %lt3A_390 : i32
      %convert_element_type3A_392 = arith.extui %lt3A_391 : i1 to i32
      %cond3A_393 = arith.constant 0 : i32
      %cond3A_394 = arith.cmpi ne, %convert_element_type3A_392, %cond3A_393 : i32
      scf.if %cond3A_394 {
        %dma_wait3A_552 = arith.constant 0 : i32
        %dma_wait3A_553 = tpu.memref_slice %arg24[%dma_wait3A_552] : memref<104000xf32, #tpu.memory_space<vmem_shared>> -> memref<104000xf32, #tpu.memory_space<vmem_shared>>
        tpu.wait_indirect_dma semaphore(%arg43 : memref<!tpu.dma_semaphore, #tpu.memory_space<semaphore_mem>>) src(%dma_wait3A_553 : memref<104000xf32, #tpu.memory_space<vmem_shared>>) dst(%arg23 : memref<2048xf32, #tpu.memory_space<vmem>>)
        %dma_start3A_554 = arith.constant 0 : i32
        %dma_start3A_555 = tpu.memref_slice %arg25[%dma_start3A_554] : memref<104000xf32, #tpu.memory_space<vmem_shared>> -> memref<104000xf32, #tpu.memory_space<vmem_shared>>
        tpu.enqueue_indirect_dma source(%arg23 : memref<2048xf32, #tpu.memory_space<vmem>>) target(%dma_start3A_555 : memref<104000xf32, #tpu.memory_space<vmem_shared>>) offsets(%arg17 : memref<2048xi32, #tpu.memory_space<vmem>>) semaphore(%arg49 : memref<!tpu.dma_semaphore, #tpu.memory_space<semaphore_mem>>) {add = true}
      } else {
      }
      %mul3A_395 = arith.constant 6 : i32
      %mul3A_396 = arith.muli %mul3A_395, %scan3A_201 : i32
      %add3A_397 = arith.constant 0 : i32
      %add3A_398 = arith.addi %mul3A_396, %add3A_397 : i32
      %mul3A_399 = arith.constant 32 : i32
      %mul3A_400 = arith.muli %mul3A_399, %add3A_398 : i32
      %add3A_401 = arith.addi %add3A, %mul3A_400 : i32
      %lt3A_402 = arith.constant 3125 : i32
      %lt3A_403 = arith.cmpi slt, %add3A_401, %lt3A_402 : i32
      %convert_element_type3A_404 = arith.extui %lt3A_403 : i1 to i32
      %cond3A_405 = arith.constant 0 : i32
      %cond3A_406 = arith.cmpi ne, %convert_element_type3A_404, %cond3A_405 : i32
      scf.if %cond3A_406 {
        %dma_wait3A_552 = arith.constant 0 : i32
        %dma_wait3A_553 = tpu.memref_slice %arg25[%dma_wait3A_552] : memref<104000xf32, #tpu.memory_space<vmem_shared>> -> memref<104000xf32, #tpu.memory_space<vmem_shared>>
        tpu.wait_indirect_dma semaphore(%arg44 : memref<!tpu.dma_semaphore, #tpu.memory_space<semaphore_mem>>) src(%arg18 : memref<2048xf32, #tpu.memory_space<vmem>>) dst(%dma_wait3A_553 : memref<104000xf32, #tpu.memory_space<vmem_shared>>)
      } else {
      }
      %add3A_407 = arith.constant 192 : i32
      %add3A_408 = arith.addi %add3A_401, %add3A_407 : i32
      %min3A_409 = arith.constant 3124 : i32
      %min3A_410 = arith.minsi %add3A_408, %min3A_409 : i32
      %mul3A_411 = arith.constant 2048 : i32
      %mul3A_412 = arith.muli %min3A_410, %mul3A_411 : i32
      %dma_start3A_413 = tpu.memref_slice %arg2[%mul3A_412] : memref<12800000xi32, #tpu.memory_space<hbm>> -> memref<2048xi32, #tpu.memory_space<hbm>>
      %dma_start3A_414 = tpu.memref_slice %arg2[%mul3A_412] : memref<12800000xi32, #tpu.memory_space<hbm>> -> memref<2048xi32, #tpu.memory_space<hbm>>
      tpu.enqueue_dma source(%dma_start3A_414 : memref<2048xi32, #tpu.memory_space<hbm>>) target(%arg6 : memref<2048xi32, #tpu.memory_space<vmem>>) target_semaphore(%arg26 : memref<!tpu.dma_semaphore, #tpu.memory_space<semaphore_mem>>)
      %mul3A_415 = arith.constant 2048 : i32
      %mul3A_416 = arith.muli %min3A_410, %mul3A_415 : i32
      %add3A_417 = arith.constant 6400000 : i32
      %add3A_418 = arith.addi %add3A_417, %mul3A_416 : i32
      %dma_start3A_419 = tpu.memref_slice %arg2[%add3A_418] : memref<12800000xi32, #tpu.memory_space<hbm>> -> memref<2048xi32, #tpu.memory_space<hbm>>
      %dma_start3A_420 = tpu.memref_slice %arg2[%add3A_418] : memref<12800000xi32, #tpu.memory_space<hbm>> -> memref<2048xi32, #tpu.memory_space<hbm>>
      tpu.enqueue_dma source(%dma_start3A_420 : memref<2048xi32, #tpu.memory_space<hbm>>) target(%arg12 : memref<2048xi32, #tpu.memory_space<vmem>>) target_semaphore(%arg32 : memref<!tpu.dma_semaphore, #tpu.memory_space<semaphore_mem>>)
      %mul3A_421 = arith.constant 6 : i32
      %mul3A_422 = arith.muli %mul3A_421, %scan3A_201 : i32
      %add3A_423 = arith.constant 1 : i32
      %add3A_424 = arith.addi %mul3A_422, %add3A_423 : i32
      %mul3A_425 = arith.constant 32 : i32
      %mul3A_426 = arith.muli %mul3A_425, %add3A_424 : i32
      %add3A_427 = arith.addi %add3A, %mul3A_426 : i32
      %lt3A_428 = arith.constant 3125 : i32
      %lt3A_429 = arith.cmpi slt, %add3A_427, %lt3A_428 : i32
      %convert_element_type3A_430 = arith.extui %lt3A_429 : i1 to i32
      %cond3A_431 = arith.constant 0 : i32
      %cond3A_432 = arith.cmpi ne, %convert_element_type3A_430, %cond3A_431 : i32
      scf.if %cond3A_432 {
        %dma_wait3A_552 = arith.constant 0 : i32
        %dma_wait3A_553 = tpu.memref_slice %arg25[%dma_wait3A_552] : memref<104000xf32, #tpu.memory_space<vmem_shared>> -> memref<104000xf32, #tpu.memory_space<vmem_shared>>
        tpu.wait_indirect_dma semaphore(%arg45 : memref<!tpu.dma_semaphore, #tpu.memory_space<semaphore_mem>>) src(%arg19 : memref<2048xf32, #tpu.memory_space<vmem>>) dst(%dma_wait3A_553 : memref<104000xf32, #tpu.memory_space<vmem_shared>>)
      } else {
      }
      %add3A_433 = arith.constant 192 : i32
      %add3A_434 = arith.addi %add3A_427, %add3A_433 : i32
      %min3A_435 = arith.constant 3124 : i32
      %min3A_436 = arith.minsi %add3A_434, %min3A_435 : i32
      %mul3A_437 = arith.constant 2048 : i32
      %mul3A_438 = arith.muli %min3A_436, %mul3A_437 : i32
      %dma_start3A_439 = tpu.memref_slice %arg2[%mul3A_438] : memref<12800000xi32, #tpu.memory_space<hbm>> -> memref<2048xi32, #tpu.memory_space<hbm>>
      %dma_start3A_440 = tpu.memref_slice %arg2[%mul3A_438] : memref<12800000xi32, #tpu.memory_space<hbm>> -> memref<2048xi32, #tpu.memory_space<hbm>>
      tpu.enqueue_dma source(%dma_start3A_440 : memref<2048xi32, #tpu.memory_space<hbm>>) target(%arg7 : memref<2048xi32, #tpu.memory_space<vmem>>) target_semaphore(%arg27 : memref<!tpu.dma_semaphore, #tpu.memory_space<semaphore_mem>>)
      %mul3A_441 = arith.constant 2048 : i32
      %mul3A_442 = arith.muli %min3A_436, %mul3A_441 : i32
      %add3A_443 = arith.constant 6400000 : i32
      %add3A_444 = arith.addi %add3A_443, %mul3A_442 : i32
      %dma_start3A_445 = tpu.memref_slice %arg2[%add3A_444] : memref<12800000xi32, #tpu.memory_space<hbm>> -> memref<2048xi32, #tpu.memory_space<hbm>>
      %dma_start3A_446 = tpu.memref_slice %arg2[%add3A_444] : memref<12800000xi32, #tpu.memory_space<hbm>> -> memref<2048xi32, #tpu.memory_space<hbm>>
      tpu.enqueue_dma source(%dma_start3A_446 : memref<2048xi32, #tpu.memory_space<hbm>>) target(%arg13 : memref<2048xi32, #tpu.memory_space<vmem>>) target_semaphore(%arg33 : memref<!tpu.dma_semaphore, #tpu.memory_space<semaphore_mem>>)
      %mul3A_447 = arith.constant 6 : i32
      %mul3A_448 = arith.muli %mul3A_447, %scan3A_201 : i32
      %add3A_449 = arith.constant 2 : i32
      %add3A_450 = arith.addi %mul3A_448, %add3A_449 : i32
      %mul3A_451 = arith.constant 32 : i32
      %mul3A_452 = arith.muli %mul3A_451, %add3A_450 : i32
      %add3A_453 = arith.addi %add3A, %mul3A_452 : i32
      %lt3A_454 = arith.constant 3125 : i32
      %lt3A_455 = arith.cmpi slt, %add3A_453, %lt3A_454 : i32
      %convert_element_type3A_456 = arith.extui %lt3A_455 : i1 to i32
      %cond3A_457 = arith.constant 0 : i32
      %cond3A_458 = arith.cmpi ne, %convert_element_type3A_456, %cond3A_457 : i32
      scf.if %cond3A_458 {
        %dma_wait3A_552 = arith.constant 0 : i32
        %dma_wait3A_553 = tpu.memref_slice %arg25[%dma_wait3A_552] : memref<104000xf32, #tpu.memory_space<vmem_shared>> -> memref<104000xf32, #tpu.memory_space<vmem_shared>>
        tpu.wait_indirect_dma semaphore(%arg46 : memref<!tpu.dma_semaphore, #tpu.memory_space<semaphore_mem>>) src(%arg20 : memref<2048xf32, #tpu.memory_space<vmem>>) dst(%dma_wait3A_553 : memref<104000xf32, #tpu.memory_space<vmem_shared>>)
      } else {
      }
      %add3A_459 = arith.constant 192 : i32
      %add3A_460 = arith.addi %add3A_453, %add3A_459 : i32
      %min3A_461 = arith.constant 3124 : i32
      %min3A_462 = arith.minsi %add3A_460, %min3A_461 : i32
      %mul3A_463 = arith.constant 2048 : i32
      %mul3A_464 = arith.muli %min3A_462, %mul3A_463 : i32
      %dma_start3A_465 = tpu.memref_slice %arg2[%mul3A_464] : memref<12800000xi32, #tpu.memory_space<hbm>> -> memref<2048xi32, #tpu.memory_space<hbm>>
      %dma_start3A_466 = tpu.memref_slice %arg2[%mul3A_464] : memref<12800000xi32, #tpu.memory_space<hbm>> -> memref<2048xi32, #tpu.memory_space<hbm>>
      tpu.enqueue_dma source(%dma_start3A_466 : memref<2048xi32, #tpu.memory_space<hbm>>) target(%arg8 : memref<2048xi32, #tpu.memory_space<vmem>>) target_semaphore(%arg28 : memref<!tpu.dma_semaphore, #tpu.memory_space<semaphore_mem>>)
      %mul3A_467 = arith.constant 2048 : i32
      %mul3A_468 = arith.muli %min3A_462, %mul3A_467 : i32
      %add3A_469 = arith.constant 6400000 : i32
      %add3A_470 = arith.addi %add3A_469, %mul3A_468 : i32
      %dma_start3A_471 = tpu.memref_slice %arg2[%add3A_470] : memref<12800000xi32, #tpu.memory_space<hbm>> -> memref<2048xi32, #tpu.memory_space<hbm>>
      %dma_start3A_472 = tpu.memref_slice %arg2[%add3A_470] : memref<12800000xi32, #tpu.memory_space<hbm>> -> memref<2048xi32, #tpu.memory_space<hbm>>
      tpu.enqueue_dma source(%dma_start3A_472 : memref<2048xi32, #tpu.memory_space<hbm>>) target(%arg14 : memref<2048xi32, #tpu.memory_space<vmem>>) target_semaphore(%arg34 : memref<!tpu.dma_semaphore, #tpu.memory_space<semaphore_mem>>)
      %mul3A_473 = arith.constant 6 : i32
      %mul3A_474 = arith.muli %mul3A_473, %scan3A_201 : i32
      %add3A_475 = arith.constant 3 : i32
      %add3A_476 = arith.addi %mul3A_474, %add3A_475 : i32
      %mul3A_477 = arith.constant 32 : i32
      %mul3A_478 = arith.muli %mul3A_477, %add3A_476 : i32
      %add3A_479 = arith.addi %add3A, %mul3A_478 : i32
      %lt3A_480 = arith.constant 3125 : i32
      %lt3A_481 = arith.cmpi slt, %add3A_479, %lt3A_480 : i32
      %convert_element_type3A_482 = arith.extui %lt3A_481 : i1 to i32
      %cond3A_483 = arith.constant 0 : i32
      %cond3A_484 = arith.cmpi ne, %convert_element_type3A_482, %cond3A_483 : i32
      scf.if %cond3A_484 {
        %dma_wait3A_552 = arith.constant 0 : i32
        %dma_wait3A_553 = tpu.memref_slice %arg25[%dma_wait3A_552] : memref<104000xf32, #tpu.memory_space<vmem_shared>> -> memref<104000xf32, #tpu.memory_space<vmem_shared>>
        tpu.wait_indirect_dma semaphore(%arg47 : memref<!tpu.dma_semaphore, #tpu.memory_space<semaphore_mem>>) src(%arg21 : memref<2048xf32, #tpu.memory_space<vmem>>) dst(%dma_wait3A_553 : memref<104000xf32, #tpu.memory_space<vmem_shared>>)
      } else {
      }
      %add3A_485 = arith.constant 192 : i32
      %add3A_486 = arith.addi %add3A_479, %add3A_485 : i32
      %min3A_487 = arith.constant 3124 : i32
      %min3A_488 = arith.minsi %add3A_486, %min3A_487 : i32
      %mul3A_489 = arith.constant 2048 : i32
      %mul3A_490 = arith.muli %min3A_488, %mul3A_489 : i32
      %dma_start3A_491 = tpu.memref_slice %arg2[%mul3A_490] : memref<12800000xi32, #tpu.memory_space<hbm>> -> memref<2048xi32, #tpu.memory_space<hbm>>
      %dma_start3A_492 = tpu.memref_slice %arg2[%mul3A_490] : memref<12800000xi32, #tpu.memory_space<hbm>> -> memref<2048xi32, #tpu.memory_space<hbm>>
      tpu.enqueue_dma source(%dma_start3A_492 : memref<2048xi32, #tpu.memory_space<hbm>>) target(%arg9 : memref<2048xi32, #tpu.memory_space<vmem>>) target_semaphore(%arg29 : memref<!tpu.dma_semaphore, #tpu.memory_space<semaphore_mem>>)
      %mul3A_493 = arith.constant 2048 : i32
      %mul3A_494 = arith.muli %min3A_488, %mul3A_493 : i32
      %add3A_495 = arith.constant 6400000 : i32
      %add3A_496 = arith.addi %add3A_495, %mul3A_494 : i32
      %dma_start3A_497 = tpu.memref_slice %arg2[%add3A_496] : memref<12800000xi32, #tpu.memory_space<hbm>> -> memref<2048xi32, #tpu.memory_space<hbm>>
      %dma_start3A_498 = tpu.memref_slice %arg2[%add3A_496] : memref<12800000xi32, #tpu.memory_space<hbm>> -> memref<2048xi32, #tpu.memory_space<hbm>>
      tpu.enqueue_dma source(%dma_start3A_498 : memref<2048xi32, #tpu.memory_space<hbm>>) target(%arg15 : memref<2048xi32, #tpu.memory_space<vmem>>) target_semaphore(%arg35 : memref<!tpu.dma_semaphore, #tpu.memory_space<semaphore_mem>>)
      %mul3A_499 = arith.constant 6 : i32
      %mul3A_500 = arith.muli %mul3A_499, %scan3A_201 : i32
      %add3A_501 = arith.constant 4 : i32
      %add3A_502 = arith.addi %mul3A_500, %add3A_501 : i32
      %mul3A_503 = arith.constant 32 : i32
      %mul3A_504 = arith.muli %mul3A_503, %add3A_502 : i32
      %add3A_505 = arith.addi %add3A, %mul3A_504 : i32
      %lt3A_506 = arith.constant 3125 : i32
      %lt3A_507 = arith.cmpi slt, %add3A_505, %lt3A_506 : i32
      %convert_element_type3A_508 = arith.extui %lt3A_507 : i1 to i32
      %cond3A_509 = arith.constant 0 : i32
      %cond3A_510 = arith.cmpi ne, %convert_element_type3A_508, %cond3A_509 : i32
      scf.if %cond3A_510 {
        %dma_wait3A_552 = arith.constant 0 : i32
        %dma_wait3A_553 = tpu.memref_slice %arg25[%dma_wait3A_552] : memref<104000xf32, #tpu.memory_space<vmem_shared>> -> memref<104000xf32, #tpu.memory_space<vmem_shared>>
        tpu.wait_indirect_dma semaphore(%arg48 : memref<!tpu.dma_semaphore, #tpu.memory_space<semaphore_mem>>) src(%arg22 : memref<2048xf32, #tpu.memory_space<vmem>>) dst(%dma_wait3A_553 : memref<104000xf32, #tpu.memory_space<vmem_shared>>)
      } else {
      }
      %add3A_511 = arith.constant 192 : i32
      %add3A_512 = arith.addi %add3A_505, %add3A_511 : i32
      %min3A_513 = arith.constant 3124 : i32
      %min3A_514 = arith.minsi %add3A_512, %min3A_513 : i32
      %mul3A_515 = arith.constant 2048 : i32
      %mul3A_516 = arith.muli %min3A_514, %mul3A_515 : i32
      %dma_start3A_517 = tpu.memref_slice %arg2[%mul3A_516] : memref<12800000xi32, #tpu.memory_space<hbm>> -> memref<2048xi32, #tpu.memory_space<hbm>>
      %dma_start3A_518 = tpu.memref_slice %arg2[%mul3A_516] : memref<12800000xi32, #tpu.memory_space<hbm>> -> memref<2048xi32, #tpu.memory_space<hbm>>
      tpu.enqueue_dma source(%dma_start3A_518 : memref<2048xi32, #tpu.memory_space<hbm>>) target(%arg10 : memref<2048xi32, #tpu.memory_space<vmem>>) target_semaphore(%arg30 : memref<!tpu.dma_semaphore, #tpu.memory_space<semaphore_mem>>)
      %mul3A_519 = arith.constant 2048 : i32
      %mul3A_520 = arith.muli %min3A_514, %mul3A_519 : i32
      %add3A_521 = arith.constant 6400000 : i32
      %add3A_522 = arith.addi %add3A_521, %mul3A_520 : i32
      %dma_start3A_523 = tpu.memref_slice %arg2[%add3A_522] : memref<12800000xi32, #tpu.memory_space<hbm>> -> memref<2048xi32, #tpu.memory_space<hbm>>
      %dma_start3A_524 = tpu.memref_slice %arg2[%add3A_522] : memref<12800000xi32, #tpu.memory_space<hbm>> -> memref<2048xi32, #tpu.memory_space<hbm>>
      tpu.enqueue_dma source(%dma_start3A_524 : memref<2048xi32, #tpu.memory_space<hbm>>) target(%arg16 : memref<2048xi32, #tpu.memory_space<vmem>>) target_semaphore(%arg36 : memref<!tpu.dma_semaphore, #tpu.memory_space<semaphore_mem>>)
      %mul3A_525 = arith.constant 6 : i32
      %mul3A_526 = arith.muli %mul3A_525, %scan3A_201 : i32
      %add3A_527 = arith.constant 5 : i32
      %add3A_528 = arith.addi %mul3A_526, %add3A_527 : i32
      %mul3A_529 = arith.constant 32 : i32
      %mul3A_530 = arith.muli %mul3A_529, %add3A_528 : i32
      %add3A_531 = arith.addi %add3A, %mul3A_530 : i32
      %lt3A_532 = arith.constant 3125 : i32
      %lt3A_533 = arith.cmpi slt, %add3A_531, %lt3A_532 : i32
      %convert_element_type3A_534 = arith.extui %lt3A_533 : i1 to i32
      %cond3A_535 = arith.constant 0 : i32
      %cond3A_536 = arith.cmpi ne, %convert_element_type3A_534, %cond3A_535 : i32
      scf.if %cond3A_536 {
        %dma_wait3A_552 = arith.constant 0 : i32
        %dma_wait3A_553 = tpu.memref_slice %arg25[%dma_wait3A_552] : memref<104000xf32, #tpu.memory_space<vmem_shared>> -> memref<104000xf32, #tpu.memory_space<vmem_shared>>
        tpu.wait_indirect_dma semaphore(%arg49 : memref<!tpu.dma_semaphore, #tpu.memory_space<semaphore_mem>>) src(%arg23 : memref<2048xf32, #tpu.memory_space<vmem>>) dst(%dma_wait3A_553 : memref<104000xf32, #tpu.memory_space<vmem_shared>>)
      } else {
      }
      %add3A_537 = arith.constant 192 : i32
      %add3A_538 = arith.addi %add3A_531, %add3A_537 : i32
      %min3A_539 = arith.constant 3124 : i32
      %min3A_540 = arith.minsi %add3A_538, %min3A_539 : i32
      %mul3A_541 = arith.constant 2048 : i32
      %mul3A_542 = arith.muli %min3A_540, %mul3A_541 : i32
      %dma_start3A_543 = tpu.memref_slice %arg2[%mul3A_542] : memref<12800000xi32, #tpu.memory_space<hbm>> -> memref<2048xi32, #tpu.memory_space<hbm>>
      %dma_start3A_544 = tpu.memref_slice %arg2[%mul3A_542] : memref<12800000xi32, #tpu.memory_space<hbm>> -> memref<2048xi32, #tpu.memory_space<hbm>>
      tpu.enqueue_dma source(%dma_start3A_544 : memref<2048xi32, #tpu.memory_space<hbm>>) target(%arg11 : memref<2048xi32, #tpu.memory_space<vmem>>) target_semaphore(%arg31 : memref<!tpu.dma_semaphore, #tpu.memory_space<semaphore_mem>>)
      %mul3A_545 = arith.constant 2048 : i32
      %mul3A_546 = arith.muli %min3A_540, %mul3A_545 : i32
      %add3A_547 = arith.constant 6400000 : i32
      %add3A_548 = arith.addi %add3A_547, %mul3A_546 : i32
      %dma_start3A_549 = tpu.memref_slice %arg2[%add3A_548] : memref<12800000xi32, #tpu.memory_space<hbm>> -> memref<2048xi32, #tpu.memory_space<hbm>>
      %dma_start3A_550 = tpu.memref_slice %arg2[%add3A_548] : memref<12800000xi32, #tpu.memory_space<hbm>> -> memref<2048xi32, #tpu.memory_space<hbm>>
      tpu.enqueue_dma source(%dma_start3A_550 : memref<2048xi32, #tpu.memory_space<hbm>>) target(%arg17 : memref<2048xi32, #tpu.memory_space<vmem>>) target_semaphore(%arg37 : memref<!tpu.dma_semaphore, #tpu.memory_space<semaphore_mem>>)
      %scan3A_551 = arith.constant 0 : i32
      scf.yield %scan3A_551 : i32
    }
    %scan3A_138 = arith.constant 17 : i32
    %dma_wait3A = arith.constant 0 : i32
    %dma_wait3A_139 = tpu.memref_slice %arg2[%dma_wait3A] : memref<12800000xi32, #tpu.memory_space<hbm>> -> memref<2048xi32, #tpu.memory_space<hbm>>
    %dma_wait3A_140 = arith.constant 0 : i32
    %dma_wait3A_141 = tpu.memref_slice %arg2[%dma_wait3A_140] : memref<12800000xi32, #tpu.memory_space<hbm>> -> memref<2048xi32, #tpu.memory_space<hbm>>
    tpu.wait_dma2 semaphore(%arg26 : memref<!tpu.dma_semaphore, #tpu.memory_space<semaphore_mem>>) src(%dma_wait3A_141 : memref<2048xi32, #tpu.memory_space<hbm>>) dst(%arg6 : memref<2048xi32, #tpu.memory_space<vmem>>)
    %dma_wait3A_142 = arith.constant 0 : i32
    %dma_wait3A_143 = tpu.memref_slice %arg2[%dma_wait3A_142] : memref<12800000xi32, #tpu.memory_space<hbm>> -> memref<2048xi32, #tpu.memory_space<hbm>>
    %dma_wait3A_144 = arith.constant 0 : i32
    %dma_wait3A_145 = tpu.memref_slice %arg2[%dma_wait3A_144] : memref<12800000xi32, #tpu.memory_space<hbm>> -> memref<2048xi32, #tpu.memory_space<hbm>>
    tpu.wait_dma2 semaphore(%arg32 : memref<!tpu.dma_semaphore, #tpu.memory_space<semaphore_mem>>) src(%dma_wait3A_145 : memref<2048xi32, #tpu.memory_space<hbm>>) dst(%arg12 : memref<2048xi32, #tpu.memory_space<vmem>>)
    %dma_wait3A_146 = arith.constant 0 : i32
    %dma_wait3A_147 = tpu.memref_slice %arg2[%dma_wait3A_146] : memref<12800000xi32, #tpu.memory_space<hbm>> -> memref<2048xi32, #tpu.memory_space<hbm>>
    %dma_wait3A_148 = arith.constant 0 : i32
    %dma_wait3A_149 = tpu.memref_slice %arg2[%dma_wait3A_148] : memref<12800000xi32, #tpu.memory_space<hbm>> -> memref<2048xi32, #tpu.memory_space<hbm>>
    tpu.wait_dma2 semaphore(%arg27 : memref<!tpu.dma_semaphore, #tpu.memory_space<semaphore_mem>>) src(%dma_wait3A_149 : memref<2048xi32, #tpu.memory_space<hbm>>) dst(%arg7 : memref<2048xi32, #tpu.memory_space<vmem>>)
    %dma_wait3A_150 = arith.constant 0 : i32
    %dma_wait3A_151 = tpu.memref_slice %arg2[%dma_wait3A_150] : memref<12800000xi32, #tpu.memory_space<hbm>> -> memref<2048xi32, #tpu.memory_space<hbm>>
    %dma_wait3A_152 = arith.constant 0 : i32
    %dma_wait3A_153 = tpu.memref_slice %arg2[%dma_wait3A_152] : memref<12800000xi32, #tpu.memory_space<hbm>> -> memref<2048xi32, #tpu.memory_space<hbm>>
    tpu.wait_dma2 semaphore(%arg33 : memref<!tpu.dma_semaphore, #tpu.memory_space<semaphore_mem>>) src(%dma_wait3A_153 : memref<2048xi32, #tpu.memory_space<hbm>>) dst(%arg13 : memref<2048xi32, #tpu.memory_space<vmem>>)
    %dma_wait3A_154 = arith.constant 0 : i32
    %dma_wait3A_155 = tpu.memref_slice %arg2[%dma_wait3A_154] : memref<12800000xi32, #tpu.memory_space<hbm>> -> memref<2048xi32, #tpu.memory_space<hbm>>
    %dma_wait3A_156 = arith.constant 0 : i32
    %dma_wait3A_157 = tpu.memref_slice %arg2[%dma_wait3A_156] : memref<12800000xi32, #tpu.memory_space<hbm>> -> memref<2048xi32, #tpu.memory_space<hbm>>
    tpu.wait_dma2 semaphore(%arg28 : memref<!tpu.dma_semaphore, #tpu.memory_space<semaphore_mem>>) src(%dma_wait3A_157 : memref<2048xi32, #tpu.memory_space<hbm>>) dst(%arg8 : memref<2048xi32, #tpu.memory_space<vmem>>)
    %dma_wait3A_158 = arith.constant 0 : i32
    %dma_wait3A_159 = tpu.memref_slice %arg2[%dma_wait3A_158] : memref<12800000xi32, #tpu.memory_space<hbm>> -> memref<2048xi32, #tpu.memory_space<hbm>>
    %dma_wait3A_160 = arith.constant 0 : i32
    %dma_wait3A_161 = tpu.memref_slice %arg2[%dma_wait3A_160] : memref<12800000xi32, #tpu.memory_space<hbm>> -> memref<2048xi32, #tpu.memory_space<hbm>>
    tpu.wait_dma2 semaphore(%arg34 : memref<!tpu.dma_semaphore, #tpu.memory_space<semaphore_mem>>) src(%dma_wait3A_161 : memref<2048xi32, #tpu.memory_space<hbm>>) dst(%arg14 : memref<2048xi32, #tpu.memory_space<vmem>>)
    %dma_wait3A_162 = arith.constant 0 : i32
    %dma_wait3A_163 = tpu.memref_slice %arg2[%dma_wait3A_162] : memref<12800000xi32, #tpu.memory_space<hbm>> -> memref<2048xi32, #tpu.memory_space<hbm>>
    %dma_wait3A_164 = arith.constant 0 : i32
    %dma_wait3A_165 = tpu.memref_slice %arg2[%dma_wait3A_164] : memref<12800000xi32, #tpu.memory_space<hbm>> -> memref<2048xi32, #tpu.memory_space<hbm>>
    tpu.wait_dma2 semaphore(%arg29 : memref<!tpu.dma_semaphore, #tpu.memory_space<semaphore_mem>>) src(%dma_wait3A_165 : memref<2048xi32, #tpu.memory_space<hbm>>) dst(%arg9 : memref<2048xi32, #tpu.memory_space<vmem>>)
    %dma_wait3A_166 = arith.constant 0 : i32
    %dma_wait3A_167 = tpu.memref_slice %arg2[%dma_wait3A_166] : memref<12800000xi32, #tpu.memory_space<hbm>> -> memref<2048xi32, #tpu.memory_space<hbm>>
    %dma_wait3A_168 = arith.constant 0 : i32
    %dma_wait3A_169 = tpu.memref_slice %arg2[%dma_wait3A_168] : memref<12800000xi32, #tpu.memory_space<hbm>> -> memref<2048xi32, #tpu.memory_space<hbm>>
    tpu.wait_dma2 semaphore(%arg35 : memref<!tpu.dma_semaphore, #tpu.memory_space<semaphore_mem>>) src(%dma_wait3A_169 : memref<2048xi32, #tpu.memory_space<hbm>>) dst(%arg15 : memref<2048xi32, #tpu.memory_space<vmem>>)
    %dma_wait3A_170 = arith.constant 0 : i32
    %dma_wait3A_171 = tpu.memref_slice %arg2[%dma_wait3A_170] : memref<12800000xi32, #tpu.memory_space<hbm>> -> memref<2048xi32, #tpu.memory_space<hbm>>
    %dma_wait3A_172 = arith.constant 0 : i32
    %dma_wait3A_173 = tpu.memref_slice %arg2[%dma_wait3A_172] : memref<12800000xi32, #tpu.memory_space<hbm>> -> memref<2048xi32, #tpu.memory_space<hbm>>
    tpu.wait_dma2 semaphore(%arg30 : memref<!tpu.dma_semaphore, #tpu.memory_space<semaphore_mem>>) src(%dma_wait3A_173 : memref<2048xi32, #tpu.memory_space<hbm>>) dst(%arg10 : memref<2048xi32, #tpu.memory_space<vmem>>)
    %dma_wait3A_174 = arith.constant 0 : i32
    %dma_wait3A_175 = tpu.memref_slice %arg2[%dma_wait3A_174] : memref<12800000xi32, #tpu.memory_space<hbm>> -> memref<2048xi32, #tpu.memory_space<hbm>>
    %dma_wait3A_176 = arith.constant 0 : i32
    %dma_wait3A_177 = tpu.memref_slice %arg2[%dma_wait3A_176] : memref<12800000xi32, #tpu.memory_space<hbm>> -> memref<2048xi32, #tpu.memory_space<hbm>>
    tpu.wait_dma2 semaphore(%arg36 : memref<!tpu.dma_semaphore, #tpu.memory_space<semaphore_mem>>) src(%dma_wait3A_177 : memref<2048xi32, #tpu.memory_space<hbm>>) dst(%arg16 : memref<2048xi32, #tpu.memory_space<vmem>>)
    %dma_wait3A_178 = arith.constant 0 : i32
    %dma_wait3A_179 = tpu.memref_slice %arg2[%dma_wait3A_178] : memref<12800000xi32, #tpu.memory_space<hbm>> -> memref<2048xi32, #tpu.memory_space<hbm>>
    %dma_wait3A_180 = arith.constant 0 : i32
    %dma_wait3A_181 = tpu.memref_slice %arg2[%dma_wait3A_180] : memref<12800000xi32, #tpu.memory_space<hbm>> -> memref<2048xi32, #tpu.memory_space<hbm>>
    tpu.wait_dma2 semaphore(%arg31 : memref<!tpu.dma_semaphore, #tpu.memory_space<semaphore_mem>>) src(%dma_wait3A_181 : memref<2048xi32, #tpu.memory_space<hbm>>) dst(%arg11 : memref<2048xi32, #tpu.memory_space<vmem>>)
    %dma_wait3A_182 = arith.constant 0 : i32
    %dma_wait3A_183 = tpu.memref_slice %arg2[%dma_wait3A_182] : memref<12800000xi32, #tpu.memory_space<hbm>> -> memref<2048xi32, #tpu.memory_space<hbm>>
    %dma_wait3A_184 = arith.constant 0 : i32
    %dma_wait3A_185 = tpu.memref_slice %arg2[%dma_wait3A_184] : memref<12800000xi32, #tpu.memory_space<hbm>> -> memref<2048xi32, #tpu.memory_space<hbm>>
    tpu.wait_dma2 semaphore(%arg37 : memref<!tpu.dma_semaphore, #tpu.memory_space<semaphore_mem>>) src(%dma_wait3A_185 : memref<2048xi32, #tpu.memory_space<hbm>>) dst(%arg17 : memref<2048xi32, #tpu.memory_space<vmem>>)
    %barrier3A_186 = arith.constant 0 : index
    tpu.barrier barrier_id(%barrier3A_186)
    %add3A_187 = arith.constant 0 : i32
    %add3A_188 = arith.addi %arg1, %add3A_187 : i32
    %lt3A_189 = arith.constant 26 : i32
    %lt3A_190 = arith.cmpi slt, %add3A_188, %lt3A_189 : i32
    %convert_element_type3A_191 = arith.extui %lt3A_190 : i1 to i32
    %cond3A_192 = arith.constant 0 : i32
    %cond3A_193 = arith.cmpi ne, %convert_element_type3A_191, %cond3A_192 : i32
    scf.if %cond3A_193 {
      %mul3A_201 = arith.constant 4000 : i32
      %mul3A_202 = arith.muli %add3A_188, %mul3A_201 : i32
      "tpu.region"() ({
        %run_scoped3A = tpu.sem_alloc : memref<!tpu.dma_semaphore, #tpu.memory_space<semaphore_mem>>
        %dma_start3A_208 = tpu.memref_slice %arg25[%mul3A_202] : memref<104000xf32, #tpu.memory_space<vmem_shared>> -> memref<4000xf32, #tpu.memory_space<vmem_shared>>
        %dma_start3A_209 = tpu.memref_slice %arg25[%mul3A_202] : memref<104000xf32, #tpu.memory_space<vmem_shared>> -> memref<4000xf32, #tpu.memory_space<vmem_shared>>
        tpu.enqueue_dma source(%dma_start3A_209 : memref<4000xf32, #tpu.memory_space<vmem_shared>>) target(%arg5 : memref<4000xf32, #tpu.memory_space<vmem>>) target_semaphore(%run_scoped3A : memref<!tpu.dma_semaphore, #tpu.memory_space<semaphore_mem>>)
        %dma_wait3A_210 = tpu.memref_slice %arg25[%mul3A_202] : memref<104000xf32, #tpu.memory_space<vmem_shared>> -> memref<4000xf32, #tpu.memory_space<vmem_shared>>
        %dma_wait3A_211 = tpu.memref_slice %arg25[%mul3A_202] : memref<104000xf32, #tpu.memory_space<vmem_shared>> -> memref<4000xf32, #tpu.memory_space<vmem_shared>>
        tpu.wait_dma2 semaphore(%run_scoped3A : memref<!tpu.dma_semaphore, #tpu.memory_space<semaphore_mem>>) src(%dma_wait3A_211 : memref<4000xf32, #tpu.memory_space<vmem_shared>>) dst(%arg5 : memref<4000xf32, #tpu.memory_space<vmem>>)
        tpu.yield
      }) : () -> ()
      %mul3A_203 = arith.constant 104000 : i32
      %mul3A_204 = arith.muli %arg0, %mul3A_203 : i32
      %mul3A_205 = arith.constant 4000 : i32
      %mul3A_206 = arith.muli %add3A_188, %mul3A_205 : i32
      %add3A_207 = arith.addi %mul3A_204, %mul3A_206 : i32
      "tpu.region"() ({
        %run_scoped3A = tpu.sem_alloc : memref<!tpu.dma_semaphore, #tpu.memory_space<semaphore_mem>>
        %dma_start3A_208 = tpu.memref_slice %arg4[%add3A_207] : memref<208000xf32, #tpu.memory_space<hbm>> -> memref<4000xf32, #tpu.memory_space<hbm>>
        %dma_start3A_209 = tpu.memref_slice %arg4[%add3A_207] : memref<208000xf32, #tpu.memory_space<hbm>> -> memref<4000xf32, #tpu.memory_space<hbm>>
        tpu.enqueue_dma source(%arg5 : memref<4000xf32, #tpu.memory_space<vmem>>) target(%dma_start3A_209 : memref<4000xf32, #tpu.memory_space<hbm>>) target_semaphore(%run_scoped3A : memref<!tpu.dma_semaphore, #tpu.memory_space<semaphore_mem>>)
        %dma_wait3A_210 = tpu.memref_slice %arg4[%add3A_207] : memref<208000xf32, #tpu.memory_space<hbm>> -> memref<4000xf32, #tpu.memory_space<hbm>>
        %dma_wait3A_211 = tpu.memref_slice %arg4[%add3A_207] : memref<208000xf32, #tpu.memory_space<hbm>> -> memref<4000xf32, #tpu.memory_space<hbm>>
        tpu.wait_dma2 semaphore(%run_scoped3A : memref<!tpu.dma_semaphore, #tpu.memory_space<semaphore_mem>>) src(%arg5 : memref<4000xf32, #tpu.memory_space<vmem>>) dst(%dma_wait3A_211 : memref<4000xf32, #tpu.memory_space<hbm>>)
        tpu.yield
      }) : () -> ()
    } else {
    }
    %add3A_194 = arith.constant 16 : i32
    %add3A_195 = arith.addi %arg1, %add3A_194 : i32
    %lt3A_196 = arith.constant 26 : i32
    %lt3A_197 = arith.cmpi slt, %add3A_195, %lt3A_196 : i32
    %convert_element_type3A_198 = arith.extui %lt3A_197 : i1 to i32
    %cond3A_199 = arith.constant 0 : i32
    %cond3A_200 = arith.cmpi ne, %convert_element_type3A_198, %cond3A_199 : i32
    scf.if %cond3A_200 {
      %mul3A_201 = arith.constant 4000 : i32
      %mul3A_202 = arith.muli %add3A_195, %mul3A_201 : i32
      "tpu.region"() ({
        %run_scoped3A = tpu.sem_alloc : memref<!tpu.dma_semaphore, #tpu.memory_space<semaphore_mem>>
        %dma_start3A_208 = tpu.memref_slice %arg25[%mul3A_202] : memref<104000xf32, #tpu.memory_space<vmem_shared>> -> memref<4000xf32, #tpu.memory_space<vmem_shared>>
        %dma_start3A_209 = tpu.memref_slice %arg25[%mul3A_202] : memref<104000xf32, #tpu.memory_space<vmem_shared>> -> memref<4000xf32, #tpu.memory_space<vmem_shared>>
        tpu.enqueue_dma source(%dma_start3A_209 : memref<4000xf32, #tpu.memory_space<vmem_shared>>) target(%arg5 : memref<4000xf32, #tpu.memory_space<vmem>>) target_semaphore(%run_scoped3A : memref<!tpu.dma_semaphore, #tpu.memory_space<semaphore_mem>>)
        %dma_wait3A_210 = tpu.memref_slice %arg25[%mul3A_202] : memref<104000xf32, #tpu.memory_space<vmem_shared>> -> memref<4000xf32, #tpu.memory_space<vmem_shared>>
        %dma_wait3A_211 = tpu.memref_slice %arg25[%mul3A_202] : memref<104000xf32, #tpu.memory_space<vmem_shared>> -> memref<4000xf32, #tpu.memory_space<vmem_shared>>
        tpu.wait_dma2 semaphore(%run_scoped3A : memref<!tpu.dma_semaphore, #tpu.memory_space<semaphore_mem>>) src(%dma_wait3A_211 : memref<4000xf32, #tpu.memory_space<vmem_shared>>) dst(%arg5 : memref<4000xf32, #tpu.memory_space<vmem>>)
        tpu.yield
      }) : () -> ()
      %mul3A_203 = arith.constant 104000 : i32
      %mul3A_204 = arith.muli %arg0, %mul3A_203 : i32
      %mul3A_205 = arith.constant 4000 : i32
      %mul3A_206 = arith.muli %add3A_195, %mul3A_205 : i32
      %add3A_207 = arith.addi %mul3A_204, %mul3A_206 : i32
      "tpu.region"() ({
        %run_scoped3A = tpu.sem_alloc : memref<!tpu.dma_semaphore, #tpu.memory_space<semaphore_mem>>
        %dma_start3A_208 = tpu.memref_slice %arg4[%add3A_207] : memref<208000xf32, #tpu.memory_space<hbm>> -> memref<4000xf32, #tpu.memory_space<hbm>>
        %dma_start3A_209 = tpu.memref_slice %arg4[%add3A_207] : memref<208000xf32, #tpu.memory_space<hbm>> -> memref<4000xf32, #tpu.memory_space<hbm>>
        tpu.enqueue_dma source(%arg5 : memref<4000xf32, #tpu.memory_space<vmem>>) target(%dma_start3A_209 : memref<4000xf32, #tpu.memory_space<hbm>>) target_semaphore(%run_scoped3A : memref<!tpu.dma_semaphore, #tpu.memory_space<semaphore_mem>>)
        %dma_wait3A_210 = tpu.memref_slice %arg4[%add3A_207] : memref<208000xf32, #tpu.memory_space<hbm>> -> memref<4000xf32, #tpu.memory_space<hbm>>
        %dma_wait3A_211 = tpu.memref_slice %arg4[%add3A_207] : memref<208000xf32, #tpu.memory_space<hbm>> -> memref<4000xf32, #tpu.memory_space<hbm>>
        tpu.wait_dma2 semaphore(%run_scoped3A : memref<!tpu.dma_semaphore, #tpu.memory_space<semaphore_mem>>) src(%arg5 : memref<4000xf32, #tpu.memory_space<vmem>>) dst(%dma_wait3A_211 : memref<4000xf32, #tpu.memory_space<hbm>>)
        tpu.yield
      }) : () -> ()
    } else {
    }
    return
  }
}

module attributes {stable_mosaic.version = 14 : i64} {
  func.func @_rsqrt_body(%arg0: i32, %arg1: memref<2x1x1x4000xf32, #tpu.memory_space<vmem>>, %arg2: memref<1x1x4000xf32, #tpu.memory_space<vmem>>) attributes {dimension_semantics = [#tpu.dimension_semantics<arbitrary>], iteration_bounds = array<i64: 26>, scalar_prefetch = 0 : i64, scratch_operands = 0 : i64, tpu.core_type = #tpu.core_type<tc>, window_params = [{transform_indices = @transform_0, window_bounds = array<i64: 2, 1, 1, 4000>}, {transform_indices = @transform_1, window_bounds = array<i64: 1, 1, 4000>}]} {
    %get3A = arith.constant 0 : index
    %get3A_0 = arith.constant 0 : index
    %get3A_1 = arith.constant 0 : index
    %get3A_2 = arith.constant 0 : index
    %get3A_3 = vector.load %arg1[%get3A, %get3A_0, %get3A_1, %get3A_2] : memref<2x1x1x4000xf32, #tpu.memory_space<vmem>>, vector<1x1x1x4000xf32>
    %get3A_4 = vector.shape_cast %get3A_3 : vector<1x1x1x4000xf32> to vector<4000xf32>
    %get3A_5 = arith.constant 1 : index
    %get3A_6 = arith.constant 0 : index
    %get3A_7 = arith.constant 0 : index
    %get3A_8 = arith.constant 0 : index
    %get3A_9 = vector.load %arg1[%get3A_5, %get3A_6, %get3A_7, %get3A_8] : memref<2x1x1x4000xf32, #tpu.memory_space<vmem>>, vector<1x1x1x4000xf32>
    %get3A_10 = vector.shape_cast %get3A_9 : vector<1x1x1x4000xf32> to vector<4000xf32>
    %add3A = arith.addf %get3A_4, %get3A_10 : vector<4000xf32>
    %add3A_11 = arith.constant 1.000000e+00 : f32
    %add3A_12 = vector.broadcast %add3A_11 : f32 to vector<4000xf32>
    %add3A_13 = arith.addf %add3A, %add3A_12 : vector<4000xf32>
    %rsqrt3A = math.rsqrt %add3A_13 : vector<4000xf32>
    %swap3A = arith.constant 0 : index
    %swap3A_14 = arith.constant 0 : index
    %swap3A_15 = arith.constant 0 : index
    %swap3A_16 = vector.load %arg2[%swap3A, %swap3A_14, %swap3A_15] : memref<1x1x4000xf32, #tpu.memory_space<vmem>>, vector<1x1x4000xf32>
    %swap3A_17 = vector.shape_cast %swap3A_16 : vector<1x1x4000xf32> to vector<4000xf32>
    %swap3A_18 = vector.shape_cast %rsqrt3A : vector<4000xf32> to vector<1x1x4000xf32>
    tpu.vector_store %arg2[%swap3A, %swap3A_14, %swap3A_15], %swap3A_18 {strides = array<i32>} : memref<1x1x4000xf32, #tpu.memory_space<vmem>>, vector<1x1x4000xf32>,
    return
  }
  func.func @transform_0(%arg0: i32) -> (i32, i32, i32, i32) {
    %c0_i32 = arith.constant 0 : i32
    %c0_i32_0 = arith.constant 0 : i32
    %c0_i32_1 = arith.constant 0 : i32
    %c0_i32_2 = arith.constant 0 : i32
    return %c0_i32, %arg0, %c0_i32_0, %c0_i32_1 : i32, i32, i32, i32
  }
  func.func @transform_1(%arg0: i32) -> (i32, i32, i32) {
    %c0_i32 = arith.constant 0 : i32
    %c0_i32_0 = arith.constant 0 : i32
    %c0_i32_1 = arith.constant 0 : i32
    return %arg0, %c0_i32, %c0_i32_0 : i32, i32, i32
  }
}

module attributes {stable_mosaic.version = 14 : i64} {
  func.func @_final_body(%arg0: i32, %arg1: memref<1x1x4000xf32, #tpu.memory_space<vmem>>, %arg2: memref<1x1x1x4000xf32, #tpu.memory_space<vmem>>, %arg3: memref<1x1x1x4000xf32, #tpu.memory_space<vmem>>, %arg4: memref<4000x128xf32, #tpu.memory_space<vmem>>, %arg5: memref<1x128xf32, #tpu.memory_space<vmem>>, %arg6: memref<32x128xf32, #tpu.memory_space<vmem>>, %arg7: memref<8x128xf32, #tpu.memory_space<vmem>>, %arg8: memref<64x16xf32, #tpu.memory_space<vmem>>, %arg9: memref<64x1xf32, #tpu.memory_space<vmem>>, %arg10: memref<64x8xf32, #tpu.memory_space<vmem>>, %arg11: memref<16x32xf32, #tpu.memory_space<vmem>>, %arg12: memref<1x32xf32, #tpu.memory_space<vmem>>, %arg13: memref<1x128xf32, #tpu.memory_space<vmem>>, %arg14: memref<1x1xf32, #tpu.memory_space<vmem>>, %arg15: memref<1x1xf32, #tpu.memory_space<vmem>>, %arg16: memref<64x128xf32, #tpu.memory_space<vmem>>, %arg17: memref<1x128xf32, #tpu.memory_space<vmem>>, %arg18: memref<1x128xf32, #tpu.memory_space<vmem>>) attributes {dimension_semantics = [#tpu.dimension_semantics<arbitrary>], iteration_bounds = array<i64: 25>, scalar_prefetch = 0 : i64, scratch_operands = 2 : i64, tpu.core_type = #tpu.core_type<tc>, window_params = [{transform_indices = @transform_0, window_bounds = array<i64: 1, 1, 4000>}, {transform_indices = @transform_1, window_bounds = array<i64: 1, 1, 1, 4000>}, {transform_indices = @transform_2, window_bounds = array<i64: 1, 1, 1, 4000>}, {transform_indices = @transform_3, window_bounds = array<i64: 4000, 128>}, {pipeline_mode = #tpu.pipeline_mode<synchronous>, transform_indices = @transform_4, window_bounds = array<i64: 1, 128>}, {pipeline_mode = #tpu.pipeline_mode<synchronous>, transform_indices = @transform_5, window_bounds = array<i64: 32, 128>}, {pipeline_mode = #tpu.pipeline_mode<synchronous>, transform_indices = @transform_6, window_bounds = array<i64: 8, 128>}, {pipeline_mode = #tpu.pipeline_mode<synchronous>, transform_indices = @transform_7, window_bounds = array<i64: 64, 16>}, {pipeline_mode = #tpu.pipeline_mode<synchronous>, transform_indices = @transform_8, window_bounds = array<i64: 64, 1>}, {pipeline_mode = #tpu.pipeline_mode<synchronous>, transform_indices = @transform_9, window_bounds = array<i64: 64, 8>}, {pipeline_mode = #tpu.pipeline_mode<synchronous>, transform_indices = @transform_10, window_bounds = array<i64: 16, 32>}, {pipeline_mode = #tpu.pipeline_mode<synchronous>, transform_indices = @transform_11, window_bounds = array<i64: 1, 32>}, {pipeline_mode = #tpu.pipeline_mode<synchronous>, transform_indices = @transform_12, window_bounds = array<i64: 1, 128>}, {pipeline_mode = #tpu.pipeline_mode<synchronous>, transform_indices = @transform_13, window_bounds = array<i64: 1, 1>}, {pipeline_mode = #tpu.pipeline_mode<synchronous>, transform_indices = @transform_14, window_bounds = array<i64: 1, 1>}, {pipeline_mode = #tpu.pipeline_mode<synchronous>, transform_indices = @transform_15, window_bounds = array<i64: 64, 128>}]} {
    %eq3A = arith.constant 0 : i32
    %eq3A_0 = arith.cmpi eq, %arg0, %eq3A : i32
    %convert_element_type3A = arith.extui %eq3A_0 : i1 to i32
    %cond3A = arith.constant 0 : i32
    %cond3A_1 = arith.cmpi ne, %convert_element_type3A, %cond3A : i32
    scf.if %cond3A_1 {
      %broadcast_in_dim3A_42 = arith.constant 0.000000e+00 : f32
      %broadcast_in_dim3A_43 = vector.broadcast %broadcast_in_dim3A_42 : f32 to vector<1x128xf32>
      %swap3A_44 = arith.constant 0 : index
      %swap3A_45 = arith.constant 0 : index
      %swap3A_46 = vector.load %arg17[%swap3A_44, %swap3A_45] : memref<1x128xf32, #tpu.memory_space<vmem>>, vector<1x128xf32>
      tpu.vector_store %arg17[%swap3A_44, %swap3A_45], %broadcast_in_dim3A_43 {strides = array<i32>} : memref<1x128xf32, #tpu.memory_space<vmem>>, vector<1x128xf32>,
      %broadcast_in_dim3A_47 = arith.constant 0.000000e+00 : f32
      %broadcast_in_dim3A_48 = vector.broadcast %broadcast_in_dim3A_47 : f32 to vector<1x128xf32>
      %swap3A_49 = arith.constant 0 : index
      %swap3A_50 = arith.constant 0 : index
      %swap3A_51 = vector.load %arg18[%swap3A_49, %swap3A_50] : memref<1x128xf32, #tpu.memory_space<vmem>>, vector<1x128xf32>
      tpu.vector_store %arg18[%swap3A_49, %swap3A_50], %broadcast_in_dim3A_48 {strides = array<i32>} : memref<1x128xf32, #tpu.memory_space<vmem>>, vector<1x128xf32>,
    } else {
    }
    %get3A = arith.constant 0 : index
    %get3A_2 = arith.constant 0 : index
    %get3A_3 = arith.constant 0 : index
    %get3A_4 = vector.load %arg1[%get3A, %get3A_2, %get3A_3] : memref<1x1x4000xf32, #tpu.memory_space<vmem>>, vector<1x1x4000xf32>
    %get3A_5 = vector.shape_cast %get3A_4 : vector<1x1x4000xf32> to vector<4000xf32>
    %get3A_6 = arith.constant 0 : index
    %get3A_7 = arith.constant 0 : index
    %get3A_8 = arith.constant 0 : index
    %get3A_9 = arith.constant 0 : index
    %get3A_10 = vector.load %arg2[%get3A_6, %get3A_7, %get3A_8, %get3A_9] : memref<1x1x1x4000xf32, #tpu.memory_space<vmem>>, vector<1x1x1x4000xf32>
    %get3A_11 = vector.shape_cast %get3A_10 : vector<1x1x1x4000xf32> to vector<4000xf32>
    %get3A_12 = arith.constant 0 : index
    %get3A_13 = arith.constant 0 : index
    %get3A_14 = arith.constant 0 : index
    %get3A_15 = arith.constant 0 : index
    %get3A_16 = vector.load %arg3[%get3A_12, %get3A_13, %get3A_14, %get3A_15] : memref<1x1x1x4000xf32, #tpu.memory_space<vmem>>, vector<1x1x1x4000xf32>
    %get3A_17 = vector.shape_cast %get3A_16 : vector<1x1x1x4000xf32> to vector<4000xf32>
    %add3A = arith.addf %get3A_11, %get3A_17 : vector<4000xf32>
    %add3A_18 = arith.addf %add3A, %get3A_5 : vector<4000xf32>
    %mul3A = arith.mulf %get3A_5, %add3A_18 : vector<4000xf32>
    %get3A_19 = arith.constant 0 : index
    %get3A_20 = arith.constant 0 : index
    %get3A_21 = vector.load %arg4[%get3A_19, %get3A_20] : memref<4000x128xf32, #tpu.memory_space<vmem>>, vector<4000x128xf32>
    %get3A_22 = arith.constant 0 : index
    %get3A_23 = arith.constant 0 : index
    %get3A_24 = vector.load %arg17[%get3A_22, %get3A_23] : memref<1x128xf32, #tpu.memory_space<vmem>>, vector<1x128xf32>
    %reshape3A = vector.shape_cast %mul3A : vector<4000xf32> to vector<1x4000xf32>
    %dot_general3A = arith.constant dense<0.000000e+00> : vector<1x128xf32>
    %dot_general3A_25 = tpu.matmul %reshape3A, %get3A_21, %dot_general3A {dimension_numbers = #tpu.dot_dimension_numbers<[1], [0], [0], [1], [0, 0, 1, 1], [], []>, transpose_lhs_hint = false} : vector<1x4000xf32>, vector<4000x128xf32>, vector<1x128xf32> -> vector<1x128xf32>
    %add3A_26 = arith.addf %get3A_24, %dot_general3A_25 : vector<1x128xf32>
    %swap3A = arith.constant 0 : index
    %swap3A_27 = arith.constant 0 : index
    %swap3A_28 = vector.load %arg17[%swap3A, %swap3A_27] : memref<1x128xf32, #tpu.memory_space<vmem>>, vector<1x128xf32>
    tpu.vector_store %arg17[%swap3A, %swap3A_27], %add3A_26 {strides = array<i32>} : memref<1x128xf32, #tpu.memory_space<vmem>>, vector<1x128xf32>,
    %get3A_29 = arith.constant 0 : index
    %get3A_30 = arith.constant 0 : index
    %get3A_31 = vector.load %arg18[%get3A_29, %get3A_30] : memref<1x128xf32, #tpu.memory_space<vmem>>, vector<1x128xf32>
    %reduce_sum3A = arith.constant dense<0.000000e+00> : vector<128xf32>
    %reduce_sum3A_32 = vector.multi_reduction <add>, %get3A_21, %reduce_sum3A [0] : vector<4000x128xf32> to vector<128xf32>
    %broadcast_in_dim3A = vector.shape_cast %reduce_sum3A_32 : vector<128xf32> to vector<1x128xf32>
    %add3A_33 = arith.addf %get3A_31, %broadcast_in_dim3A : vector<1x128xf32>
    %swap3A_34 = arith.constant 0 : index
    %swap3A_35 = arith.constant 0 : index
    %swap3A_36 = vector.load %arg18[%swap3A_34, %swap3A_35] : memref<1x128xf32, #tpu.memory_space<vmem>>, vector<1x128xf32>
    tpu.vector_store %arg18[%swap3A_34, %swap3A_35], %add3A_33 {strides = array<i32>} : memref<1x128xf32, #tpu.memory_space<vmem>>, vector<1x128xf32>,
    %eq3A_37 = arith.constant 24 : i32
    %eq3A_38 = arith.cmpi eq, %arg0, %eq3A_37 : i32
    %convert_element_type3A_39 = arith.extui %eq3A_38 : i1 to i32
    %cond3A_40 = arith.constant 0 : i32
    %cond3A_41 = arith.cmpi ne, %convert_element_type3A_39, %cond3A_40 : i32
    scf.if %cond3A_41 {
      %get3A_42 = arith.constant 0 : index
      %get3A_43 = arith.constant 0 : index
      %get3A_44 = vector.load %arg14[%get3A_42, %get3A_43] : memref<1x1xf32, #tpu.memory_space<vmem>>, vector<1x1xf32>
      %get3A_45 = arith.constant 0 : index
      %get3A_46 = arith.constant 0 : index
      %get3A_47 = vector.load %arg17[%get3A_45, %get3A_46] : memref<1x128xf32, #tpu.memory_space<vmem>>, vector<1x128xf32>
      %mul3A_48 = vector.broadcast %get3A_44 : vector<1x1xf32> to vector<1x128xf32>
      %mul3A_49 = arith.mulf %mul3A_48, %get3A_47 : vector<1x128xf32>
      %get3A_50 = arith.constant 0 : index
      %get3A_51 = arith.constant 0 : index
      %get3A_52 = vector.load %arg15[%get3A_50, %get3A_51] : memref<1x1xf32, #tpu.memory_space<vmem>>, vector<1x1xf32>
      %get3A_53 = arith.constant 0 : index
      %get3A_54 = arith.constant 0 : index
      %get3A_55 = vector.load %arg18[%get3A_53, %get3A_54] : memref<1x128xf32, #tpu.memory_space<vmem>>, vector<1x128xf32>
      %mul3A_56 = vector.broadcast %get3A_52 : vector<1x1xf32> to vector<1x128xf32>
      %mul3A_57 = arith.mulf %mul3A_56, %get3A_55 : vector<1x128xf32>
      %add3A_58 = arith.addf %mul3A_49, %mul3A_57 : vector<1x128xf32>
      %get3A_59 = arith.constant 0 : index
      %get3A_60 = arith.constant 0 : index
      %get3A_61 = vector.load %arg8[%get3A_59, %get3A_60] : memref<64x16xf32, #tpu.memory_space<vmem>>, vector<64x16xf32>
      %get3A_62 = arith.constant 0 : index
      %get3A_63 = arith.constant 0 : index
      %get3A_64 = vector.load %arg11[%get3A_62, %get3A_63] : memref<16x32xf32, #tpu.memory_space<vmem>>, vector<16x32xf32>
      %dot_general3A_65 = arith.constant dense<0.000000e+00> : vector<64x32xf32>
      %dot_general3A_66 = tpu.matmul %get3A_61, %get3A_64, %dot_general3A_65 {dimension_numbers = #tpu.dot_dimension_numbers<[1], [0], [0], [1], [0, 0, 1, 1], [], []>, transpose_lhs_hint = false} : vector<64x16xf32>, vector<16x32xf32>, vector<64x32xf32> -> vector<64x32xf32>
      %get3A_67 = arith.constant 0 : index
      %get3A_68 = arith.constant 0 : index
      %get3A_69 = vector.load %arg12[%get3A_67, %get3A_68] : memref<1x32xf32, #tpu.memory_space<vmem>>, vector<1x32xf32>
      %add3A_70 = vector.broadcast %get3A_69 : vector<1x32xf32> to vector<64x32xf32>
      %add3A_71 = arith.addf %dot_general3A_66, %add3A_70 : vector<64x32xf32>
      %max3A = arith.constant 0.000000e+00 : f32
      %max3A_72 = vector.broadcast %max3A : f32 to vector<64x32xf32>
      %max3A_73 = arith.maximumf %add3A_71, %max3A_72 : vector<64x32xf32>
      %get3A_74 = arith.constant 0 : index
      %get3A_75 = arith.constant 0 : index
      %get3A_76 = vector.load %arg9[%get3A_74, %get3A_75] : memref<64x1xf32, #tpu.memory_space<vmem>>, vector<64x1xf32>
      %get3A_77 = arith.constant 0 : index
      %get3A_78 = arith.constant 0 : index
      %get3A_79 = vector.load %arg5[%get3A_77, %get3A_78] : memref<1x128xf32, #tpu.memory_space<vmem>>, vector<1x128xf32>
      %mul3A_80 = vector.broadcast %get3A_76 : vector<64x1xf32> to vector<64x128xf32>
      %mul3A_81 = vector.broadcast %get3A_79 : vector<1x128xf32> to vector<64x128xf32>
      %mul3A_82 = arith.mulf %mul3A_80, %mul3A_81 : vector<64x128xf32>
      %add3A_83 = vector.broadcast %add3A_58 : vector<1x128xf32> to vector<64x128xf32>
      %add3A_84 = arith.addf %add3A_83, %mul3A_82 : vector<64x128xf32>
      %get3A_85 = arith.constant 0 : index
      %get3A_86 = arith.constant 0 : index
      %get3A_87 = vector.load %arg6[%get3A_85, %get3A_86] : memref<32x128xf32, #tpu.memory_space<vmem>>, vector<32x128xf32>
      %dot_general3A_88 = arith.constant dense<0.000000e+00> : vector<64x128xf32>
      %dot_general3A_89 = tpu.matmul %max3A_73, %get3A_87, %dot_general3A_88 {dimension_numbers = #tpu.dot_dimension_numbers<[1], [0], [0], [1], [0, 0, 1, 1], [], []>, transpose_lhs_hint = false} : vector<64x32xf32>, vector<32x128xf32>, vector<64x128xf32> -> vector<64x128xf32>
      %add3A_90 = arith.addf %add3A_84, %dot_general3A_89 : vector<64x128xf32>
      %get3A_91 = arith.constant 0 : index
      %get3A_92 = arith.constant 0 : index
      %get3A_93 = vector.load %arg10[%get3A_91, %get3A_92] : memref<64x8xf32, #tpu.memory_space<vmem>>, vector<64x8xf32>
      %get3A_94 = arith.constant 0 : index
      %get3A_95 = arith.constant 0 : index
      %get3A_96 = vector.load %arg7[%get3A_94, %get3A_95] : memref<8x128xf32, #tpu.memory_space<vmem>>, vector<8x128xf32>
      %dot_general3A_97 = arith.constant dense<0.000000e+00> : vector<64x128xf32>
      %dot_general3A_98 = tpu.matmul %get3A_93, %get3A_96, %dot_general3A_97 {dimension_numbers = #tpu.dot_dimension_numbers<[1], [0], [0], [1], [0, 0, 1, 1], [], []>, transpose_lhs_hint = false} : vector<64x8xf32>, vector<8x128xf32>, vector<64x128xf32> -> vector<64x128xf32>
      %add3A_99 = arith.addf %add3A_90, %dot_general3A_98 : vector<64x128xf32>
      %get3A_100 = arith.constant 0 : index
      %get3A_101 = arith.constant 0 : index
      %get3A_102 = vector.load %arg13[%get3A_100, %get3A_101] : memref<1x128xf32, #tpu.memory_space<vmem>>, vector<1x128xf32>
      %add3A_103 = vector.broadcast %get3A_102 : vector<1x128xf32> to vector<64x128xf32>
      %add3A_104 = arith.addf %add3A_99, %add3A_103 : vector<64x128xf32>
      %swap3A_105 = arith.constant 0 : index
      %swap3A_106 = arith.constant 0 : index
      %swap3A_107 = vector.load %arg16[%swap3A_105, %swap3A_106] : memref<64x128xf32, #tpu.memory_space<vmem>>, vector<64x128xf32>
      tpu.vector_store %arg16[%swap3A_105, %swap3A_106], %add3A_104 {strides = array<i32>} : memref<64x128xf32, #tpu.memory_space<vmem>>, vector<64x128xf32>,
    } else {
    }
    return
  }
  func.func @transform_0(%arg0: i32) -> (i32, i32, i32) {
    %c0_i32 = arith.constant 0 : i32
    %c0_i32_0 = arith.constant 0 : i32
    %c0_i32_1 = arith.constant 0 : i32
    return %arg0, %c0_i32, %c0_i32_0 : i32, i32, i32
  }
  func.func @transform_1(%arg0: i32) -> (i32, i32, i32, i32) {
    %c0_i32 = arith.constant 0 : i32
    %c0_i32_0 = arith.constant 0 : i32
    %c0_i32_1 = arith.constant 0 : i32
    %c0_i32_2 = arith.constant 0 : i32
    return %c0_i32, %arg0, %c0_i32_0, %c0_i32_1 : i32, i32, i32, i32
  }
  func.func @transform_2(%arg0: i32) -> (i32, i32, i32, i32) {
    %c1_i32 = arith.constant 1 : i32
    %c0_i32 = arith.constant 0 : i32
    %c0_i32_0 = arith.constant 0 : i32
    %c0_i32_1 = arith.constant 0 : i32
    return %c1_i32, %arg0, %c0_i32, %c0_i32_0 : i32, i32, i32, i32
  }
  func.func @transform_3(%arg0: i32) -> (i32, i32) {
    %c0_i32 = arith.constant 0 : i32
    %c0_i32_0 = arith.constant 0 : i32
    return %arg0, %c0_i32 : i32, i32
  }
  func.func @transform_4(%arg0: i32) -> (i32, i32) {
    %c0_i32 = arith.constant 0 : i32
    %c0_i32_0 = arith.constant 0 : i32
    %c0_i32_1 = arith.constant 0 : i32
    return %c0_i32, %c0_i32_0 : i32, i32
  }
  func.func @transform_5(%arg0: i32) -> (i32, i32) {
    %c0_i32 = arith.constant 0 : i32
    %c0_i32_0 = arith.constant 0 : i32
    %c0_i32_1 = arith.constant 0 : i32
    return %c0_i32, %c0_i32_0 : i32, i32
  }
  func.func @transform_6(%arg0: i32) -> (i32, i32) {
    %c0_i32 = arith.constant 0 : i32
    %c0_i32_0 = arith.constant 0 : i32
    %c0_i32_1 = arith.constant 0 : i32
    return %c0_i32, %c0_i32_0 : i32, i32
  }
  func.func @transform_7(%arg0: i32) -> (i32, i32) {
    %c0_i32 = arith.constant 0 : i32
    %c0_i32_0 = arith.constant 0 : i32
    %c0_i32_1 = arith.constant 0 : i32
    return %c0_i32, %c0_i32_0 : i32, i32
  }
  func.func @transform_8(%arg0: i32) -> (i32, i32) {
    %c0_i32 = arith.constant 0 : i32
    %c0_i32_0 = arith.constant 0 : i32
    %c0_i32_1 = arith.constant 0 : i32
    return %c0_i32, %c0_i32_0 : i32, i32
  }
  func.func @transform_9(%arg0: i32) -> (i32, i32) {
    %c0_i32 = arith.constant 0 : i32
    %c0_i32_0 = arith.constant 0 : i32
    %c0_i32_1 = arith.constant 0 : i32
    return %c0_i32, %c0_i32_0 : i32, i32
  }
  func.func @transform_10(%arg0: i32) -> (i32, i32) {
    %c0_i32 = arith.constant 0 : i32
    %c0_i32_0 = arith.constant 0 : i32
    %c0_i32_1 = arith.constant 0 : i32
    return %c0_i32, %c0_i32_0 : i32, i32
  }
  func.func @transform_11(%arg0: i32) -> (i32, i32) {
    %c0_i32 = arith.constant 0 : i32
    %c0_i32_0 = arith.constant 0 : i32
    %c0_i32_1 = arith.constant 0 : i32
    return %c0_i32, %c0_i32_0 : i32, i32
  }
  func.func @transform_12(%arg0: i32) -> (i32, i32) {
    %c0_i32 = arith.constant 0 : i32
    %c0_i32_0 = arith.constant 0 : i32
    %c0_i32_1 = arith.constant 0 : i32
    return %c0_i32, %c0_i32_0 : i32, i32
  }
  func.func @transform_13(%arg0: i32) -> (i32, i32) {
    %c0_i32 = arith.constant 0 : i32
    %c0_i32_0 = arith.constant 0 : i32
    %c0_i32_1 = arith.constant 0 : i32
    return %c0_i32, %c0_i32_0 : i32, i32
  }
  func.func @transform_14(%arg0: i32) -> (i32, i32) {
    %c0_i32 = arith.constant 0 : i32
    %c0_i32_0 = arith.constant 0 : i32
    %c0_i32_1 = arith.constant 0 : i32
    return %c0_i32, %c0_i32_0 : i32, i32
  }
  func.func @transform_15(%arg0: i32) -> (i32, i32) {
    %c0_i32 = arith.constant 0 : i32
    %c0_i32_0 = arith.constant 0 : i32
    %c0_i32_1 = arith.constant 0 : i32
    return %c0_i32, %c0_i32_0 : i32, i32
  }
}

</mosaic_0001>

<sc_bundles>
// kernel: kernel.6.cloned.1.call-start
scs
__scs_entry_jumppad:
0x0: {  	(pc) =	sbr.rel $0x88, $3  }
0x1: {  	(tag) =	ssettag $0x0;
	lr =	simm.s32 $0x1  }
0x2: {  	[smem:$0x3F97] =	sst lr;
	_ =	strace $0xD0000000  }
0x3: {  	_ = 	snop  }
0x4: {  	_ = 	snop  }
0x5: {  	_ = 	snop  }
0x6: {  	_ = 	snop  }
0x7: {  	_ = 	snop  }
__scs_overlays_trampoline_lowered:
0x8: {  	[smem:$0x3FA6] =	sst s0  }
0x9: {  	[smem:$0x3FA7] =	sst s1  }
0xa: {  	[smem:$0x3FA8] =	sst s2  }
0xb: {  	[smem:$0x3FA9] =	sst s3  }
0xc: {  	[smem:$0x3FAA] =	sst s4  }
0xd: {  	[smem:$0x3FAB] =	sst s5  }
0xe: {  	[smem:$0x3FAC] =	sst s6  }
0xf: {  	[smem:$0x3FAD] =	sst s7  }
0x10: {  	[smem:$0x3FAE] =	sst s8  }
0x11: {  	[smem:$0x3FAF] =	sst s9;
	s0 =	simm.s32 @!p0 $0x0  }
0x12: {  	s1 =	sld [smem:$0x3F95];
	s0 =	simm.s32 @p0 $0x1  }
0x13: {  	[smem:$0x3FB0] =	sst s0;
	s0 =	simm.s32 @!p1 $0x0  }
0x14: {  	s2 =	sld [smem:$0x3F94];
	s0 =	simm.s32 @p1 $0x1  }
0x15: {  	[smem:$0x3FB1] =	sst s0;
	s0 =	simm.s32 @!p2 $0x0  }
0x16: {  	s3 =	sld [smem:$0x3FDB];
	s0 =	simm.s32 @p2 $0x1  }
0x17: {  	s4 =	simm.s32 $0x1BF5;
	[smem:$0x3FB3] =	sst s0  }
0x18: {  	s0 =	sld [smem:$0x3F96];
	_ =	swait.ge [sflag:s4], $0x0  }
0x19: {  	s7 =	sld [smem:$0x3F97]  }
0x1a: {  	s8 =	sadd.s32 $0xFFFFE003, lr  }
0x1b: {  	s9 =	sadd.s32 $0xFFFFFEF7, lr;
	s5 =	simm.s32 $0xFFFFFFFF;
	p2 =	slt.u32 s8, $0xFFFFF086  }
0x1c: {  	p1 =	slt.u32 s9, $0xF7A;
	s5 =	simm.s32 @!p2 $0x0  }
0x1d: {  	s5 =	simm.s32 @p1 $0x1;
	p0 =	seq.s32 s7, s2  }
0x1e: {  	s7 =	smul.u32 @!p0 $0xF7A, s2;
	p2 =	seq.s32 @!p0 s5, $0x0  }
0x1f: {  	s9 =	smul.u32 $0xF7A, s1;
	s8 =	simm.s32 @!p0 $0x1BF5;
	p2 =	por !p2, p0  }
0x20: {  	[sflag:s8] =	ssyncset.s32 @!p0 $0xFFFFF086;
	s6 =	sadd.s32 @!p0 s3, s7;
	s7 =	simm.s32 @!p0 $0x108  }
0x21: {  	s3 =	sadd.s32 s3, s9;
	s6 =	sadd.s32 @!p0 $0x88, s6;
	s7 =	simm.s32 @p2 $0x1082  }
0x22: {  	[simem:s7], [sflag:s8] =	dma.local @!p0 [hbm:s6], $0xF7A  }
0x23: {  	s9 =	sor.u32 $0xD0000000, s2;
	s6 =	simm.s32 $0x108;
	_ =	swait.ge @!p0 [sflag:s8], $0x0  }
0x24: {  	s3 =	sadd.s32 $0x88, s3;
	s6 =	simm.s32 @!p1 $0x1082;
	[sflag:s4] =	ssyncset.s32 $0xFFFFF086  }
0x25: {  	[simem:s6], [sflag:s4] =	dma.local [hbm:s3], $0xF7A  }
0x26: {  	[smem:$0x3F97] =	sst s1;
	(tag) =	ssettag s2;
	_ =	strace s9  }
0x27: {  	s1 =	sld [smem:$0x3FA7]  }
0x28: {  	s2 =	sld [smem:$0x3FA8]  }
0x29: {  	s4 =	sld [smem:$0x3FAA]  }
0x2a: {  	p0 =	seq.s32 s5, $0x0;
	s5 =	sld [smem:$0x3FAB]  }
0x2b: {  	s6 =	sld [smem:$0x3FAC]  }
0x2c: {  	s7 =	sld [smem:$0x3FAD]  }
0x2d: {  	s3 =	simm.s32 $0x108;
	s8 =	sld [smem:$0x3FAE]  }
0x2e: {  	s3 =	simm.s32 @!p0 $0x1082;
	s9 =	sld [smem:$0x3FAF]  }
0x2f: {  	lr =	sadd.s32 s0, s3;
	s0 =	sld [smem:$0x3FA6]  }
0x30: {  	s3 =	sld [smem:$0x3FA9]  }
0x31: {  	[smem:$0x3FB2] =	sst s10  }
0x32: {  	s10 =	sld [smem:$0x3FB0];
	_ =	sdelay $0x3  }
0x33: {  	p0 =	seq.s32 s10, $0x1;
	s10 =	sld [smem:$0x3FB2];
	_ =	sdelay $0x3  }
0x34: {  	[smem:$0x3FB2] =	sst s10  }
0x35: {  	s10 =	sld [smem:$0x3FB1];
	_ =	sdelay $0x3  }
0x36: {  	p1 =	seq.s32 s10, $0x1;
	s10 =	sld [smem:$0x3FB2];
	_ =	sdelay $0x3  }
0x37: {  	[smem:$0x3FB2] =	sst s10  }
0x38: {  	s10 =	sld [smem:$0x3FB3]  }
0x39: {  	_ = 	snop;
	(pc) =	sbr.ind lr, $3  }
0x3a: {  	_ = 	snop  }
0x3b: {  	_ = 	snop  }
0x3c: {  	p2 =	seq.s32 s10, $0x1;
	s10 =	sld [smem:$0x3FB2]  }
0x3d: {  	_ =	shalt  }
0x3e: {  	_ =	shalt  }
0x3f: {  	_ =	shalt  }
0x40: {  	_ =	shalt  }
0x41: {  	_ =	shalt  }
0x42: {  	_ =	shalt  }
0x43: {  	_ =	shalt  }
0x44: {  	_ =	shalt  }
0x45: {  	_ =	shalt  }
0x46: {  	_ =	shalt  }
0x47: {  	_ =	shalt  }
0x48: {  	_ =	shalt  }
0x49: {  	_ =	shalt  }
0x4a: {  	_ =	shalt  }
0x4b: {  	_ =	shalt  }
0x4c: {  	_ =	shalt  }
0x4d: {  	_ =	shalt  }
0x4e: {  	_ =	shalt  }
0x4f: {  	_ =	shalt  }
0x50: {  	_ =	shalt  }
0x51: {  	_ =	shalt  }
0x52: {  	_ =	shalt  }
0x53: {  	_ =	shalt  }
0x54: {  	_ =	shalt  }
0x55: {  	_ =	shalt  }
0x56: {  	_ =	shalt  }
0x57: {  	_ =	shalt  }
0x58: {  	_ =	shalt  }
0x59: {  	_ =	shalt  }
0x5a: {  	_ =	shalt  }
0x5b: {  	_ =	shalt  }
0x5c: {  	_ =	shalt  }
0x5d: {  	_ =	shalt  }
0x5e: {  	_ =	shalt  }
0x5f: {  	_ =	shalt  }
0x60: {  	_ =	shalt  }
0x61: {  	_ =	shalt  }
0x62: {  	_ =	shalt  }
0x63: {  	_ =	shalt  }
0x64: {  	_ =	shalt  }
0x65: {  	_ =	shalt  }
0x66: {  	_ =	shalt  }
0x67: {  	_ =	shalt  }
0x68: {  	_ =	shalt  }
0x69: {  	_ =	shalt  }
0x6a: {  	_ =	shalt  }
0x6b: {  	_ =	shalt  }
0x6c: {  	_ =	shalt  }
0x6d: {  	_ =	shalt  }
0x6e: {  	_ =	shalt  }
0x6f: {  	_ =	shalt  }
0x70: {  	_ =	shalt  }
0x71: {  	_ =	shalt  }
0x72: {  	_ =	shalt  }
0x73: {  	_ =	shalt  }
0x74: {  	_ =	shalt  }
0x75: {  	_ =	shalt  }
0x76: {  	_ =	shalt  }
0x77: {  	_ =	shalt  }
0x78: {  	_ =	shalt  }
0x79: {  	_ =	shalt  }
0x7a: {  	_ =	shalt  }
0x7b: {  	_ =	shalt  }
0x7c: {  	_ =	shalt  }
0x7d: {  	_ =	shalt  }
0x7e: {  	_ =	shalt  }
0x7f: {  	_ =	shalt  }
0x80: {  	_ =	shalt  }
0x81: {  	_ =	shalt  }
0x82: {  	_ =	shalt  }
0x83: {  	_ =	shalt  }
0x84: {  	_ =	shalt  }
0x85: {  	_ =	shalt  }
0x86: {  	_ =	shalt  }
0x87: {  	_ =	shalt  }
.Lfunc_end0:
.L_simem_size_0:
called_computation.1_lowered:
.L_overlay_start_0:
0x88: {  	s2 =	sld [smem:$0x3FD9]  }
0x89: {  	s3 =	sld [smem:$0x3FFE];
	_ =	sdelay $0x1  }
0x8a: {  	s1 =	srdreg.scid  }
0x8b: {  	s0 =	sand.u32 $0x1, s1  }
0x8c: {  	s16 =	sshll.u32 s0, $0xA;
	s2 =	sadd.s32 s3, s2  }
0x8d: {  	s2 =	sadd.s32 s2, s16  }
0x8e: {  	[smem:$0x3FBE] =	sst s2  }
0x8f: {  	_ = 	snop  }
0x90: {  	(tm) =	ssettm $0x1  }
0x91: {  	s17 =	sld [smem:$0x3FFB];
	_ =	sdelay $0x3  }
0x92: {  	_ =	strace s17  }
0x93: {  	s2 =	sld [smem:$0x3FFC];
	_ =	sdelay $0x3  }
0x94: {  	_ =	strace s2  }
0x95: {  	s2 =	sld [smem:$0x3FFD];
	_ =	sdelay $0x3  }
0x96: {  	_ =	strace s2  }
0x97: {  	_ =	strace $0x8FFFFFFF  }
0x98: {  	s18 =	sld [smem:$0x3FDB];
	_ =	sdelay $0x1  }
0x99: {  	s19 =	simm.s32 $_scs_section_size  }
0x9a: {  	s4 =	simm.s32 $_size__tile_overlayer_lowered;
	s5 =	simm.s32 $_tile_overlayer_lowered  }
0x9b: {  	s22 =	simm.s32 $0x1BFF;
	s21 =	sshll.u32 s5, $0x1;
	s2 =	sadd.s32 s19, s18  }
0x9c: {  	s6 =	simm.s32 $0x0;
	s20 =	sshll.u32 s4, $0x1;
	s4 =	sadd.s32 s21, s2  }
0x9d: {  	[timem:s6], [sflag:s22] =	dma.local [hbm:s4], s20  }
0x9e: {  	_ =	swait.ge [sflag:s22], s20  }
0x9f: {  	s3 =	ssub.s32 $0x0, s20;
	[sflag:s22] =	ssyncset.done $0x0  }
0xa0: {  	[sflag:s22] =	ssyncadd.s32 s3;
	_ =	sdelay $0x1  }
0xa1: {  	s23 =	simm.s32 $0x1B8B  }
0xa2: {  	_ =	swait.ge [sflag:s23], $0x1  }
0xa3: {  	[sflag:s23] =	ssyncset.done $0x0  }
0xa4: {  	s25 =	simm.s32 $0x1B8E;
	s24 =	sld [smem:$0x3FFE];
	[sflag:s23] =	ssyncadd.s32 $0xFFFFFFFF  }
0xa5: {  	s26 =	simm.s32 $execute0_lowered;
	[smem:$0x3FD2] =	sst s25  }
0xa6: {  	s4 =	sshll.u32 s26, $0x1;
	_ =	strace $0x80000049;
	[dreg:$0x1] =	wrdreg $0xFFFFFFFF  }
0xa7: {  	s28 =	simm.s32 $_size_execute0_lowered;
	s2 =	sadd.s32 s2, s4;
	[dreg:$0x0] =	wrdreg $0x0  }
0xa8: {  	s4 =	sshll.u32 s28, $0x1;
	[dreg:$0x2] =	wrdreg s2  }
0xa9: {  	[dreg:$0x3] =	wrdreg s4  }
0xaa: {  	[dreg:$0x4] =	wrdreg $0xC0  }
0xab: {  	_ =	task [dreg:s6], $0x5FFFF  }
0xac: {  	[dreg:$0x1] =	wrdreg $0xFFFFFFFF  }
0xad: {  	[dreg:$0x0] =	wrdreg $0x60  }
0xae: {  	[dreg:$0x2] =	wrdreg s24  }
0xaf: {  	[dreg:$0x3] =	wrdreg $0x38000  }
0xb0: {  	[dreg:$0x4] =	wrdreg $0x9  }
0xb1: {  	_ =	task.clear_ibuf [dreg:s6], $0x5FFFF;
	_ =	strace $0x90000049  }
0xb2: {  	s29 =	simm.s32 $0x9;
	_ =	strace $0x8000004B  }
0xb3: {  	_ =	swait.ge [sflag:s29], $0x1  }
0xb4: {  	[sflag:s29] =	ssyncadd.s32 $0xFFFFFFFF  }
0xb5: {  	_ =	strace $0x9000004B  }
0xb6: {  	_ =	sfence  }
0xb7: {  	s30 =	sld [smem:$0x0];
	_ =	sdelay $0x2  }
0xb8: {  	s31 =	sshll.u32 s1, $0xD;
	s1 =	sshrl.u32 s1, $0x2  }
0xb9: {  	s3 =	sand.u32 $0x4000, s31;
	s1 =	sadd.s32 s1, s30  }
0xba: {  	s0 =	sor.u32 s3, s0;
	s1 =	sshll.u32 s1, $0x11  }
0xbb: {  	s0 =	sor.u32 s1, s0  }
0xbc: {  	s0 =	sadd.s32 $0x8F2B, s0  }
0xbd: {  	[sflag:s0] =	ssyncadd.remote.s32 $0x1  }
0xbe: {  	_ =	sfence.sel $0xFFFF  }
0xbf: {  	[dreg:$0x0] =	wrdreg $0xFFFFFFFF;
	(pc) =	sbr.abs _section_cstart, $3  }
0xc0: {  	[dreg:$0x1] =	wrdreg $0xFFFFFFFF  }
0xc1: {  	_ =	task.clear_ibuf [dreg:s6], $0x2FFFF;
	_ =	strace $0x9FFFFFFF  }
0xc2: {  	(tm) =	ssettm $0x7FFFFFFF  }
0xc3: {  	_ =	shalt  }
tec
execute0_lowered:
.L_overlay_start_1:
0x0: {  	(tag) =	ssettag $0x1  }
0x1: {  	s0 =	rddreg [dreg:$0x0]  }
0x2: {  	s2 =	rddreg [dreg:$0x1];
	s4 =	srdreg.scid  }
0x3: {  	s1 =	stileid.u32;
	s3 =	simm.s32 $0x0;
	s18 =	simm.s32 $0x1800  }
0x4: {  	s30 =	simm.s32 $0x800;
	s31 =	simm.s32 $0x1000;
	s28 =	simm.s32 $0x0  }
0x5: {  	s8 =	sand.u32 $0x1, s4;
	s19 =	sshll.u32 s1, $0x1;
	s7 =	smul.u32 $0x3E80, s1  }
0x6: {  	[smem:$0x7FF] =	sst s3;
	s10 =	sor.u32 $0x10, s1;
	s12 =	smul.u32 $0xFA0, s1  }
0x7: {  	s15 =	sadd.s32 $0x187E00, s0;
	p0 =	sgt.u32 s1, $0x9;
	s9 =	smul.u32 $0x3E80, s10  }
0x8: {  	s4 =	sor.u32 s8, s19;
	_ =	strace $0x8000004A;
	s13 =	smul.u32 $0x19640, s8  }
0x9: {  	s6 =	ssub.s32 $0x2, s8;
	s14 =	smul.u32 $0xFA0, s10;
	[dreg:$0x4] =	wrdreg s30  }
0xa: {  	s19 =	simm.s32 $0x2000;
	[dreg:$0x3] =	wrdreg s31;
	s5 =	sshll.u32 s4, $0x8  }
0xb: {  	s20 =	sshrl.u32 s6, $0x1;
	s21 =	sshrl.u32 s7, $0x2;
	s11 =	sadd.s32 s5, s0  }
0xc: {  	s16 =	ssub.s32 s6, s20;
	s5 =	sadd.s32 s21, s2;
	s22 =	sshrl.u32 s9, $0x2  }
0xd: {  	s26 =	sadd.s32 s12, s13;
	s12 =	sadd.s32 s12, s2;
	s17 =	sadd.s32 s13, s14  }
0xe: {  	s14 =	sadd.s32 s14, s2;
	s20 =	simm.s32 $0x2800;
	s21 =	simm.s32 $0x3000  }
0xf: {  	[dreg:$0x5] =	wrdreg s5;
	s23 =	sadd.s32 s22, s2;
	s24 =	sadd.s32 $0xC4900, s11  }
0x10: {  	s25 =	sadd.s32 $0xC6900, s11;
	s9 =	sadd.s32 $0xC8900, s11;
	s10 =	sadd.s32 $0xCA900, s11  }
0x11: {  	s11 =	sadd.s32 $0xCC900, s0;
	s0 =	sshrl.u32 s26, $0x3;
	s29 =	sshrl.u32 s17, $0x3  }
0x12: {  	s16 =	smax.u32 s16, $0x1;
	s17 =	simm.s32 $0x9;
	[dreg:$0x6] =	wrdreg s23  }
0x13: {  	s22 =	simm.s32 $0x1;
	s26 =	simm.s32 $0x5;
	[dreg:$0x7] =	wrdreg s24  }
0x14: {  	[dreg:$0x8] =	wrdreg s25;
	s13 =	sadd.s32 s15, s0;
	s15 =	sadd.s32 s15, s29  }
0x15: {  	v0 =	vimm.f32 $0.0e+00;
	v1 =	vimm.f32 $1.000000000e+00;
	s23 =	simm.s32 $0x2;
	s24 =	simm.s32 $0x3;
	s25 =	simm.s32 $0x4  }
.LBB2_1:
0x16: {  	s29 =	simm.s32 $0x40  }
0x17: {  	[tilespmem:s29+$0xFFFFFFC0] =	vst v0  }
0x18: {  	[tilespmem:s29+$0x30] =	vst v0  }
0x19: {  	[tilespmem:s29+$0x20] =	vst v0  }
0x1a: {  	[tilespmem:s29+$0x10] =	vst v0  }
0x1b: {  	[tilespmem:s29+$0x0] =	vst v0  }
0x1c: {  	[tilespmem:s29+$0xFFFFFFF0] =	vst v0  }
0x1d: {  	s30 =	simm.s32 $0x0;
	[tilespmem:s29+$0xFFFFFFE0] =	vst v0  }
.LBB2_2:
0x1e: {  	s30 =	sadd.s32 $0x8, s30;
	[tilespmem:s29+$0xFFFFFFD0] =	vst v0;
	s29 =	sadd.s32 $0x80, s29  }
0x1f: {  	[tilespmem:s29+$0xFFFFFFC0] =	vst v0;
	p1 =	slt.u32 s30, $0xF0  }
0x20: {  	[tilespmem:s29+$0x30] =	vst v0  }
.Ltmp0:
0x21: {  	[tilespmem:s29+$0x20] =	vst v0;
	(pc) =	sbr.rel @p1 .LBB2_2-.Ltmp0, $4  }
0x22: {  	[tilespmem:s29+$0x10] =	vst v0  }
0x23: {  	[tilespmem:s29+$0x0] =	vst v0  }
0x24: {  	[tilespmem:s29+$0xFFFFFFF0] =	vst v0  }
0x25: {  	[tilespmem:s29+$0xFFFFFFE0] =	vst v0  }
0x26: {  	[tilespmem:s29+$0xFFFFFFD0] =	vst v0  }
0x27: {  	[tilespmem:$0xF80] =	vst v0  }
0x28: {  	s29 =	simm.s32 $0x1040;
	[tilespmem:$0xF90] =	vst v0  }
0x29: {  	[tilespmem:s29+$0xFFFFFFC0] =	vst v1  }
0x2a: {  	[tilespmem:s29+$0x30] =	vst v1  }
0x2b: {  	[tilespmem:s29+$0x20] =	vst v1  }
0x2c: {  	[tilespmem:s29+$0x10] =	vst v1  }
0x2d: {  	[tilespmem:s29+$0x0] =	vst v1  }
0x2e: {  	[tilespmem:s29+$0xFFFFFFF0] =	vst v1  }
0x2f: {  	s30 =	simm.s32 $0x0;
	[tilespmem:s29+$0xFFFFFFE0] =	vst v1  }
.LBB2_4:
0x30: {  	s30 =	sadd.s32 $0x8, s30;
	[tilespmem:s29+$0xFFFFFFD0] =	vst v1;
	s29 =	sadd.s32 $0x80, s29  }
0x31: {  	[tilespmem:s29+$0xFFFFFFC0] =	vst v1;
	p1 =	slt.u32 s30, $0x78  }
0x32: {  	[tilespmem:s29+$0x30] =	vst v1  }
.Ltmp1:
0x33: {  	[tilespmem:s29+$0x20] =	vst v1;
	(pc) =	sbr.rel @p1 .LBB2_4-.Ltmp1, $4  }
0x34: {  	[tilespmem:s29+$0x10] =	vst v1  }
0x35: {  	[tilespmem:s29+$0x0] =	vst v1  }
0x36: {  	[tilespmem:s29+$0xFFFFFFF0] =	vst v1  }
0x37: {  	[tilespmem:s29+$0xFFFFFFE0] =	vst v1  }
0x38: {  	[tilespmem:s29+$0xFFFFFFD0] =	vst v1;
	s0 =	rddreg [dreg:$0x5]  }
0x39: {  	[spmem:s0] =	stream.linear.scatter [tilespmem:s3], [sflag:$0x9], $0xFA0, $0x38;
	[tilespmem:$0x5168] =	vst v63  }
0x3a: {  	_ =	swait.ge [sflag:s17], $0xFA0  }
0x3b: {  	[sflag:s17] =	ssyncset.done $0x0  }
0x3c: {  	s0 =	simm.s32 @!p0 $0x0;
	s1 =	rddreg [dreg:$0x6];
	[sflag:s17] =	ssyncadd.s32 $0xFFFFF060  }
0x3d: {  	[spmem:s1] =	stream.linear.scatter @!p0 [tilespmem:s0], [sflag:$0x9], $0xFA0, $0x38;
	[tilespmem:$0x5168] =	vst v63  }
0x3e: {  	s0 =	simm.s32 @!p0 $0x9  }
0x3f: {  	_ =	swait.ge @!p0 [sflag:s0], $0xFA0  }
0x40: {  	[sflag:s0] =	ssyncset.done @!p0 $0x0  }
0x41: {  	[sflag:s0] =	ssyncadd.s32 @!p0 $0xFFFFF060  }
0x42: {  	[bflag:$0x0] =	sbarrier.arrive $0xFFFF  }
0x43: {  	s6 =	simm.s32 $0x0;
	s7 =	rddreg [dreg:$0x7]  }
0x44: {  	[tilespmem:s18], [sflag:$0x1] =	stream.linear.gather [hbm4b:s7+s6], $0x800, $0x38;
	[tilespmem:$0x5168] =	vst v63  }
0x45: {  	s8 =	rddreg [dreg:$0x8]  }
0x46: {  	[tilespmem:s19], [sflag:$0x2] =	stream.linear.gather [hbm4b:s8+s6], $0x800, $0x38;
	[tilespmem:$0x5168] =	vst v63  }
0x47: {  	_ = 	snop  }
0x48: {  	[tilespmem:s20], [sflag:$0x3] =	stream.linear.gather [hbm4b:s9+s6], $0x800, $0x38;
	[tilespmem:$0x5168] =	vst v63  }
0x49: {  	_ = 	snop  }
0x4a: {  	[tilespmem:s21], [sflag:$0x4] =	stream.linear.gather [hbm4b:s10+s6], $0x800, $0x38;
	[tilespmem:$0x5168] =	vst v63  }
0x4b: {  	_ =	swait.ge [sflag:s22], $0x800  }
0x4c: {  	s30 =	sadd.s32 $0x0, s4;
	s5 =	rddreg [dreg:$0x3];
	[sflag:s22] =	ssyncset.done $0x0  }
0x4d: {  	s31 =	sadd.s32 $0x20, s30;
	s29 =	rddreg [dreg:$0x4];
	[sflag:s22] =	ssyncadd.s32 $0xFFFFF800  }
0x4e: {  	[spmem:s2] =	stream.indirect.scatter.add.f32 [tilespmem:s5], [sflag:$0x5], $0x1, s18, s29, $0xb8;
	[tilespmem:$0x5168] =	vst v63  }
0x4f: {  	p3 =	sgt.u32 s31, $0xC34;
	_ =	swait.ge [sflag:s23], $0x800  }
0x50: {  	s1 =	simm.s32 @!p3 $0x2000;
	s0 =	sadd.s32 $0x40, s30;
	[sflag:s23] =	ssyncset.done $0x0  }
0x51: {  	s29 =	simm.s32 @!p3 $0x800;
	s5 =	simm.s32 @!p3 $0x1000;
	[sflag:s23] =	ssyncadd.s32 $0xFFFFF800  }
0x52: {  	[spmem:s2] =	stream.indirect.scatter.add.f32 @!p3 [tilespmem:s5], [sflag:$0x6], $0x1, s1, s29, $0xb8;
	[tilespmem:$0x5168] =	vst v63  }
0x53: {  	p2 =	sgt.u32 s0, $0xC34;
	_ =	swait.ge [sflag:s24], $0x800  }
0x54: {  	s6 =	simm.s32 @!p2 $0x800;
	s1 =	simm.s32 @!p2 $0x1000;
	[sflag:s24] =	ssyncset.done $0x0  }
0x55: {  	s5 =	sadd.s32 $0x60, s30;
	s29 =	simm.s32 @!p2 $0x2800;
	[sflag:s24] =	ssyncadd.s32 $0xFFFFF800  }
0x56: {  	[spmem:s2] =	stream.indirect.scatter.add.f32 @!p2 [tilespmem:s1], [sflag:$0x7], $0x1, s29, s6, $0xb8;
	[tilespmem:$0x5168] =	vst v63  }
0x57: {  	p1 =	sgt.u32 s5, $0xC34;
	_ =	swait.ge [sflag:s25], $0x800  }
0x58: {  	p4 =	slt.s32 s30, $0xBB4;
	s1 =	simm.s32 @!p1 $0x800;
	[sflag:s25] =	ssyncset.done $0x0  }
0x59: {  	s6 =	simm.s32 @!p1 $0x3000;
	s29 =	simm.s32 @!p1 $0x1000;
	[sflag:s25] =	ssyncadd.s32 $0xFFFFF800  }
0x5a: {  	[spmem:s2] =	stream.indirect.scatter.add.f32 @!p1 [tilespmem:s29], [sflag:$0x8], $0x1, s6, s1, $0xb8;
	[tilespmem:$0x5168] =	vst v63  }
0x5b: {  	s30 =	simm.s32 @!p4 $0xBB4;
	_ =	swait.ge [sflag:s26], $0x800  }
0x5c: {  	s6 =	sshll.u32 s30, $0x8;
	[sflag:s26] =	ssyncset.done $0x0  }
0x5d: {  	p4 =	slt.s32 s31, $0xBB4;
	s1 =	sadd.s32 s6, s11;
	[sflag:s26] =	ssyncadd.s32 $0xFFFFF800  }
0x5e: {  	[tilespmem:s18], [sflag:$0x1] =	stream.linear.gather [hbm4b:s1+s3], $0x800, $0x38;
	[tilespmem:$0x5168] =	vst v63  }
0x5f: {  	s31 =	simm.s32 @!p4 $0xBB4;
	s1 =	simm.s32 @!p3 $0x6  }
0x60: {  	p4 =	slt.s32 s5, $0xBB4;
	s7 =	sshll.u32 s31, $0x8;
	_ =	swait.ge @!p3 [sflag:s1], $0x800  }
0x61: {  	s5 =	simm.s32 @!p4 $0xBB4;
	s8 =	sadd.s32 s7, s11;
	[sflag:s1] =	ssyncset.done @!p3 $0x0  }
0x62: {  	[sflag:s1] =	ssyncadd.s32 @!p3 $0xFFFFF800;
	p3 =	slt.s32 s0, $0xBB4;
	s1 =	simm.s32 @!p2 $0x7  }
0x63: {  	[tilespmem:s19], [sflag:$0x2] =	stream.linear.gather [hbm4b:s8+s3], $0x800, $0x38;
	[tilespmem:$0x5168] =	vst v63  }
0x64: {  	s31 =	simm.s32 @!p1 $0x8;
	s0 =	simm.s32 @!p3 $0xBB4;
	_ =	swait.ge @!p2 [sflag:s1], $0x800  }
0x65: {  	s29 =	simm.s32 $0x80;
	s0 =	sshll.u32 s0, $0x8;
	[sflag:s1] =	ssyncset.done @!p2 $0x0  }
0x66: {  	s30 =	sshll.u32 s5, $0x8;
	s0 =	sadd.s32 s0, s11;
	[sflag:s1] =	ssyncadd.s32 @!p2 $0xFFFFF800  }
.LBB2_6:
0x67: {  	[tilespmem:s20], [sflag:$0x3] =	stream.linear.gather [hbm4b:s0+s3], $0x800, $0x38;
	[tilespmem:$0x5168] =	vst v63  }
0x68: {  	_ =	swait.ge @!p1 [sflag:s31], $0x800  }
0x69: {  	s7 =	smov.u32 s29;
	[sflag:s31] =	ssyncset.done @!p1 $0x0  }
0x6a: {  	s29 =	sadd.s32 $0x80, s29;
	s1 =	sadd.s32 s30, s11;
	[sflag:s31] =	ssyncadd.s32 @!p1 $0xFFFFF800  }
0x6b: {  	[tilespmem:s21], [sflag:$0x4] =	stream.linear.gather [hbm4b:s1+s3], $0x800, $0x38;
	[tilespmem:$0x5168] =	vst v63  }
0x6c: {  	p2 =	sne.s32 s29, $0xC80;
	s0 =	sadd.s32 s7, s4;
	_ =	swait.ge [sflag:s22], $0x800  }
0x6d: {  	s6 =	sadd.s32 $0x20, s0;
	s8 =	rddreg [dreg:$0x3];
	[sflag:s22] =	ssyncset.done $0x0  }
0x6e: {  	s30 =	sadd.s32 $0x40, s0;
	s5 =	rddreg [dreg:$0x4];
	[sflag:s22] =	ssyncadd.s32 $0xFFFFF800  }
0x6f: {  	[spmem:s2] =	stream.indirect.scatter.add.f32 [tilespmem:s8], [sflag:$0x5], $0x1, s18, s5, $0xb8;
	[tilespmem:$0x5168] =	vst v63  }
0x70: {  	p3 =	sgt.u32 s6, $0xC34;
	p1 =	slt.s32 s6, $0xBB4;
	_ =	swait.ge [sflag:s23], $0x800  }
0x71: {  	p4 =	sgt.u32 s30, $0xC34;
	s1 =	simm.s32 @!p3 $0x800;
	[sflag:s23] =	ssyncset.done $0x0  }
0x72: {  	s31 =	simm.s32 @!p3 $0x1000;
	s5 =	simm.s32 @!p3 $0x2000;
	[sflag:s23] =	ssyncadd.s32 $0xFFFFF800  }
0x73: {  	[spmem:s2] =	stream.indirect.scatter.add.f32 @!p3 [tilespmem:s31], [sflag:$0x6], $0x1, s5, s1, $0xb8;
	[tilespmem:$0x5168] =	vst v63  }
0x74: {  	s6 =	simm.s32 @!p1 $0xBB4;
	s7 =	simm.s32 @!p4 $0x1000;
	_ =	swait.ge [sflag:s24], $0x800  }
0x75: {  	s8 =	sadd.s32 $0x60, s0;
	s1 =	simm.s32 @!p4 $0x2800;
	[sflag:s24] =	ssyncset.done $0x0  }
0x76: {  	s5 =	sshll.u32 s6, $0x8;
	s6 =	simm.s32 @!p4 $0x800;
	[sflag:s24] =	ssyncadd.s32 $0xFFFFF800  }
0x77: {  	[spmem:s2] =	stream.indirect.scatter.add.f32 @!p4 [tilespmem:s7], [sflag:$0x7], $0x1, s1, s6, $0xb8;
	[tilespmem:$0x5168] =	vst v63  }
0x78: {  	p5 =	slt.s32 s0, $0xBB4;
	p1 =	sgt.u32 s8, $0xC34;
	_ =	swait.ge [sflag:s25], $0x800  }
0x79: {  	s0 =	simm.s32 @!p5 $0xBB4;
	s31 =	simm.s32 @!p1 $0x800;
	[sflag:s25] =	ssyncset.done $0x0  }
0x7a: {  	s1 =	simm.s32 @!p1 $0x3000;
	s6 =	simm.s32 @!p1 $0x1000;
	[sflag:s25] =	ssyncadd.s32 $0xFFFFF800  }
0x7b: {  	[spmem:s2] =	stream.indirect.scatter.add.f32 @!p1 [tilespmem:s6], [sflag:$0x8], $0x1, s1, s31, $0xb8;
	[tilespmem:$0x5168] =	vst v63  }
0x7c: {  	p5 =	slt.s32 s30, $0xBB4;
	s0 =	sshll.u32 s0, $0x8;
	_ =	swait.ge [sflag:s26], $0x800  }
0x7d: {  	p6 =	slt.s32 s8, $0xBB4;
	s30 =	simm.s32 @!p5 $0xBB4;
	[sflag:s26] =	ssyncset.done $0x0  }
0x7e: {  	s0 =	sadd.s32 s0, s11;
	s1 =	simm.s32 @!p3 $0x6;
	[sflag:s26] =	ssyncadd.s32 $0xFFFFF800  }
0x7f: {  	[tilespmem:s18], [sflag:$0x1] =	stream.linear.gather [hbm4b:s0+s3], $0x800, $0x38;
	[tilespmem:$0x5168] =	vst v63  }
0x80: {  	s8 =	simm.s32 @!p6 $0xBB4;
	s7 =	sshll.u32 s30, $0x8;
	_ =	swait.ge @!p3 [sflag:s1], $0x800  }
0x81: {  	s30 =	sshll.u32 s8, $0x8;
	s8 =	sadd.s32 s5, s11;
	[sflag:s1] =	ssyncset.done @!p3 $0x0  }
.Ltmp2:
0x82: {  	s0 =	simm.s32 @!p4 $0x7;
	[sflag:s1] =	ssyncadd.s32 @!p3 $0xFFFFF800;
	(pc) =	sbr.rel @p2 .LBB2_6-.Ltmp2, $4  }
0x83: {  	[tilespmem:s19], [sflag:$0x2] =	stream.linear.gather [hbm4b:s8+s3], $0x800, $0x38;
	[tilespmem:$0x5168] =	vst v63  }
0x84: {  	_ =	swait.ge @!p4 [sflag:s0], $0x800  }
0x85: {  	[sflag:s0] =	ssyncset.done @!p4 $0x0  }
0x86: {  	s31 =	simm.s32 @!p1 $0x8;
	[sflag:s0] =	ssyncadd.s32 @!p4 $0xFFFFF800;
	s0 =	sadd.s32 s7, s11  }
0x87: {  	[tilespmem:s20], [sflag:$0x3] =	stream.linear.gather [hbm4b:s0+s3], $0x800, $0x38;
	[tilespmem:$0x5168] =	vst v63  }
0x88: {  	_ =	swait.ge @!p1 [sflag:s31], $0x800  }
0x89: {  	[sflag:s31] =	ssyncset.done @!p1 $0x0  }
0x8a: {  	[sflag:s31] =	ssyncadd.s32 @!p1 $0xFFFFF800;
	s31 =	sadd.s32 s30, s11  }
0x8b: {  	[tilespmem:s21], [sflag:$0x4] =	stream.linear.gather [hbm4b:s31+s3], $0x800, $0x38;
	[tilespmem:$0x5168] =	vst v63  }
0x8c: {  	_ =	swait.ge [sflag:s22], $0x800  }
0x8d: {  	[sflag:s22] =	ssyncset.done $0x0  }
0x8e: {  	[sflag:s22] =	ssyncadd.s32 $0xFFFFF800  }
0x8f: {  	_ =	swait.ge [sflag:s23], $0x800  }
0x90: {  	[sflag:s23] =	ssyncset.done $0x0  }
0x91: {  	[sflag:s23] =	ssyncadd.s32 $0xFFFFF800  }
0x92: {  	_ =	swait.ge [sflag:s24], $0x800  }
0x93: {  	[sflag:s24] =	ssyncset.done $0x0  }
0x94: {  	[sflag:s24] =	ssyncadd.s32 $0xFFFFF800  }
0x95: {  	_ =	swait.ge [sflag:s25], $0x800  }
0x96: {  	[sflag:s25] =	ssyncset.done $0x0  }
0x97: {  	[sflag:s25] =	ssyncadd.s32 $0xFFFFF800  }
0x98: {  	[bflag:$0x0] =	sbarrier.arrive $0xFFFF  }
0x99: {  	[tilespmem:s3], [sflag:$0x9] =	stream.linear.gather [spmem:s12], $0xFA0, $0x38;
	[tilespmem:$0x5168] =	vst v63  }
0x9a: {  	_ =	swait.ge [sflag:s17], $0xFA0  }
0x9b: {  	[sflag:s17] =	ssyncset.done $0x0  }
0x9c: {  	[sflag:s17] =	ssyncadd.s32 $0xFFFFF060  }
0x9d: {  	[hbm4b:s13+s3] =	stream.linear.scatter [tilespmem:s3], [sflag:$0x9], $0xFA0, $0x38;
	[tilespmem:$0x5168] =	vst v63  }
0x9e: {  	_ =	swait.ge [sflag:s17], $0xFA0  }
0x9f: {  	[sflag:s17] =	ssyncset.done $0x0  }
0xa0: {  	s0 =	simm.s32 @!p0 $0x0;
	s1 =	simm.s32 @!p0 $0x9;
	[sflag:s17] =	ssyncadd.s32 $0xFFFFF060  }
0xa1: {  	[tilespmem:s0], [sflag:$0x9] =	stream.linear.gather @!p0 [spmem:s14], $0xFA0, $0x38;
	[tilespmem:$0x5168] =	vst v63  }
0xa2: {  	s28 =	sadd.s32 $0x1, s28;
	_ =	swait.ge @!p0 [sflag:s1], $0xFA0  }
0xa3: {  	p1 =	sne.s32 s28, s16;
	[sflag:s1] =	ssyncset.done @!p0 $0x0  }
.Ltmp3:
0xa4: {  	[sflag:s1] =	ssyncadd.s32 @!p0 $0xFFFFF060;
	(pc) =	sbr.rel @p1 .LBB2_1-.Ltmp3, $4  }
0xa5: {  	[hbm4b:s15+s0] =	stream.linear.scatter @!p0 [tilespmem:s0], [sflag:$0x9], $0xFA0, $0x38;
	[tilespmem:$0x5168] =	vst v63  }
0xa6: {  	_ =	swait.ge @!p0 [sflag:s1], $0xFA0  }
0xa7: {  	[sflag:s1] =	ssyncset.done @!p0 $0x0  }
0xa8: {  	[sflag:s1] =	ssyncadd.s32 @!p0 $0xFFFFF060  }
0xa9: {  	_ =	sfence.sel $0x180000  }
0xaa: {  	[bflag:$0x0] =	sbarrier.arrive $0xFFFF  }
0xab: {  	_ =	strace $0x9000004A  }
0xac: {  	s0 =	stileid.u32;
	[bflag:$0x2] =	sbarrier.arrive $0xFFFF  }
0xad: {  	p0 =	sne.s32 s0, $0x0;
	s0 =	rddreg [dreg:$0x2]  }
0xae: {  	s0 =	sadd.s32 @!p0 $0x100000, s0  }
0xaf: {  	[sflag:s0] =	ssyncadd.tile.s32 @!p0 $0x1;
	_ =	shalt  }
.Lfunc_end2:
_tile_overlayer_lowered:
.L_overlay_start_2:
0xb0: {  	(tag) =	ssettag $0x2  }
0xb1: {  	s0 =	rddreg [dreg:$0x0];
	s2 =	stileid.u32  }
0xb2: {  	s1 =	rddreg [dreg:$0x1];
	p0 =	sne.s32 s2, $0x0  }
0xb3: {  	s3 =	rddreg [dreg:$0x2];
	[bflag:$0x3] =	sbarrier.arrive $0xFFFF;
	s2 =	simm.s32 @!p0 $0x1C09  }
0xb4: {  	[timem:s3], [sflag:s2] =	dma.local @!p0 [hbm:s0], s1  }
0xb5: {  	s0 =	simm.s32 @!p0 $0x9  }
0xb6: {  	_ =	swait.ge @!p0 [sflag:s0], s1  }
0xb7: {  	s1 =	ssub.s32 @!p0 $0x0, s1;
	[sflag:s0] =	ssyncset.done @!p0 $0x0  }
0xb8: {  	[sflag:s0] =	ssyncadd.s32 @!p0 s1  }
0xb9: {  	[bflag:$0x3] =	sbarrier.arrive $0xFFFF  }
0xba: {  	_ =	shalt  }

// kernel: kernel.9.cloned.1.call-start
scs
__scs_entry_jumppad:
0x0: {  	(pc) =	sbr.rel $0x88, $3  }
0x1: {  	(tag) =	ssettag $0x0;
	lr =	simm.s32 $0x1  }
0x2: {  	[smem:$0x3F97] =	sst lr;
	_ =	strace $0xD0000000  }
0x3: {  	_ = 	snop  }
0x4: {  	_ = 	snop  }
0x5: {  	_ = 	snop  }
0x6: {  	_ = 	snop  }
0x7: {  	_ = 	snop  }
__scs_overlays_trampoline_lowered:
0x8: {  	[smem:$0x3FA6] =	sst s0  }
0x9: {  	[smem:$0x3FA7] =	sst s1  }
0xa: {  	[smem:$0x3FA8] =	sst s2  }
0xb: {  	[smem:$0x3FA9] =	sst s3  }
0xc: {  	[smem:$0x3FAA] =	sst s4  }
0xd: {  	[smem:$0x3FAB] =	sst s5  }
0xe: {  	[smem:$0x3FAC] =	sst s6  }
0xf: {  	[smem:$0x3FAD] =	sst s7  }
0x10: {  	[smem:$0x3FAE] =	sst s8  }
0x11: {  	[smem:$0x3FAF] =	sst s9;
	s0 =	simm.s32 @!p0 $0x0  }
0x12: {  	s1 =	sld [smem:$0x3F95];
	s0 =	simm.s32 @p0 $0x1  }
0x13: {  	[smem:$0x3FB0] =	sst s0;
	s0 =	simm.s32 @!p1 $0x0  }
0x14: {  	s2 =	sld [smem:$0x3F94];
	s0 =	simm.s32 @p1 $0x1  }
0x15: {  	[smem:$0x3FB1] =	sst s0;
	s0 =	simm.s32 @!p2 $0x0  }
0x16: {  	s3 =	sld [smem:$0x3FDB];
	s0 =	simm.s32 @p2 $0x1  }
0x17: {  	s4 =	simm.s32 $0x1BF5;
	[smem:$0x3FB3] =	sst s0  }
0x18: {  	s0 =	sld [smem:$0x3F96];
	_ =	swait.ge [sflag:s4], $0x0  }
0x19: {  	s7 =	sld [smem:$0x3F97]  }
0x1a: {  	s8 =	sadd.s32 $0xFFFFE003, lr  }
0x1b: {  	s9 =	sadd.s32 $0xFFFFFEF7, lr;
	s5 =	simm.s32 $0xFFFFFFFF;
	p2 =	slt.u32 s8, $0xFFFFF086  }
0x1c: {  	p1 =	slt.u32 s9, $0xF7A;
	s5 =	simm.s32 @!p2 $0x0  }
0x1d: {  	s5 =	simm.s32 @p1 $0x1;
	p0 =	seq.s32 s7, s2  }
0x1e: {  	s7 =	smul.u32 @!p0 $0xF7A, s2;
	p2 =	seq.s32 @!p0 s5, $0x0  }
0x1f: {  	s9 =	smul.u32 $0xF7A, s1;
	s8 =	simm.s32 @!p0 $0x1BF5;
	p2 =	por !p2, p0  }
0x20: {  	[sflag:s8] =	ssyncset.s32 @!p0 $0xFFFFF086;
	s6 =	sadd.s32 @!p0 s3, s7;
	s7 =	simm.s32 @!p0 $0x108  }
0x21: {  	s3 =	sadd.s32 s3, s9;
	s6 =	sadd.s32 @!p0 $0x88, s6;
	s7 =	simm.s32 @p2 $0x1082  }
0x22: {  	[simem:s7], [sflag:s8] =	dma.local @!p0 [hbm:s6], $0xF7A  }
0x23: {  	s9 =	sor.u32 $0xD0000000, s2;
	s6 =	simm.s32 $0x108;
	_ =	swait.ge @!p0 [sflag:s8], $0x0  }
0x24: {  	s3 =	sadd.s32 $0x88, s3;
	s6 =	simm.s32 @!p1 $0x1082;
	[sflag:s4] =	ssyncset.s32 $0xFFFFF086  }
0x25: {  	[simem:s6], [sflag:s4] =	dma.local [hbm:s3], $0xF7A  }
0x26: {  	[smem:$0x3F97] =	sst s1;
	(tag) =	ssettag s2;
	_ =	strace s9  }
0x27: {  	s1 =	sld [smem:$0x3FA7]  }
0x28: {  	s2 =	sld [smem:$0x3FA8]  }
0x29: {  	s4 =	sld [smem:$0x3FAA]  }
0x2a: {  	p0 =	seq.s32 s5, $0x0;
	s5 =	sld [smem:$0x3FAB]  }
0x2b: {  	s6 =	sld [smem:$0x3FAC]  }
0x2c: {  	s7 =	sld [smem:$0x3FAD]  }
0x2d: {  	s3 =	simm.s32 $0x108;
	s8 =	sld [smem:$0x3FAE]  }
0x2e: {  	s3 =	simm.s32 @!p0 $0x1082;
	s9 =	sld [smem:$0x3FAF]  }
0x2f: {  	lr =	sadd.s32 s0, s3;
	s0 =	sld [smem:$0x3FA6]  }
0x30: {  	s3 =	sld [smem:$0x3FA9]  }
0x31: {  	[smem:$0x3FB2] =	sst s10  }
0x32: {  	s10 =	sld [smem:$0x3FB0];
	_ =	sdelay $0x3  }
0x33: {  	p0 =	seq.s32 s10, $0x1;
	s10 =	sld [smem:$0x3FB2];
	_ =	sdelay $0x3  }
0x34: {  	[smem:$0x3FB2] =	sst s10  }
0x35: {  	s10 =	sld [smem:$0x3FB1];
	_ =	sdelay $0x3  }
0x36: {  	p1 =	seq.s32 s10, $0x1;
	s10 =	sld [smem:$0x3FB2];
	_ =	sdelay $0x3  }
0x37: {  	[smem:$0x3FB2] =	sst s10  }
0x38: {  	s10 =	sld [smem:$0x3FB3]  }
0x39: {  	_ = 	snop;
	(pc) =	sbr.ind lr, $3  }
0x3a: {  	_ = 	snop  }
0x3b: {  	_ = 	snop  }
0x3c: {  	p2 =	seq.s32 s10, $0x1;
	s10 =	sld [smem:$0x3FB2]  }
0x3d: {  	_ =	shalt  }
0x3e: {  	_ =	shalt  }
0x3f: {  	_ =	shalt  }
0x40: {  	_ =	shalt  }
0x41: {  	_ =	shalt  }
0x42: {  	_ =	shalt  }
0x43: {  	_ =	shalt  }
0x44: {  	_ =	shalt  }
0x45: {  	_ =	shalt  }
0x46: {  	_ =	shalt  }
0x47: {  	_ =	shalt  }
0x48: {  	_ =	shalt  }
0x49: {  	_ =	shalt  }
0x4a: {  	_ =	shalt  }
0x4b: {  	_ =	shalt  }
0x4c: {  	_ =	shalt  }
0x4d: {  	_ =	shalt  }
0x4e: {  	_ =	shalt  }
0x4f: {  	_ =	shalt  }
0x50: {  	_ =	shalt  }
0x51: {  	_ =	shalt  }
0x52: {  	_ =	shalt  }
0x53: {  	_ =	shalt  }
0x54: {  	_ =	shalt  }
0x55: {  	_ =	shalt  }
0x56: {  	_ =	shalt  }
0x57: {  	_ =	shalt  }
0x58: {  	_ =	shalt  }
0x59: {  	_ =	shalt  }
0x5a: {  	_ =	shalt  }
0x5b: {  	_ =	shalt  }
0x5c: {  	_ =	shalt  }
0x5d: {  	_ =	shalt  }
0x5e: {  	_ =	shalt  }
0x5f: {  	_ =	shalt  }
0x60: {  	_ =	shalt  }
0x61: {  	_ =	shalt  }
0x62: {  	_ =	shalt  }
0x63: {  	_ =	shalt  }
0x64: {  	_ =	shalt  }
0x65: {  	_ =	shalt  }
0x66: {  	_ =	shalt  }
0x67: {  	_ =	shalt  }
0x68: {  	_ =	shalt  }
0x69: {  	_ =	shalt  }
0x6a: {  	_ =	shalt  }
0x6b: {  	_ =	shalt  }
0x6c: {  	_ =	shalt  }
0x6d: {  	_ =	shalt  }
0x6e: {  	_ =	shalt  }
0x6f: {  	_ =	shalt  }
0x70: {  	_ =	shalt  }
0x71: {  	_ =	shalt  }
0x72: {  	_ =	shalt  }
0x73: {  	_ =	shalt  }
0x74: {  	_ =	shalt  }
0x75: {  	_ =	shalt  }
0x76: {  	_ =	shalt  }
0x77: {  	_ =	shalt  }
0x78: {  	_ =	shalt  }
0x79: {  	_ =	shalt  }
0x7a: {  	_ =	shalt  }
0x7b: {  	_ =	shalt  }
0x7c: {  	_ =	shalt  }
0x7d: {  	_ =	shalt  }
0x7e: {  	_ =	shalt  }
0x7f: {  	_ =	shalt  }
0x80: {  	_ =	shalt  }
0x81: {  	_ =	shalt  }
0x82: {  	_ =	shalt  }
0x83: {  	_ =	shalt  }
0x84: {  	_ =	shalt  }
0x85: {  	_ =	shalt  }
0x86: {  	_ =	shalt  }
0x87: {  	_ =	shalt  }
.Lfunc_end0:
.L_simem_size_0:
called_computation.2_lowered:
.L_overlay_start_0:
0x88: {  	s2 =	sld [smem:$0x3FD9]  }
0x89: {  	s3 =	sld [smem:$0x3FFE];
	_ =	sdelay $0x1  }
0x8a: {  	s1 =	srdreg.scid  }
0x8b: {  	s0 =	sand.u32 $0x1, s1  }
0x8c: {  	s16 =	sshll.u32 s0, $0xA;
	s2 =	sadd.s32 s3, s2  }
0x8d: {  	s2 =	sadd.s32 s2, s16  }
0x8e: {  	[smem:$0x3FBE] =	sst s2  }
0x8f: {  	_ = 	snop  }
0x90: {  	(tm) =	ssettm $0x1  }
0x91: {  	s17 =	sld [smem:$0x3FFB];
	_ =	sdelay $0x3  }
0x92: {  	_ =	strace s17  }
0x93: {  	s2 =	sld [smem:$0x3FFC];
	_ =	sdelay $0x3  }
0x94: {  	_ =	strace s2  }
0x95: {  	s2 =	sld [smem:$0x3FFD];
	_ =	sdelay $0x3  }
0x96: {  	_ =	strace s2  }
0x97: {  	_ =	strace $0x8FFFFFFF  }
0x98: {  	s18 =	sld [smem:$0x3FDB];
	_ =	sdelay $0x1  }
0x99: {  	s19 =	simm.s32 $_scs_section_size  }
0x9a: {  	s4 =	simm.s32 $_size__tile_overlayer_lowered;
	s5 =	simm.s32 $_tile_overlayer_lowered  }
0x9b: {  	s22 =	simm.s32 $0x1BFF;
	s21 =	sshll.u32 s5, $0x1;
	s2 =	sadd.s32 s19, s18  }
0x9c: {  	s6 =	simm.s32 $0x0;
	s20 =	sshll.u32 s4, $0x1;
	s4 =	sadd.s32 s21, s2  }
0x9d: {  	[timem:s6], [sflag:s22] =	dma.local [hbm:s4], s20  }
0x9e: {  	_ =	swait.ge [sflag:s22], s20  }
0x9f: {  	s3 =	ssub.s32 $0x0, s20;
	[sflag:s22] =	ssyncset.done $0x0  }
0xa0: {  	[sflag:s22] =	ssyncadd.s32 s3;
	_ =	sdelay $0x1  }
0xa1: {  	s23 =	simm.s32 $0x1B8B  }
0xa2: {  	_ =	swait.ge [sflag:s23], $0x1  }
0xa3: {  	[sflag:s23] =	ssyncset.done $0x0  }
0xa4: {  	s25 =	simm.s32 $0x1B8E;
	s24 =	sld [smem:$0x3FFE];
	[sflag:s23] =	ssyncadd.s32 $0xFFFFFFFF  }
0xa5: {  	s26 =	simm.s32 $execute0_lowered;
	[smem:$0x3FD2] =	sst s25  }
0xa6: {  	s4 =	sshll.u32 s26, $0x1;
	_ =	strace $0x8000004C;
	[dreg:$0x1] =	wrdreg $0xFFFFFFFF  }
0xa7: {  	s28 =	simm.s32 $_size_execute0_lowered;
	s2 =	sadd.s32 s2, s4;
	[dreg:$0x0] =	wrdreg $0x0  }
0xa8: {  	s4 =	sshll.u32 s28, $0x1;
	[dreg:$0x2] =	wrdreg s2  }
0xa9: {  	[dreg:$0x3] =	wrdreg s4  }
0xaa: {  	[dreg:$0x4] =	wrdreg $0xC0  }
0xab: {  	_ =	task [dreg:s6], $0x5FFFF  }
0xac: {  	[dreg:$0x1] =	wrdreg $0xFFFFFFFF  }
0xad: {  	[dreg:$0x0] =	wrdreg $0x60  }
0xae: {  	[dreg:$0x2] =	wrdreg s24  }
0xaf: {  	[dreg:$0x3] =	wrdreg $0xB9680  }
0xb0: {  	[dreg:$0x4] =	wrdreg $0xA0000  }
0xb1: {  	[dreg:$0x5] =	wrdreg $0x9  }
0xb2: {  	_ =	task.clear_ibuf [dreg:s6], $0x6FFFF;
	_ =	strace $0x9000004C  }
0xb3: {  	s29 =	simm.s32 $0x9;
	_ =	strace $0x8000004E  }
0xb4: {  	_ =	swait.ge [sflag:s29], $0x1  }
0xb5: {  	[sflag:s29] =	ssyncadd.s32 $0xFFFFFFFF  }
0xb6: {  	_ =	strace $0x9000004E  }
0xb7: {  	_ =	sfence  }
0xb8: {  	s30 =	sld [smem:$0x0];
	_ =	sdelay $0x2  }
0xb9: {  	s31 =	sshll.u32 s1, $0xD;
	s1 =	sshrl.u32 s1, $0x2  }
0xba: {  	s3 =	sand.u32 $0x4000, s31;
	s1 =	sadd.s32 s1, s30  }
0xbb: {  	s0 =	sor.u32 s3, s0;
	s1 =	sshll.u32 s1, $0x11  }
0xbc: {  	s0 =	sor.u32 s1, s0  }
0xbd: {  	s0 =	sadd.s32 $0x8F2B, s0  }
0xbe: {  	[sflag:s0] =	ssyncadd.remote.s32 $0x1  }
0xbf: {  	_ =	sfence.sel $0xFFFF  }
0xc0: {  	[dreg:$0x0] =	wrdreg $0xFFFFFFFF;
	(pc) =	sbr.abs _section_cstart, $3  }
0xc1: {  	[dreg:$0x1] =	wrdreg $0xFFFFFFFF  }
0xc2: {  	_ =	task.clear_ibuf [dreg:s6], $0x2FFFF;
	_ =	strace $0x9FFFFFFF  }
0xc3: {  	(tm) =	ssettm $0x7FFFFFFF  }
tec
execute0_lowered:
.L_overlay_start_1:
0x0: {  	(tag) =	ssettag $0x1  }
0x1: {  	s0 =	rddreg [dreg:$0x0]  }
0x2: {  	s1 =	rddreg [dreg:$0x1]  }
0x3: {  	s2 =	rddreg [dreg:$0x2];
	s3 =	simm.s32 $0x0  }
0x4: {  	s4 =	srdreg.scid;
	s13 =	stileid.u32;
	s28 =	simm.s32 $0x1800  }
0x5: {  	s29 =	simm.s32 $0x4;
	s31 =	simm.s32 $0xD;
	s30 =	simm.s32 $0x13  }
0x6: {  	[smem:$0x7FF] =	sst s3;
	s5 =	sadd.s32 $0x1400, s0;
	s6 =	sadd.s32 $0x187E00, s0  }
0x7: {  	s4 =	sand.u32 $0x1, s4;
	s8 =	smul.u32 $0x3E80, s13;
	s9 =	sor.u32 $0x10, s13  }
0x8: {  	s0 =	sadd.s32 $0x18B200, s0;
	s17 =	sshll.u32 s13, $0x1;
	s12 =	smul.u32 $0xFA0, s13  }
0x9: {  	p2 =	sgt.u32 s13, $0x9;
	_ =	strace $0x8000004D;
	s11 =	smul.u32 $0x3E80, s9  }
0xa: {  	s9 =	smul.u32 $0xFA0, s9;
	s8 =	sshrl.u32 s8, $0x2;
	s22 =	sadd.s32 s12, s2  }
0xb: {  	s19 =	sshrl.u32 s12, $0x3;
	s8 =	sadd.s32 s8, s1;
	[dreg:$0x7] =	wrdreg s22  }
0xc: {  	s7 =	ssub.s32 $0x2, s4;
	s20 =	sadd.s32 s6, s19;
	[dreg:$0x4] =	wrdreg s8  }
0xd: {  	s24 =	sor.u32 s4, s17;
	s25 =	sadd.s32 s9, s2;
	[dreg:$0x6] =	wrdreg s20  }
0xe: {  	s23 =	sshll.u32 s24, $0x8;
	s19 =	sadd.s32 s12, s1;
	[dreg:$0x9] =	wrdreg s25  }
0xf: {  	s18 =	sshrl.u32 s11, $0x2;
	s26 =	sadd.s32 s5, s23;
	[dreg:$0x14] =	wrdreg s19  }
0x10: {  	s21 =	sshrl.u32 s9, $0x3;
	s8 =	sadd.s32 s18, s1;
	[dreg:$0xa] =	wrdreg s26  }
0x11: {  	s10 =	sshrl.u32 s7, $0x1;
	s6 =	sadd.s32 s6, s21;
	[dreg:$0x5] =	wrdreg s8  }
0x12: {  	s7 =	ssub.s32 s7, s10;
	s10 =	sadd.s32 $0x2000, s26;
	[dreg:$0x8] =	wrdreg s6  }
0x13: {  	s4 =	smul.u32 $0x19640, s4;
	s11 =	sadd.s32 $0xC5500, s26;
	[dreg:$0xc] =	wrdreg s10  }
0x14: {  	s13 =	simm.s32 $0x3;
	s14 =	sadd.s32 $0x4000, s26;
	[dreg:$0xd] =	wrdreg s11  }
0x15: {  	s15 =	sadd.s32 s12, s4;
	s16 =	sadd.s32 $0xC7500, s26;
	[dreg:$0xe] =	wrdreg s14  }
0x16: {  	s4 =	sadd.s32 s4, s9;
	s17 =	sadd.s32 $0x6000, s26;
	[dreg:$0xf] =	wrdreg s16  }
0x17: {  	s12 =	simm.s32 $0x6000;
	s18 =	sadd.s32 $0xC9500, s26;
	[dreg:$0x10] =	wrdreg s17  }
0x18: {  	s4 =	sshrl.u32 s4, $0x3;
	s20 =	sadd.s32 s9, s1;
	[dreg:$0x13] =	wrdreg s18  }
0x19: {  	s21 =	smax.u32 s7, $0x1;
	s22 =	sadd.s32 $0x8000, s26;
	[dreg:$0x15] =	wrdreg s20  }
0x1a: {  	s23 =	sadd.s32 $0xCB500, s26;
	s25 =	sadd.s32 $0xA000, s26;
	[dreg:$0x16] =	wrdreg s21  }
0x1b: {  	s9 =	simm.s32 $0x19;
	s19 =	simm.s32 $0x6800;
	[dreg:$0x17] =	wrdreg s22  }
0x1c: {  	s7 =	simm.s32 $0x5;
	s6 =	sadd.s32 $0xC3500, s26;
	[dreg:$0x18] =	wrdreg s23  }
0x1d: {  	[dreg:$0x19] =	wrdreg s25;
	s26 =	sadd.s32 $0xCD500, s26;
	s25 =	simm.s32 $0x1000  }
0x1e: {  	s11 =	simm.s32 $0x4800;
	s17 =	simm.s32 $0x5000;
	s18 =	simm.s32 $0x2800  }
0x1f: {  	s16 =	simm.s32 $0x5800;
	s10 =	simm.s32 $0x3000;
	s14 =	simm.s32 $0x3800  }
0x20: {  	s20 =	simm.s32 $0x1;
	s21 =	simm.s32 $0x800;
	s22 =	simm.s32 $0x7000  }
0x21: {  	s23 =	simm.s32 $0x2;
	[dreg:$0xb] =	wrdreg s6;
	s6 =	sshrl.u32 s15, $0x3  }
0x22: {  	[dreg:$0x1a] =	wrdreg s26;
	s6 =	sadd.s32 s0, s6;
	s0 =	sadd.s32 s0, s4  }
0x23: {  	s8 =	simm.s32 $0x6;
	[dreg:$0x12] =	wrdreg s0;
	s0 =	simm.s32 @!p2 $0x0  }
0x24: {  	s26 =	simm.s32 $0x4000;
	[dreg:$0x11] =	wrdreg s6;
	s0 =	simm.s32 @p2 $0x1  }
0x25: {  	v0 =	vimm.f32 $0.0e+00;
	s15 =	simm.s32 $0x2000;
	s6 =	simm.s32 $0x0;
	[smem:$0x7FD] =	sst s0  }
.LBB2_1:
0x26: {  	s0 =	simm.s32 $0x40  }
0x27: {  	[tilespmem:s0+$0xFFFFFFC0] =	vst v0  }
0x28: {  	[tilespmem:s0+$0x30] =	vst v0  }
0x29: {  	[tilespmem:s0+$0x20] =	vst v0  }
0x2a: {  	[tilespmem:s0+$0x10] =	vst v0  }
0x2b: {  	[tilespmem:s0+$0x0] =	vst v0  }
0x2c: {  	[tilespmem:s0+$0xFFFFFFF0] =	vst v0  }
0x2d: {  	[dreg:$0x1b] =	wrdreg s6;
	s4 =	simm.s32 $0x0;
	[tilespmem:s0+$0xFFFFFFE0] =	vst v0  }
.LBB2_2:
0x2e: {  	s4 =	sadd.s32 $0x8, s4;
	[tilespmem:s0+$0xFFFFFFD0] =	vst v0;
	s0 =	sadd.s32 $0x80, s0  }
0x2f: {  	[tilespmem:s0+$0xFFFFFFC0] =	vst v0;
	p1 =	slt.u32 s4, $0xF0  }
0x30: {  	[tilespmem:s0+$0x30] =	vst v0  }
.Ltmp0:
0x31: {  	[tilespmem:s0+$0x20] =	vst v0;
	(pc) =	sbr.rel @p1 .LBB2_2-.Ltmp0, $4  }
0x32: {  	[tilespmem:s0+$0x10] =	vst v0  }
0x33: {  	[tilespmem:s0+$0x0] =	vst v0  }
0x34: {  	[tilespmem:s0+$0xFFFFFFF0] =	vst v0  }
0x35: {  	[tilespmem:s0+$0xFFFFFFE0] =	vst v0  }
0x36: {  	[tilespmem:s0+$0xFFFFFFD0] =	vst v0  }
0x37: {  	[tilespmem:$0xF80] =	vst v0  }
0x38: {  	s4 =	rddreg [dreg:$0x4];
	[tilespmem:$0xF90] =	vst v0  }
0x39: {  	[spmem:s4] =	stream.linear.scatter [tilespmem:s3], [sflag:$0x19], $0xFA0, $0x38;
	[tilespmem:$0xD2D0] =	vst v63  }
0x3a: {  	_ =	swait.ge [sflag:s9], $0xFA0  }
0x3b: {  	[sflag:s9] =	ssyncset.done $0x0  }
0x3c: {  	s0 =	simm.s32 @!p2 $0x0;
	s4 =	rddreg [dreg:$0x5];
	[sflag:s9] =	ssyncadd.s32 $0xFFFFF060  }
0x3d: {  	[spmem:s4] =	stream.linear.scatter @!p2 [tilespmem:s0], [sflag:$0x19], $0xFA0, $0x38;
	[tilespmem:$0xD2D0] =	vst v63  }
0x3e: {  	s4 =	simm.s32 @!p2 $0x19  }
0x3f: {  	_ =	swait.ge @!p2 [sflag:s4], $0xFA0  }
0x40: {  	[sflag:s4] =	ssyncset.done @!p2 $0x0  }
0x41: {  	s6 =	rddreg [dreg:$0x6];
	[sflag:s4] =	ssyncadd.s32 @!p2 $0xFFFFF060  }
0x42: {  	[tilespmem:s3], [sflag:$0x19] =	stream.linear.gather [hbm4b:s6+s3], $0xFA0, $0x38;
	[tilespmem:$0xD2D0] =	vst v63  }
0x43: {  	_ =	swait.ge [sflag:s9], $0xFA0  }
0x44: {  	[sflag:s9] =	ssyncset.done $0x0  }
0x45: {  	s6 =	rddreg [dreg:$0x7];
	[sflag:s9] =	ssyncadd.s32 $0xFFFFF060  }
0x46: {  	[spmem:s6] =	stream.linear.scatter [tilespmem:s3], [sflag:$0x19], $0xFA0, $0x38;
	[tilespmem:$0xD2D0] =	vst v63  }
0x47: {  	_ =	swait.ge [sflag:s9], $0xFA0  }
0x48: {  	[sflag:s9] =	ssyncset.done $0x0  }
0x49: {  	s6 =	rddreg [dreg:$0x8];
	[sflag:s9] =	ssyncadd.s32 $0xFFFFF060  }
0x4a: {  	[tilespmem:s0], [sflag:$0x19] =	stream.linear.gather @!p2 [hbm4b:s6+s0], $0xFA0, $0x38;
	[tilespmem:$0xD2D0] =	vst v63  }
0x4b: {  	_ =	swait.ge @!p2 [sflag:s4], $0xFA0  }
0x4c: {  	[sflag:s4] =	ssyncset.done @!p2 $0x0  }
0x4d: {  	s6 =	rddreg [dreg:$0x9];
	[sflag:s4] =	ssyncadd.s32 @!p2 $0xFFFFF060  }
0x4e: {  	[spmem:s6] =	stream.linear.scatter @!p2 [tilespmem:s0], [sflag:$0x19], $0xFA0, $0x38;
	[tilespmem:$0xD2D0] =	vst v63  }
0x4f: {  	_ =	swait.ge @!p2 [sflag:s4], $0xFA0  }
0x50: {  	[sflag:s4] =	ssyncset.done @!p2 $0x0  }
0x51: {  	[sflag:s4] =	ssyncadd.s32 @!p2 $0xFFFFF060  }
0x52: {  	[bflag:$0x0] =	sbarrier.arrive $0xFFFF  }
0x53: {  	s0 =	simm.s32 $0x0;
	s6 =	rddreg [dreg:$0xa]  }
0x54: {  	[tilespmem:s25], [sflag:$0x1] =	stream.linear.gather [hbm4b:s6+s0], $0x800, $0x38;
	[tilespmem:$0xD2D0] =	vst v63  }
0x55: {  	s9 =	rddreg [dreg:$0xb]  }
0x56: {  	[tilespmem:s26], [sflag:$0x7] =	stream.linear.gather [hbm4b:s9+s0], $0x800, $0x38;
	[tilespmem:$0xD2D0] =	vst v63  }
0x57: {  	s6 =	rddreg [dreg:$0xc]  }
0x58: {  	[tilespmem:s28], [sflag:$0x2] =	stream.linear.gather [hbm4b:s6+s0], $0x800, $0x38;
	[tilespmem:$0xD2D0] =	vst v63  }
0x59: {  	s9 =	rddreg [dreg:$0xd]  }
0x5a: {  	[tilespmem:s11], [sflag:$0x8] =	stream.linear.gather [hbm4b:s9+s0], $0x800, $0x38;
	[tilespmem:$0xD2D0] =	vst v63  }
0x5b: {  	s6 =	rddreg [dreg:$0xe]  }
0x5c: {  	[tilespmem:s15], [sflag:$0x3] =	stream.linear.gather [hbm4b:s6+s0], $0x800, $0x38;
	[tilespmem:$0xD2D0] =	vst v63  }
0x5d: {  	s9 =	rddreg [dreg:$0xf]  }
0x5e: {  	[tilespmem:s17], [sflag:$0x9] =	stream.linear.gather [hbm4b:s9+s0], $0x800, $0x38;
	[tilespmem:$0xD2D0] =	vst v63  }
0x5f: {  	s11 =	rddreg [dreg:$0x10]  }
0x60: {  	[tilespmem:s18], [sflag:$0x4] =	stream.linear.gather [hbm4b:s11+s0], $0x800, $0x38;
	[tilespmem:$0xD2D0] =	vst v63  }
0x61: {  	s15 =	rddreg [dreg:$0x13]  }
0x62: {  	[tilespmem:s16], [sflag:$0xA] =	stream.linear.gather [hbm4b:s15+s0], $0x800, $0x38;
	[tilespmem:$0xD2D0] =	vst v63  }
0x63: {  	s16 =	rddreg [dreg:$0x17]  }
0x64: {  	[tilespmem:s10], [sflag:$0x5] =	stream.linear.gather [hbm4b:s16+s0], $0x800, $0x38;
	[tilespmem:$0xD2D0] =	vst v63  }
0x65: {  	s17 =	rddreg [dreg:$0x18]  }
0x66: {  	[tilespmem:s12], [sflag:$0xB] =	stream.linear.gather [hbm4b:s17+s0], $0x800, $0x38;
	[tilespmem:$0xD2D0] =	vst v63  }
0x67: {  	s18 =	rddreg [dreg:$0x19]  }
0x68: {  	[tilespmem:s14], [sflag:$0x6] =	stream.linear.gather [hbm4b:s18+s0], $0x800, $0x38;
	[tilespmem:$0xD2D0] =	vst v63  }
0x69: {  	s6 =	rddreg [dreg:$0x1a]  }
0x6a: {  	[tilespmem:s19], [sflag:$0xC] =	stream.linear.gather [hbm4b:s6+s0], $0x800, $0x38;
	[tilespmem:$0xD2D0] =	vst v63  }
0x6b: {  	_ =	swait.ge [sflag:s20], $0x800  }
0x6c: {  	s4 =	sadd.s32 $0x0, s24;
	[sflag:s20] =	ssyncset.done $0x0  }
0x6d: {  	s12 =	sadd.s32 $0x20, s4;
	[sflag:s20] =	ssyncadd.s32 $0xFFFFF800  }
0x6e: {  	[tilespmem:s22], [sflag:$0xD] =	stream.indirect.gather [spmem:s2], $0x1, s25, s21, $0xb8;
	[tilespmem:$0xD2D0] =	vst v63  }
0x6f: {  	p5 =	sgt.u32 s12, $0xC34;
	_ =	swait.ge [sflag:s23], $0x800  }
0x70: {  	s9 =	sadd.s32 $0x40, s4;
	s14 =	simm.s32 @!p5 $0x800;
	[sflag:s23] =	ssyncset.done $0x0  }
0x71: {  	s0 =	simm.s32 @!p5 $0x1800;
	s6 =	simm.s32 @!p5 $0x7800;
	[sflag:s23] =	ssyncadd.s32 $0xFFFFF800  }
0x72: {  	[tilespmem:s6], [sflag:$0xE] =	stream.indirect.gather @!p5 [spmem:s2], $0x1, s0, s14, $0xb8;
	[tilespmem:$0xD2D0] =	vst v63  }
0x73: {  	p4 =	sgt.u32 s9, $0xC34;
	_ =	swait.ge [sflag:s13], $0x800  }
0x74: {  	s15 =	simm.s32 @!p4 $0x800;
	s10 =	sadd.s32 $0x60, s4;
	[sflag:s13] =	ssyncset.done $0x0  }
0x75: {  	s16 =	simm.s32 @!p4 $0x8000;
	s0 =	simm.s32 @!p4 $0x2000;
	[sflag:s13] =	ssyncadd.s32 $0xFFFFF800  }
0x76: {  	[tilespmem:s16], [sflag:$0xF] =	stream.indirect.gather @!p4 [spmem:s2], $0x1, s0, s15, $0xb8;
	[tilespmem:$0xD2D0] =	vst v63  }
0x77: {  	p3 =	sgt.u32 s10, $0xC34;
	_ =	swait.ge [sflag:s29], $0x800  }
0x78: {  	s11 =	sadd.s32 $0x80, s4;
	s17 =	simm.s32 @!p3 $0x800;
	[sflag:s29] =	ssyncset.done $0x0  }
0x79: {  	s18 =	simm.s32 @!p3 $0x8800;
	s0 =	simm.s32 @!p3 $0x2800;
	[sflag:s29] =	ssyncadd.s32 $0xFFFFF800  }
0x7a: {  	[tilespmem:s18], [sflag:$0x10] =	stream.indirect.gather @!p3 [spmem:s2], $0x1, s0, s17, $0xb8;
	[tilespmem:$0xD2D0] =	vst v63  }
0x7b: {  	p1 =	sgt.u32 s11, $0xC34;
	_ =	swait.ge [sflag:s7], $0x800  }
0x7c: {  	s19 =	simm.s32 @!p1 $0x800;
	s20 =	simm.s32 @!p1 $0x3000;
	[sflag:s7] =	ssyncset.done $0x0  }
0x7d: {  	s21 =	simm.s32 @!p1 $0x9000;
	s0 =	sadd.s32 $0xA0, s4;
	[sflag:s7] =	ssyncadd.s32 $0xFFFFF800  }
0x7e: {  	[tilespmem:s21], [sflag:$0x11] =	stream.indirect.gather @!p1 [spmem:s2], $0x1, s20, s19, $0xb8;
	[tilespmem:$0xD2D0] =	vst v63  }
0x7f: {  	p2 =	sgt.u32 s0, $0xC34;
	_ =	swait.ge [sflag:s8], $0x800  }
0x80: {  	s22 =	simm.s32 @!p2 $0x3800;
	s23 =	simm.s32 @!p2 $0x9800;
	[sflag:s8] =	ssyncset.done $0x0  }
0x81: {  	s20 =	simm.s32 @!p2 $0x800;
	[sflag:s8] =	ssyncadd.s32 $0xFFFFF800;
	s8 =	simm.s32 $0x7  }
0x82: {  	[tilespmem:s23], [sflag:$0x12] =	stream.indirect.gather @!p2 [spmem:s2], $0x1, s22, s20, $0xb8;
	[tilespmem:$0xD2D0] =	vst v63  }
0x83: {  	_ =	swait.ge [sflag:s8], $0x800  }
0x84: {  	[sflag:s8] =	ssyncset.done $0x0  }
0x85: {  	[sflag:s8] =	ssyncadd.s32 $0xFFFFF800  }
0x86: {  	_ =	swait.ge [sflag:s31], $0x800  }
0x87: {  	[sflag:s31] =	ssyncset.done $0x0  }
0x88: {  	s13 =	simm.s32 $0x800;
	s29 =	simm.s32 $0x7000;
	[sflag:s31] =	ssyncadd.s32 $0xFFFFF800  }
0x89: {  	[spmem:s1] =	stream.indirect.scatter.add.f32 [tilespmem:s29], [sflag:$0x13], $0x1, s26, s13, $0xb8;
	[tilespmem:$0xD2D0] =	vst v63  }
0x8a: {  	s13 =	simm.s32 $0x8  }
0x8b: {  	_ =	swait.ge [sflag:s13], $0x800  }
0x8c: {  	[sflag:s13] =	ssyncset.done $0x0  }
0x8d: {  	s22 =	simm.s32 @!p5 $0xE;
	[sflag:s13] =	ssyncadd.s32 $0xFFFFF800  }
0x8e: {  	_ =	swait.ge @!p5 [sflag:s22], $0x800  }
0x8f: {  	[sflag:s22] =	ssyncset.done @!p5 $0x0  }
0x90: {  	s13 =	simm.s32 $0x9;
	[sflag:s22] =	ssyncadd.s32 @!p5 $0xFFFFF800;
	s22 =	simm.s32 @!p5 $0x4800  }
0x91: {  	[spmem:s1] =	stream.indirect.scatter.add.f32 @!p5 [tilespmem:s6], [sflag:$0x14], $0x1, s22, s14, $0xb8;
	[tilespmem:$0xD2D0] =	vst v63  }
0x92: {  	_ =	swait.ge [sflag:s13], $0x800  }
0x93: {  	[sflag:s13] =	ssyncset.done $0x0  }
0x94: {  	s6 =	simm.s32 @!p4 $0xF;
	[sflag:s13] =	ssyncadd.s32 $0xFFFFF800  }
0x95: {  	_ =	swait.ge @!p4 [sflag:s6], $0x800  }
0x96: {  	[sflag:s6] =	ssyncset.done @!p4 $0x0  }
0x97: {  	[sflag:s6] =	ssyncadd.s32 @!p4 $0xFFFFF800;
	s6 =	simm.s32 @!p4 $0x5000  }
0x98: {  	[spmem:s1] =	stream.indirect.scatter.add.f32 @!p4 [tilespmem:s16], [sflag:$0x15], $0x1, s6, s15, $0xb8;
	[tilespmem:$0xD2D0] =	vst v63  }
0x99: {  	s16 =	simm.s32 $0xA  }
0x9a: {  	_ =	swait.ge [sflag:s16], $0x800  }
0x9b: {  	[sflag:s16] =	ssyncset.done $0x0  }
0x9c: {  	s6 =	simm.s32 @!p3 $0x10;
	[sflag:s16] =	ssyncadd.s32 $0xFFFFF800  }
0x9d: {  	_ =	swait.ge @!p3 [sflag:s6], $0x800  }
0x9e: {  	[sflag:s6] =	ssyncset.done @!p3 $0x0  }
0x9f: {  	s29 =	simm.s32 $0xB;
	[sflag:s6] =	ssyncadd.s32 @!p3 $0xFFFFF800;
	s6 =	simm.s32 @!p3 $0x5800  }
0xa0: {  	[spmem:s1] =	stream.indirect.scatter.add.f32 @!p3 [tilespmem:s18], [sflag:$0x16], $0x1, s6, s17, $0xb8;
	[tilespmem:$0xD2D0] =	vst v63  }
0xa1: {  	_ =	swait.ge [sflag:s29], $0x800  }
0xa2: {  	[sflag:s29] =	ssyncset.done $0x0  }
0xa3: {  	s6 =	simm.s32 @!p1 $0x11;
	[sflag:s29] =	ssyncadd.s32 $0xFFFFF800  }
0xa4: {  	_ =	swait.ge @!p1 [sflag:s6], $0x800  }
0xa5: {  	[sflag:s6] =	ssyncset.done @!p1 $0x0  }
0xa6: {  	s22 =	simm.s32 $0xC;
	[sflag:s6] =	ssyncadd.s32 @!p1 $0xFFFFF800;
	s6 =	simm.s32 @!p1 $0x6000  }
0xa7: {  	[spmem:s1] =	stream.indirect.scatter.add.f32 @!p1 [tilespmem:s21], [sflag:$0x17], $0x1, s6, s19, $0xb8;
	[tilespmem:$0xD2D0] =	vst v63  }
0xa8: {  	_ =	swait.ge [sflag:s22], $0x800  }
0xa9: {  	[sflag:s22] =	ssyncset.done $0x0  }
0xaa: {  	s6 =	simm.s32 @!p2 $0x12;
	[sflag:s22] =	ssyncadd.s32 $0xFFFFF800  }
0xab: {  	p6 =	slt.s32 s4, $0xB74;
	_ =	swait.ge @!p2 [sflag:s6], $0x800  }
0xac: {  	s4 =	simm.s32 @!p6 $0xB74;
	[sflag:s6] =	ssyncset.done @!p2 $0x0  }
0xad: {  	s4 =	sshll.u32 s4, $0x8;
	[sflag:s6] =	ssyncadd.s32 @!p2 $0xFFFFF800;
	s6 =	simm.s32 @!p2 $0x6800  }
0xae: {  	[spmem:s1] =	stream.indirect.scatter.add.f32 @!p2 [tilespmem:s23], [sflag:$0x18], $0x1, s6, s20, $0xb8;
	[tilespmem:$0xD2D0] =	vst v63  }
0xaf: {  	p6 =	slt.s32 s12, $0xB74;
	s4 =	sand.u32 $0x1FFFFF00, s4;
	_ =	swait.ge [sflag:s30], $0x800  }
0xb0: {  	s12 =	simm.s32 @!p6 $0xB74;
	s4 =	sadd.s32 s5, s4;
	[sflag:s30] =	ssyncset.done $0x0  }
0xb1: {  	s7 =	sshll.u32 s12, $0x8;
	s23 =	sadd.s32 $0xC000, s4;
	[sflag:s30] =	ssyncadd.s32 $0xFFFFF800  }
0xb2: {  	[tilespmem:s25], [sflag:$0x1] =	stream.linear.gather [hbm4b:s23+s3], $0x800, $0x38;
	[tilespmem:$0xD2D0] =	vst v63  }
0xb3: {  	s14 =	simm.s32 $0x4800;
	s4 =	sadd.s32 $0xCF500, s4;
	s6 =	simm.s32 @!p5 $0x14  }
0xb4: {  	[tilespmem:s26], [sflag:$0x7] =	stream.linear.gather [hbm4b:s4+s3], $0x800, $0x38;
	[tilespmem:$0xD2D0] =	vst v63  }
0xb5: {  	s15 =	simm.s32 $0x2000;
	s4 =	sand.u32 $0x1FFFFF00, s7;
	_ =	swait.ge @!p5 [sflag:s6], $0x800  }
0xb6: {  	s16 =	simm.s32 $0x5000;
	s4 =	sadd.s32 s5, s4;
	[sflag:s6] =	ssyncset.done @!p5 $0x0  }
0xb7: {  	s8 =	sadd.s32 $0xC000, s4;
	[sflag:s6] =	ssyncadd.s32 @!p5 $0xFFFFF800;
	p5 =	slt.s32 s9, $0xB74  }
0xb8: {  	[tilespmem:s28], [sflag:$0x2] =	stream.linear.gather [hbm4b:s8+s3], $0x800, $0x38;
	[tilespmem:$0xD2D0] =	vst v63  }
0xb9: {  	s17 =	simm.s32 $0x2800;
	s18 =	simm.s32 $0x5800;
	s9 =	simm.s32 @!p5 $0xB74  }
0xba: {  	s4 =	sadd.s32 $0xCF500, s4;
	s6 =	simm.s32 @!p4 $0x15;
	s12 =	sshll.u32 s9, $0x8  }
0xbb: {  	[tilespmem:s14], [sflag:$0x8] =	stream.linear.gather [hbm4b:s4+s3], $0x800, $0x38;
	[tilespmem:$0xD2D0] =	vst v63  }
0xbc: {  	p5 =	slt.s32 s10, $0xB74;
	s9 =	simm.s32 $0xC0;
	s4 =	sand.u32 $0x1FFFFF00, s12  }
0xbd: {  	s10 =	simm.s32 @!p5 $0xB74;
	_ =	swait.ge @!p4 [sflag:s6], $0x800;
	s4 =	sadd.s32 s5, s4  }
0xbe: {  	s20 =	sshll.u32 s10, $0x8;
	[sflag:s6] =	ssyncset.done @!p4 $0x0;
	s14 =	sadd.s32 $0xC000, s4  }
0xbf: {  	s4 =	sadd.s32 $0xCF500, s4;
	[sflag:s6] =	ssyncadd.s32 @!p4 $0xFFFFF800;
	p4 =	slt.s32 s0, $0xB74  }
0xc0: {  	[tilespmem:s15], [sflag:$0x3] =	stream.linear.gather [hbm4b:s14+s3], $0x800, $0x38;
	[tilespmem:$0xD2D0] =	vst v63  }
0xc1: {  	s6 =	simm.s32 @!p3 $0x16;
	s0 =	simm.s32 @!p4 $0xB74;
	p4 =	slt.s32 s11, $0xB74  }
0xc2: {  	[tilespmem:s16], [sflag:$0x9] =	stream.linear.gather [hbm4b:s4+s3], $0x800, $0x38;
	[tilespmem:$0xD2D0] =	vst v63  }
0xc3: {  	s19 =	sshll.u32 s0, $0x8;
	s0 =	sand.u32 $0x1FFFFF00, s20;
	_ =	swait.ge @!p3 [sflag:s6], $0x800  }
0xc4: {  	s11 =	simm.s32 @!p4 $0xB74;
	s0 =	sadd.s32 s5, s0;
	[sflag:s6] =	ssyncset.done @!p3 $0x0  }
0xc5: {  	s21 =	sshll.u32 s11, $0x8;
	s22 =	sadd.s32 $0xC000, s0;
	[sflag:s6] =	ssyncadd.s32 @!p3 $0xFFFFF800  }
0xc6: {  	[tilespmem:s17], [sflag:$0x4] =	stream.linear.gather [hbm4b:s22+s3], $0x800, $0x38;
	[tilespmem:$0xD2D0] =	vst v63  }
0xc7: {  	s23 =	sand.u32 $0x1FFFFF00, s21;
	s28 =	sadd.s32 $0xCF500, s0;
	s0 =	simm.s32 @!p1 $0x17  }
0xc8: {  	[tilespmem:s18], [sflag:$0xA] =	stream.linear.gather [hbm4b:s28+s3], $0x800, $0x38;
	[tilespmem:$0xD2D0] =	vst v63  }
0xc9: {  	s4 =	sand.u32 $0x1FFFFF00, s19;
	s12 =	sadd.s32 s5, s23;
	_ =	swait.ge @!p1 [sflag:s0], $0x800  }
0xca: {  	s10 =	sadd.s32 s5, s4;
	s14 =	sadd.s32 $0xC000, s12;
	[sflag:s0] =	ssyncset.done @!p1 $0x0  }
.LBB2_4:
0xcb: {  	[sflag:s0] =	ssyncadd.s32 @!p1 $0xFFFFF800  }
0xcc: {  	s0 =	smov.u32 s9;
	s9 =	sadd.s32 $0xC0, s9;
	s4 =	simm.s32 $0x3000  }
0xcd: {  	s6 =	simm.s32 @!p2 $0x18;
	s11 =	simm.s32 $0x6000;
	s8 =	simm.s32 $0x800  }
0xce: {  	[tilespmem:s4], [sflag:$0x5] =	stream.linear.gather [hbm4b:s14+s3], $0x800, $0x38;
	[tilespmem:$0xD2D0] =	vst v63  }
0xcf: {  	s7 =	simm.s32 $0x7000;
	p3 =	sne.s32 s9, $0xCC0;
	s0 =	sadd.s32 s0, s24  }
0xd0: {  	s4 =	sadd.s32 $0xCF500, s12;
	p1 =	slt.s32 s0, $0xB74;
	s12 =	smov.u32 s0  }
0xd1: {  	[tilespmem:s11], [sflag:$0xB] =	stream.linear.gather [hbm4b:s4+s3], $0x800, $0x38;
	[tilespmem:$0xD2D0] =	vst v63  }
0xd2: {  	s11 =	sadd.s32 $0xC000, s10;
	s4 =	sadd.s32 $0xA0, s0;
	_ =	swait.ge @!p2 [sflag:s6], $0x800  }
0xd3: {  	s12 =	simm.s32 @!p1 $0xB74;
	p1 =	slt.s32 s4, $0xB74;
	[sflag:s6] =	ssyncset.done @!p2 $0x0  }
0xd4: {  	[sflag:s6] =	ssyncadd.s32 @!p2 $0xFFFFF800;
	s6 =	sshll.u32 s12, $0x8;
	s12 =	smov.u32 s4  }
0xd5: {  	s14 =	sadd.s32 $0xCF500, s10;
	s10 =	simm.s32 $0x3800;
	s12 =	simm.s32 @!p1 $0xB74  }
0xd6: {  	[tilespmem:s10], [sflag:$0x6] =	stream.linear.gather [hbm4b:s11+s3], $0x800, $0x38;
	[tilespmem:$0xD2D0] =	vst v63  }
0xd7: {  	s11 =	sand.u32 $0x1FFFFF00, s6;
	s10 =	sshll.u32 s12, $0x8;
	s6 =	simm.s32 $0x6800  }
0xd8: {  	[tilespmem:s6], [sflag:$0xC] =	stream.linear.gather [hbm4b:s14+s3], $0x800, $0x38;
	[tilespmem:$0xD2D0] =	vst v63  }
0xd9: {  	s17 =	simm.s32 $0x2;
	s28 =	smov.u32 s24;
	s6 =	simm.s32 $0x1  }
0xda: {  	s16 =	sadd.s32 $0x60, s0;
	s12 =	sadd.s32 $0x20, s0;
	_ =	swait.ge [sflag:s6], $0x800  }
0xdb: {  	p4 =	sgt.u32 s12, $0xC34;
	p1 =	slt.s32 s12, $0xB74;
	[sflag:s6] =	ssyncset.done $0x0  }
0xdc: {  	s12 =	simm.s32 @!p1 $0xB74;
	[sflag:s6] =	ssyncadd.s32 $0xFFFFF800;
	s6 =	simm.s32 @!p4 $0x1800  }
0xdd: {  	[tilespmem:s7], [sflag:$0xD] =	stream.indirect.gather [spmem:s2], $0x1, s25, s8, $0xb8;
	[tilespmem:$0xD2D0] =	vst v63  }
0xde: {  	s18 =	simm.s32 @!p4 $0x7800;
	s14 =	sadd.s32 $0x80, s0;
	_ =	swait.ge [sflag:s17], $0x800  }
0xdf: {  	s15 =	sadd.s32 $0x40, s0;
	p1 =	sgt.u32 s14, $0xC34;
	[sflag:s17] =	ssyncset.done $0x0  }
0xe0: {  	p6 =	sgt.u32 s15, $0xC34;
	s24 =	simm.s32 @!p4 $0x800;
	[sflag:s17] =	ssyncadd.s32 $0xFFFFF800  }
0xe1: {  	[tilespmem:s18], [sflag:$0xE] =	stream.indirect.gather @!p4 [spmem:s2], $0x1, s6, s24, $0xb8;
	[tilespmem:$0xD2D0] =	vst v63  }
0xe2: {  	s23 =	simm.s32 $0x5;
	p5 =	sgt.u32 s16, $0xC34;
	s6 =	simm.s32 $0x3  }
0xe3: {  	s20 =	simm.s32 @!p6 $0x800;
	s0 =	simm.s32 @!p6 $0x2000;
	_ =	swait.ge [sflag:s6], $0x800  }
0xe4: {  	s22 =	simm.s32 @!p6 $0x8000;
	p2 =	slt.s32 s14, $0xB74;
	[sflag:s6] =	ssyncset.done $0x0  }
0xe5: {  	p0 =	slt.s32 s15, $0xB74;
	[sflag:s6] =	ssyncadd.s32 $0xFFFFF800;
	s6 =	simm.s32 $0x4  }
0xe6: {  	[tilespmem:s22], [sflag:$0xF] =	stream.indirect.gather @!p6 [spmem:s2], $0x1, s0, s20, $0xb8;
	[tilespmem:$0xD2D0] =	vst v63  }
0xe7: {  	s19 =	simm.s32 @!p5 $0x8800;
	s0 =	simm.s32 @!p5 $0x800;
	_ =	swait.ge [sflag:s6], $0x800  }
0xe8: {  	s15 =	simm.s32 @!p0 $0xB74;
	s14 =	simm.s32 @!p2 $0xB74;
	[sflag:s6] =	ssyncset.done $0x0  }
0xe9: {  	s15 =	sshll.u32 s15, $0x8;
	[sflag:s6] =	ssyncadd.s32 $0xFFFFF800;
	s6 =	simm.s32 @!p5 $0x2800  }
0xea: {  	[tilespmem:s19], [sflag:$0x10] =	stream.indirect.gather @!p5 [spmem:s2], $0x1, s6, s0, $0xb8;
	[tilespmem:$0xD2D0] =	vst v63  }
0xeb: {  	s21 =	simm.s32 @!p1 $0x3000;
	s6 =	simm.s32 @!p1 $0x800;
	_ =	swait.ge [sflag:s23], $0x800  }
0xec: {  	s15 =	sand.u32 $0x1FFFFF00, s15;
	s17 =	sshll.u32 s12, $0x8;
	[sflag:s23] =	ssyncset.done $0x0  }
0xed: {  	s12 =	sshll.u32 s14, $0x8;
	[sflag:s23] =	ssyncadd.s32 $0xFFFFF800;
	s23 =	simm.s32 @!p1 $0x9000  }
0xee: {  	[tilespmem:s23], [sflag:$0x11] =	stream.indirect.gather @!p1 [spmem:s2], $0x1, s21, s6, $0xb8;
	[tilespmem:$0xD2D0] =	vst v63  }
0xef: {  	p2 =	sgt.u32 s4, $0xC34;
	s21 =	simm.s32 $0x6  }
0xf0: {  	s4 =	simm.s32 @!p2 $0x800;
	s12 =	sand.u32 $0x1FFFFF00, s12;
	_ =	swait.ge [sflag:s21], $0x800  }
0xf1: {  	s25 =	simm.s32 $0x7;
	s14 =	simm.s32 @!p2 $0x3800;
	[sflag:s21] =	ssyncset.done $0x0  }
0xf2: {  	s12 =	sadd.s32 s5, s12;
	[sflag:s21] =	ssyncadd.s32 $0xFFFFF800;
	s21 =	simm.s32 @!p2 $0x9800  }
0xf3: {  	[tilespmem:s21], [sflag:$0x12] =	stream.indirect.gather @!p2 [spmem:s2], $0x1, s14, s4, $0xb8;
	[tilespmem:$0xD2D0] =	vst v63  }
0xf4: {  	p0 =	slt.s32 s16, $0xB74;
	s14 =	sadd.s32 $0xC000, s12;
	_ =	swait.ge [sflag:s25], $0x800  }
0xf5: {  	s16 =	simm.s32 @!p0 $0xB74;
	s10 =	sand.u32 $0x1FFFFF00, s10;
	[sflag:s25] =	ssyncset.done $0x0  }
0xf6: {  	s16 =	sshll.u32 s16, $0x8;
	s10 =	sadd.s32 s5, s10;
	[sflag:s25] =	ssyncadd.s32 $0xFFFFF800  }
0xf7: {  	s16 =	sand.u32 $0x1FFFFF00, s16;
	_ =	swait.ge [sflag:s31], $0x800  }
0xf8: {  	s16 =	sadd.s32 s5, s16;
	[sflag:s31] =	ssyncset.done $0x0  }
0xf9: {  	[sflag:s31] =	ssyncadd.s32 $0xFFFFF800  }
0xfa: {  	[spmem:s1] =	stream.indirect.scatter.add.f32 [tilespmem:s7], [sflag:$0x13], $0x1, s26, s8, $0xb8;
	[tilespmem:$0xD2D0] =	vst v63  }
0xfb: {  	s7 =	simm.s32 $0x8  }
0xfc: {  	_ =	swait.ge [sflag:s7], $0x800  }
0xfd: {  	s25 =	simm.s32 @!p4 $0xE;
	[sflag:s7] =	ssyncset.done $0x0  }
0xfe: {  	[sflag:s7] =	ssyncadd.s32 $0xFFFFF800  }
0xff: {  	_ =	swait.ge @!p4 [sflag:s25], $0x800  }
0x100: {  	s26 =	simm.s32 @!p4 $0x4800;
	[sflag:s25] =	ssyncset.done @!p4 $0x0  }
0x101: {  	[sflag:s25] =	ssyncadd.s32 @!p4 $0xFFFFF800;
	s25 =	simm.s32 $0x1000  }
0x102: {  	[spmem:s1] =	stream.indirect.scatter.add.f32 @!p4 [tilespmem:s18], [sflag:$0x14], $0x1, s26, s24, $0xb8;
	[tilespmem:$0xD2D0] =	vst v63  }
0x103: {  	s26 =	simm.s32 $0x4000  }
0x104: {  	_ =	swait.ge [sflag:s13], $0x800  }
0x105: {  	s18 =	simm.s32 @!p6 $0xF;
	[sflag:s13] =	ssyncset.done $0x0  }
0x106: {  	[sflag:s13] =	ssyncadd.s32 $0xFFFFF800  }
0x107: {  	_ =	swait.ge @!p6 [sflag:s18], $0x800  }
0x108: {  	s24 =	simm.s32 @!p6 $0x5000;
	[sflag:s18] =	ssyncset.done @!p6 $0x0  }
0x109: {  	[sflag:s18] =	ssyncadd.s32 @!p6 $0xFFFFF800  }
0x10a: {  	[spmem:s1] =	stream.indirect.scatter.add.f32 @!p6 [tilespmem:s22], [sflag:$0x15], $0x1, s24, s20, $0xb8;
	[tilespmem:$0xD2D0] =	vst v63  }
0x10b: {  	s22 =	simm.s32 $0xA;
	s24 =	smov.u32 s28;
	s28 =	simm.s32 $0x1800  }
0x10c: {  	_ =	swait.ge [sflag:s22], $0x800  }
0x10d: {  	s18 =	simm.s32 @!p5 $0x10;
	[sflag:s22] =	ssyncset.done $0x0  }
0x10e: {  	[sflag:s22] =	ssyncadd.s32 $0xFFFFF800  }
0x10f: {  	_ =	swait.ge @!p5 [sflag:s18], $0x800  }
0x110: {  	s20 =	simm.s32 @!p5 $0x5800;
	[sflag:s18] =	ssyncset.done @!p5 $0x0  }
0x111: {  	[sflag:s18] =	ssyncadd.s32 @!p5 $0xFFFFF800  }
0x112: {  	[spmem:s1] =	stream.indirect.scatter.add.f32 @!p5 [tilespmem:s19], [sflag:$0x16], $0x1, s20, s0, $0xb8;
	[tilespmem:$0xD2D0] =	vst v63  }
0x113: {  	s19 =	simm.s32 $0xC  }
0x114: {  	_ =	swait.ge [sflag:s29], $0x800  }
0x115: {  	s0 =	simm.s32 @!p1 $0x11;
	[sflag:s29] =	ssyncset.done $0x0  }
0x116: {  	[sflag:s29] =	ssyncadd.s32 $0xFFFFF800  }
0x117: {  	_ =	swait.ge @!p1 [sflag:s0], $0x800  }
0x118: {  	s18 =	simm.s32 @!p1 $0x6000;
	[sflag:s0] =	ssyncset.done @!p1 $0x0  }
0x119: {  	[sflag:s0] =	ssyncadd.s32 @!p1 $0xFFFFF800  }
0x11a: {  	[spmem:s1] =	stream.indirect.scatter.add.f32 @!p1 [tilespmem:s23], [sflag:$0x17], $0x1, s18, s6, $0xb8;
	[tilespmem:$0xD2D0] =	vst v63  }
0x11b: {  	s18 =	simm.s32 $0x2800  }
0x11c: {  	_ =	swait.ge [sflag:s19], $0x800  }
0x11d: {  	s0 =	simm.s32 @!p2 $0x12;
	[sflag:s19] =	ssyncset.done $0x0  }
0x11e: {  	[sflag:s19] =	ssyncadd.s32 $0xFFFFF800  }
0x11f: {  	_ =	swait.ge @!p2 [sflag:s0], $0x800  }
0x120: {  	s6 =	simm.s32 @!p2 $0x6800;
	[sflag:s0] =	ssyncset.done @!p2 $0x0  }
0x121: {  	[sflag:s0] =	ssyncadd.s32 @!p2 $0xFFFFF800  }
0x122: {  	[spmem:s1] =	stream.indirect.scatter.add.f32 @!p2 [tilespmem:s21], [sflag:$0x18], $0x1, s6, s4, $0xb8;
	[tilespmem:$0xD2D0] =	vst v63  }
0x123: {  	_ =	swait.ge [sflag:s30], $0x800  }
0x124: {  	s0 =	sadd.s32 s5, s11;
	s11 =	simm.s32 $0x4800;
	[sflag:s30] =	ssyncset.done $0x0  }
0x125: {  	s4 =	sadd.s32 $0xC000, s0;
	s0 =	sadd.s32 $0xCF500, s0;
	[sflag:s30] =	ssyncadd.s32 $0xFFFFF800  }
0x126: {  	[tilespmem:s25], [sflag:$0x1] =	stream.linear.gather [hbm4b:s4+s3], $0x800, $0x38;
	[tilespmem:$0xD2D0] =	vst v63  }
0x127: {  	s6 =	sand.u32 $0x1FFFFF00, s17;
	s17 =	simm.s32 $0x5000;
	s4 =	simm.s32 @!p4 $0x14  }
0x128: {  	[tilespmem:s26], [sflag:$0x7] =	stream.linear.gather [hbm4b:s0+s3], $0x800, $0x38;
	[tilespmem:$0xD2D0] =	vst v63  }
0x129: {  	s0 =	sadd.s32 s5, s6;
	_ =	swait.ge @!p4 [sflag:s4], $0x800  }
0x12a: {  	s6 =	sadd.s32 $0xC000, s0;
	[sflag:s4] =	ssyncset.done @!p4 $0x0  }
0x12b: {  	[sflag:s4] =	ssyncadd.s32 @!p4 $0xFFFFF800  }
0x12c: {  	[tilespmem:s28], [sflag:$0x2] =	stream.linear.gather [hbm4b:s6+s3], $0x800, $0x38;
	[tilespmem:$0xD2D0] =	vst v63  }
0x12d: {  	s0 =	sadd.s32 $0xCF500, s0;
	s4 =	simm.s32 @!p6 $0x15  }
0x12e: {  	[tilespmem:s11], [sflag:$0x8] =	stream.linear.gather [hbm4b:s0+s3], $0x800, $0x38;
	[tilespmem:$0xD2D0] =	vst v63  }
0x12f: {  	_ =	swait.ge @!p6 [sflag:s4], $0x800  }
0x130: {  	s0 =	sadd.s32 s5, s15;
	s15 =	simm.s32 $0x2000;
	[sflag:s4] =	ssyncset.done @!p6 $0x0  }
0x131: {  	[sflag:s4] =	ssyncadd.s32 @!p6 $0xFFFFF800;
	s4 =	sadd.s32 $0xC000, s0  }
0x132: {  	[tilespmem:s15], [sflag:$0x3] =	stream.linear.gather [hbm4b:s4+s3], $0x800, $0x38;
	[tilespmem:$0xD2D0] =	vst v63  }
0x133: {  	s0 =	sadd.s32 $0xCF500, s0;
	s4 =	simm.s32 @!p5 $0x16  }
0x134: {  	[tilespmem:s17], [sflag:$0x9] =	stream.linear.gather [hbm4b:s0+s3], $0x800, $0x38;
	[tilespmem:$0xD2D0] =	vst v63  }
0x135: {  	_ =	swait.ge @!p5 [sflag:s4], $0x800  }
0x136: {  	[sflag:s4] =	ssyncset.done @!p5 $0x0  }
0x137: {  	s0 =	sadd.s32 $0xC000, s16;
	[sflag:s4] =	ssyncadd.s32 @!p5 $0xFFFFF800  }
0x138: {  	[tilespmem:s18], [sflag:$0x4] =	stream.linear.gather [hbm4b:s0+s3], $0x800, $0x38;
	[tilespmem:$0xD2D0] =	vst v63  }
.Ltmp1:
0x139: {  	_ = 	snop;
	(pc) =	sbr.rel @p3 .LBB2_4-.Ltmp1, $4  }
0x13a: {  	s4 =	sadd.s32 $0xCF500, s16;
	s16 =	simm.s32 $0x5800;
	s0 =	simm.s32 @!p1 $0x17  }
0x13b: {  	[tilespmem:s16], [sflag:$0xA] =	stream.linear.gather [hbm4b:s4+s3], $0x800, $0x38;
	[tilespmem:$0xD2D0] =	vst v63  }
0x13c: {  	_ =	swait.ge @!p1 [sflag:s0], $0x800  }
0x13d: {  	[sflag:s0] =	ssyncset.done @!p1 $0x0  }
0x13e: {  	[sflag:s0] =	ssyncadd.s32 @!p1 $0xFFFFF800;
	s9 =	simm.s32 $0x3000  }
0x13f: {  	[tilespmem:s9], [sflag:$0x5] =	stream.linear.gather [hbm4b:s14+s3], $0x800, $0x38;
	[tilespmem:$0xD2D0] =	vst v63  }
0x140: {  	s12 =	sadd.s32 $0xCF500, s12;
	s4 =	simm.s32 $0x6000;
	s0 =	simm.s32 @!p2 $0x18  }
0x141: {  	[tilespmem:s4], [sflag:$0xB] =	stream.linear.gather [hbm4b:s12+s3], $0x800, $0x38;
	[tilespmem:$0xD2D0] =	vst v63  }
0x142: {  	_ =	swait.ge @!p2 [sflag:s0], $0x800  }
0x143: {  	[sflag:s0] =	ssyncset.done @!p2 $0x0  }
0x144: {  	s20 =	simm.s32 $0x3800;
	s14 =	sadd.s32 $0xC000, s10;
	[sflag:s0] =	ssyncadd.s32 @!p2 $0xFFFFF800  }
0x145: {  	[tilespmem:s20], [sflag:$0x6] =	stream.linear.gather [hbm4b:s14+s3], $0x800, $0x38;
	[tilespmem:$0xD2D0] =	vst v63  }
0x146: {  	s21 =	sadd.s32 $0xCF500, s10;
	s23 =	simm.s32 $0x6800;
	s6 =	simm.s32 $0x1  }
0x147: {  	[tilespmem:s23], [sflag:$0xC] =	stream.linear.gather [hbm4b:s21+s3], $0x800, $0x38;
	[tilespmem:$0xD2D0] =	vst v63  }
0x148: {  	_ =	swait.ge [sflag:s6], $0x800  }
0x149: {  	[sflag:s6] =	ssyncset.done $0x0  }
0x14a: {  	s7 =	simm.s32 $0x7;
	[sflag:s6] =	ssyncadd.s32 $0xFFFFF800  }
0x14b: {  	_ =	swait.ge [sflag:s7], $0x800  }
0x14c: {  	[sflag:s7] =	ssyncset.done $0x0  }
0x14d: {  	s8 =	simm.s32 $0x2;
	[sflag:s7] =	ssyncadd.s32 $0xFFFFF800  }
0x14e: {  	_ =	swait.ge [sflag:s8], $0x800  }
0x14f: {  	[sflag:s8] =	ssyncset.done $0x0  }
0x150: {  	s9 =	simm.s32 $0x8;
	[sflag:s8] =	ssyncadd.s32 $0xFFFFF800  }
0x151: {  	_ =	swait.ge [sflag:s9], $0x800  }
0x152: {  	[sflag:s9] =	ssyncset.done $0x0  }
0x153: {  	s10 =	simm.s32 $0x3;
	[sflag:s9] =	ssyncadd.s32 $0xFFFFF800  }
0x154: {  	_ =	swait.ge [sflag:s10], $0x800  }
0x155: {  	[sflag:s10] =	ssyncset.done $0x0  }
0x156: {  	[sflag:s10] =	ssyncadd.s32 $0xFFFFF800  }
0x157: {  	_ =	swait.ge [sflag:s13], $0x800  }
0x158: {  	[sflag:s13] =	ssyncset.done $0x0  }
0x159: {  	s12 =	simm.s32 $0x4;
	[sflag:s13] =	ssyncadd.s32 $0xFFFFF800  }
0x15a: {  	_ =	swait.ge [sflag:s12], $0x800  }
0x15b: {  	[sflag:s12] =	ssyncset.done $0x0  }
0x15c: {  	[sflag:s12] =	ssyncadd.s32 $0xFFFFF800  }
0x15d: {  	_ =	swait.ge [sflag:s22], $0x800  }
0x15e: {  	[sflag:s22] =	ssyncset.done $0x0  }
0x15f: {  	s13 =	simm.s32 $0x5;
	[sflag:s22] =	ssyncadd.s32 $0xFFFFF800  }
0x160: {  	_ =	swait.ge [sflag:s13], $0x800  }
0x161: {  	[sflag:s13] =	ssyncset.done $0x0  }
0x162: {  	[sflag:s13] =	ssyncadd.s32 $0xFFFFF800  }
0x163: {  	_ =	swait.ge [sflag:s29], $0x800  }
0x164: {  	[sflag:s29] =	ssyncset.done $0x0  }
0x165: {  	s14 =	simm.s32 $0x6;
	[sflag:s29] =	ssyncadd.s32 $0xFFFFF800  }
0x166: {  	_ =	swait.ge [sflag:s14], $0x800  }
0x167: {  	[sflag:s14] =	ssyncset.done $0x0  }
0x168: {  	[sflag:s14] =	ssyncadd.s32 $0xFFFFF800  }
0x169: {  	_ =	swait.ge [sflag:s19], $0x800  }
0x16a: {  	[sflag:s19] =	ssyncset.done $0x0  }
0x16b: {  	[sflag:s19] =	ssyncadd.s32 $0xFFFFF800  }
0x16c: {  	[bflag:$0x0] =	sbarrier.arrive $0xFFFF  }
0x16d: {  	s9 =	simm.s32 $0x19;
	s19 =	rddreg [dreg:$0x14]  }
0x16e: {  	[tilespmem:s3], [sflag:$0x19] =	stream.linear.gather [spmem:s19], $0xFA0, $0x38;
	[tilespmem:$0xD2D0] =	vst v63  }
0x16f: {  	_ =	swait.ge [sflag:s9], $0xFA0  }
0x170: {  	[sflag:s9] =	ssyncset.done $0x0  }
0x171: {  	s20 =	rddreg [dreg:$0x11];
	[sflag:s9] =	ssyncadd.s32 $0xFFFFF060  }
0x172: {  	[hbm4b:s20+s3] =	stream.linear.scatter [tilespmem:s3], [sflag:$0x19], $0xFA0, $0x38;
	[tilespmem:$0xD2D0] =	vst v63  }
0x173: {  	_ =	swait.ge [sflag:s9], $0xFA0  }
0x174: {  	s21 =	sld [smem:$0x7FD];
	_ =	sdelay $0x2  }
0x175: {  	[sflag:s9] =	ssyncset.done $0x0;
	p2 =	seq.s32 s21, $0x1  }
0x176: {  	s4 =	rddreg [dreg:$0x15];
	[sflag:s9] =	ssyncadd.s32 $0xFFFFF060;
	s0 =	simm.s32 @!p2 $0x0  }
0x177: {  	[tilespmem:s0], [sflag:$0x19] =	stream.linear.gather @!p2 [spmem:s4], $0xFA0, $0x38;
	[tilespmem:$0xD2D0] =	vst v63  }
0x178: {  	s4 =	simm.s32 @!p2 $0x19  }
0x179: {  	_ =	swait.ge @!p2 [sflag:s4], $0xFA0  }
0x17a: {  	[sflag:s4] =	ssyncset.done @!p2 $0x0  }
0x17b: {  	s6 =	rddreg [dreg:$0x12];
	[sflag:s4] =	ssyncadd.s32 @!p2 $0xFFFFF060  }
0x17c: {  	[hbm4b:s6+s0] =	stream.linear.scatter @!p2 [tilespmem:s0], [sflag:$0x19], $0xFA0, $0x38;
	[tilespmem:$0xD2D0] =	vst v63  }
0x17d: {  	_ =	swait.ge @!p2 [sflag:s4], $0xFA0  }
0x17e: {  	s22 =	rddreg [dreg:$0x1b]  }
0x17f: {  	s23 =	rddreg [dreg:$0x16];
	s6 =	sadd.s32 $0x1, s22  }
0x180: {  	p0 =	sne.s32 s6, s23  }
.Ltmp2:
0x181: {  	s7 =	simm.s32 $0x5;
	s8 =	simm.s32 $0x6;
	(pc) =	sbr.rel @p0 .LBB2_1-.Ltmp2, $4  }
0x182: {  	s10 =	simm.s32 $0x3000;
	s12 =	simm.s32 $0x6000;
	s13 =	simm.s32 $0x3  }
0x183: {  	s29 =	simm.s32 $0x4;
	s14 =	simm.s32 $0x3800;
	s19 =	simm.s32 $0x6800  }
0x184: {  	s20 =	simm.s32 $0x1;
	s21 =	simm.s32 $0x800;
	[sflag:s4] =	ssyncset.done @!p2 $0x0  }
0x185: {  	[sflag:s4] =	ssyncadd.s32 @!p2 $0xFFFFF060;
	s22 =	simm.s32 $0x7000;
	s23 =	simm.s32 $0x2  }
0x186: {  	_ =	sfence.sel $0x180000  }
0x187: {  	[bflag:$0x0] =	sbarrier.arrive $0xFFFF  }
0x188: {  	_ =	strace $0x9000004D  }
0x189: {  	s0 =	stileid.u32;
	[bflag:$0x2] =	sbarrier.arrive $0xFFFF  }
0x18a: {  	p0 =	sne.s32 s0, $0x0;
	s0 =	rddreg [dreg:$0x3]  }
0x18b: {  	s0 =	sadd.s32 @!p0 $0x100000, s0  }
0x18c: {  	[sflag:s0] =	ssyncadd.tile.s32 @!p0 $0x1;
	_ =	shalt  }
.Lfunc_end2:
_tile_overlayer_lowered:
.L_overlay_start_2:
0x18d: {  	(tag) =	ssettag $0x2  }
0x18e: {  	s0 =	rddreg [dreg:$0x0];
	s2 =	stileid.u32  }
0x18f: {  	s1 =	rddreg [dreg:$0x1];
	p0 =	sne.s32 s2, $0x0  }
0x190: {  	s3 =	rddreg [dreg:$0x2];
	[bflag:$0x3] =	sbarrier.arrive $0xFFFF;
	s2 =	simm.s32 @!p0 $0x1C19  }
0x191: {  	[timem:s3], [sflag:s2] =	dma.local @!p0 [hbm:s0], s1  }
0x192: {  	s0 =	simm.s32 @!p0 $0x19  }
0x193: {  	_ =	swait.ge @!p0 [sflag:s0], s1  }
0x194: {  	s1 =	ssub.s32 @!p0 $0x0, s1;
	[sflag:s0] =	ssyncset.done @!p0 $0x0  }
0x195: {  	[sflag:s0] =	ssyncadd.s32 @!p0 s1  }
0x196: {  	[bflag:$0x3] =	sbarrier.arrive $0xFFFF  }
0x197: {  	_ =	shalt  }

// kernel: sparse-core-data-format-call.cloned.1.call-start
scs
called_computation_lowered:
.L_overlay_start_0:
0x0: {  	s2 =	sld [smem:$0x3FD9]  }
0x1: {  	s3 =	sld [smem:$0x3FFE];
	_ =	sdelay $0x1  }
0x2: {  	s1 =	srdreg.scid  }
0x3: {  	s0 =	sand.u32 $0x1, s1  }
0x4: {  	s18 =	sshll.u32 s0, $0xA;
	s2 =	sadd.s32 s3, s2  }
0x5: {  	s2 =	sadd.s32 s2, s18  }
0x6: {  	[smem:$0x3FBE] =	sst s2  }
0x7: {  	_ = 	snop  }
0x8: {  	s2 =	sld [smem:$0x3FC6];
	(tm) =	ssettm $0x1  }
0x9: {  	s19 =	sld [smem:$0x3FFB];
	_ =	sdelay $0x3  }
0xa: {  	_ =	strace s19  }
0xb: {  	s3 =	sld [smem:$0x3FFC];
	_ =	sdelay $0x3  }
0xc: {  	_ =	strace s3  }
0xd: {  	s3 =	sld [smem:$0x3FFD];
	_ =	sdelay $0x3  }
0xe: {  	_ =	strace s3  }
0xf: {  	_ =	strace $0x8FFFFFFF  }
0x10: {  	s20 =	sld [smem:$0x3FDB];
	_ =	sdelay $0x1  }
0x11: {  	s4 =	simm.s32 $_scs_section_size  }
0x12: {  	s5 =	simm.s32 $_size__tile_overlayer_lowered;
	s6 =	simm.s32 $_tile_overlayer_lowered  }
0x13: {  	s23 =	simm.s32 $0x1BFF;
	s22 =	sshll.u32 s6, $0x1;
	s3 =	sadd.s32 s4, s20  }
0x14: {  	s7 =	simm.s32 $0x0;
	s21 =	sshll.u32 s5, $0x1;
	s5 =	sadd.s32 s22, s3  }
0x15: {  	[timem:s7], [sflag:s23] =	dma.local [hbm:s5], s21  }
0x16: {  	_ =	swait.ge [sflag:s23], s21  }
0x17: {  	s4 =	ssub.s32 $0x0, s21;
	[sflag:s23] =	ssyncset.done $0x0  }
0x18: {  	[sflag:s23] =	ssyncadd.s32 s4;
	_ =	sdelay $0x1  }
0x19: {  	s24 =	simm.s32 $0x1B8B  }
0x1a: {  	_ =	swait.ge [sflag:s24], $0x1  }
0x1b: {  	[sflag:s24] =	ssyncset.done $0x0  }
0x1c: {  	s26 =	simm.s32 $0x1B8E;
	s25 =	sld [smem:$0x3FFE];
	[sflag:s24] =	ssyncadd.s32 $0xFFFFFFFF  }
0x1d: {  	s27 =	simm.s32 $execute0_lowered;
	[smem:$0x3FD2] =	sst s26  }
0x1e: {  	s5 =	sshll.u32 s27, $0x1;
	_ =	strace $0x80000046;
	[dreg:$0x1] =	wrdreg $0xFFFFFFFF  }
0x1f: {  	s28 =	simm.s32 $_size_execute0_lowered;
	s3 =	sadd.s32 s3, s5;
	[dreg:$0x0] =	wrdreg $0x0  }
0x20: {  	s5 =	sshll.u32 s28, $0x1;
	[dreg:$0x2] =	wrdreg s3  }
0x21: {  	[dreg:$0x3] =	wrdreg s5  }
0x22: {  	[dreg:$0x4] =	wrdreg $0xC0  }
0x23: {  	_ =	task [dreg:s7], $0x5FFFF  }
0x24: {  	[dreg:$0x1] =	wrdreg $0xFFFFFFFF  }
0x25: {  	[dreg:$0x0] =	wrdreg $0x60  }
0x26: {  	[dreg:$0x2] =	wrdreg s2  }
0x27: {  	[dreg:$0x3] =	wrdreg s25  }
0x28: {  	[dreg:$0x4] =	wrdreg $0x9  }
0x29: {  	_ =	task.clear_ibuf [dreg:s7], $0x5FFFF;
	_ =	strace $0x90000046  }
0x2a: {  	s29 =	simm.s32 $0x9;
	_ =	strace $0x80000048  }
0x2b: {  	_ =	swait.ge [sflag:s29], $0x1  }
0x2c: {  	[sflag:s29] =	ssyncadd.s32 $0xFFFFFFFF  }
0x2d: {  	_ =	strace $0x90000048  }
0x2e: {  	_ =	sfence  }
0x2f: {  	s30 =	sld [smem:$0x0];
	_ =	sdelay $0x2  }
0x30: {  	s31 =	sshll.u32 s1, $0xD;
	s1 =	sshrl.u32 s1, $0x2  }
0x31: {  	s3 =	sand.u32 $0x4000, s31;
	s1 =	sadd.s32 s1, s30  }
0x32: {  	s0 =	sor.u32 s3, s0;
	s1 =	sshll.u32 s1, $0x11  }
0x33: {  	s0 =	sor.u32 s1, s0  }
0x34: {  	s0 =	sadd.s32 $0x8F2B, s0  }
0x35: {  	[sflag:s0] =	ssyncadd.remote.s32 $0x1  }
0x36: {  	_ =	sfence.sel $0xFFFF  }
0x37: {  	[dreg:$0x0] =	wrdreg $0xFFFFFFFF;
	(pc) =	sbr.abs _section_cstart, $3  }
0x38: {  	[dreg:$0x1] =	wrdreg $0xFFFFFFFF  }
0x39: {  	_ =	task.clear_ibuf [dreg:s7], $0x2FFFF;
	_ =	strace $0x9FFFFFFF  }
0x3a: {  	(tm) =	ssettm $0x7FFFFFFF  }
0x3b: {  	_ =	shalt  }
tec
execute0_lowered:
.L_overlay_start_1:
0x0: {  	(tag) =	ssettag $0x1  }
0x1: {  	s0 =	stileid.u32;
	s7 =	rddreg [dreg:$0x0]  }
0x2: {  	s1 =	srdreg.scid;
	s4 =	rddreg [dreg:$0x1]  }
0x3: {  	s30 =	simm.s32 $0x2;
	s10 =	simm.s32 $0x0;
	s14 =	simm.s32 $0x0  }
0x4: {  	s15 =	simm.s32 $0x0;
	s11 =	simm.s32 $0x0;
	s13 =	simm.s32 $0x0  }
0x5: {  	s2 =	sand.u32 $0x1, s1;
	s3 =	sshll.u32 s0, $0x7;
	s1 =	rddreg [dreg:$0x2]  }
0x6: {  	_ =	strace $0x80000047;
	s5 =	ssub.s32 $0xC300, s3;
	s6 =	ssub.s32 $0x2, s2  }
.Ltmp0:
0x7: {  	s5 =	sshrl.u32 s5, $0xB;
	s8 =	sshrl.u32 s6, $0x1;
	(pc) =	sbr.rel .LBB1_1-.Ltmp0, $4  }
0x8: {  	s4 =	sadd.s32 $0x1400, s4;
	s9 =	sadd.s32 $0x1, s5;
	s6 =	ssub.s32 s6, s8  }
0x9: {  	s31 =	sshll.u32 s2, $0x4;
	s5 =	simm.s32 $0x1;
	s6 =	smul.u32 s9, s6  }
0xa: {  	s12 =	smov.u32 s3;
	s7 =	sadd.s32 s7, s31;
	[sflag:s5] =	ssyncpa.u1 $0x0  }
0xb: {  	s9 =	simm.s32 $0x0;
	[sflag:s30] =	ssyncpa.u1 $0x0;
	s8 =	sadd.s32 $0x1, s6  }
.LBB1_4:
0xc: {  	s21 =	simm.s32 $0x0  }
.LBB1_8:
0xd: {  	_ =	sdelay $0x3  }
0xe: {  	v6 =	vld [tilespmem:s18+$0xFFFFFFC0];
	[tilespmem:v0+s20+$0x30 ss:$0x1] =	vst.idx.msk @p0 $0xffff, v2  }
0xf: {  	v58 =	vld [tilespmem:s18+$0xFFFFFFD0];
	[tilespmem:v0+s20+$0x40 ss:$0x1] =	vst.idx.msk @p0 $0xffff, v3;
	s21 =	sadd.s32 @p0 $0x80, s21  }
0x10: {  	v59 =	vld [tilespmem:s18+$0xFFFFFFE0];
	[tilespmem:v0+s20+$0x50 ss:$0x1] =	vst.idx.msk @p0 $0xffff, v5;
	s19 =	smov.u32 @p0 s21  }
0x11: {  	v60 =	vld [tilespmem:s18+$0xFFFFFFF0];
	[tilespmem:v0+s20+$0x60 ss:$0x1] =	vst.idx.msk @p0 $0xffff, v4;
	s19 =	sand.u32 $0x3F80, s19  }
0x12: {  	v61 =	vld [tilespmem:s18+$0x0];
	[tilespmem:v0+s19+$0x70 ss:$0x1] =	vst.idx.msk $0xffff, v1  }
0x13: {  	v62 =	vld [tilespmem:s18+$0x10];
	[tilespmem:v0+s19+$0x0 ss:$0x1] =	vst.idx.msk $0xffff, v6  }
0x14: {  	v63 =	vld [tilespmem:s18+$0x20];
	[tilespmem:v0+s19+$0x10 ss:$0x1] =	vst.idx.msk $0xffff, v58  }
0x15: {  	[tilespmem:v0+s19+$0x20 ss:$0x1] =	vst.idx.msk $0xffff, v59  }
0x16: {  	[tilespmem:v0+s19+$0x30 ss:$0x1] =	vst.idx.msk $0xffff, v60  }
0x17: {  	[tilespmem:v0+s19+$0x40 ss:$0x1] =	vst.idx.msk $0xffff, v61  }
0x18: {  	[tilespmem:v0+s19+$0x50 ss:$0x1] =	vst.idx.msk $0xffff, v62  }
0x19: {  	[tilespmem:v0+s19+$0x60 ss:$0x1] =	vst.idx.msk $0xffff, v63  }
.LBB1_9:
0x1a: {  	s18 =	sand.u32 $0x1FFFFFF, s11  }
0x1b: {  	s19 =	smulhi.u32 $0x14F8B59, s18;
	_ =	sdelay $0x1  }
0x1c: {  	s19 =	sshrl.u32 s19, $0x8  }
0x1d: {  	s19 =	smul.u32 $0xC350, s19  }
0x1e: {  	s15 =	smul.u32 $0xC3500, s15  }
0x1f: {  	s18 =	ssub.s32 s18, s19  }
0x20: {  	s15 =	sadd.s32 s4, s15;
	s18 =	sshll.u32 s18, $0x4  }
0x21: {  	s15 =	sadd.s32 s18, s15  }
0x22: {  	[hbm4b:s15+s9] =	stream.linear.scatter [tilespmem:s17], [sflag:$0x2], s16, $0x38;
	[tilespmem:$0x10000] =	vst v63  }
.LBB1_10:
0x23: {  	p0 =	slt.u32 s13, $0x2  }
0x24: {  	p1 =	sgt.s32 @!p0 s14, $0xC2D0  }
0x25: {  	s15 =	smov.u32 s14;
	s16 =	sshra.s32 @!p0 s14, $0x1F;
	p1 =	por !p1, p0  }
0x26: {  	s14 =	sand.u32 @!p0 s16, s14;
	s15 =	simm.s32 @p1 $0xC2D0  }
0x27: {  	s14 =	ssub.s32 @!p0 s15, s14  }
0x28: {  	s14 =	sadd.s32 @!p0 $0xFFFF3D30, s14  }
0x29: {  	s15 =	sshll.u32 @!p0 s14, $0x7  }
0x2a: {  	p1 =	sgt.s32 @!p0 s14, $0x7F;
	s14 =	ssub.s32 @!p0 $0x4000, s15  }
0x2b: {  	s16 =	sadd.s32 $0x800, s12;
	p1 =	por !p1, p0;
	s14 =	sand.u32 @!p0 $0x3FFFFF80, s14  }
0x2c: {  	s14 =	simm.s32 @!p1 $0x0;
	p1 =	sgt.s32 s16, $0xC34F  }
0x2d: {  	s16 =	smov.u32 @p1 s3;
	p1 =	sne.s32 s13, s8  }
.Ltmp1:
0x2e: {  	_ = 	snop;
	(pc) =	sbr.rel @!p1 .LBB1_11-.Ltmp1, $4  }
0x2f: {  	s10 =	sadd.s32 $0x4000, s10;
	s15 =	simm.s32 @!p0 $0x2  }
0x30: {  	_ =	swait.ge @!p0 [sflag:s15], s14;
	s17 =	ssub.s32 @!p0 $0x0, s14;
	s14 =	smov.u32 s11  }
0x31: {  	s13 =	sadd.s32 $0x1, s13;
	s11 =	smov.u32 s12;
	[sflag:s15] =	ssyncset.done @!p0 $0x0  }
0x32: {  	s12 =	smov.u32 s16;
	[sflag:s15] =	ssyncadd.s32 @!p0 s17;
	s15 =	smov.u32 s2  }
.LBB1_1:
0x33: {  	p0 =	sge.u32 s13, s6  }
0x34: {  	p1 =	sgt.s32 @!p0 s12, $0xC2D0  }
0x35: {  	s16 =	smov.u32 s12;
	s17 =	sshra.s32 @!p0 s12, $0x1F;
	p1 =	por !p1, p0  }
0x36: {  	s17 =	sand.u32 @!p0 s17, s12;
	s16 =	simm.s32 @p1 $0xC2D0  }
0x37: {  	s16 =	ssub.s32 @!p0 s16, s17  }
0x38: {  	s31 =	sadd.s32 $0xFFFFFFFF, s13;
	s18 =	sxor.u32 @!p0 $0xFFFFFFFF, s13;
	s16 =	sadd.s32 @!p0 $0xFFFF3D30, s16  }
0x39: {  	s19 =	simm.s32 @!p0 $0x80;
	s20 =	simm.s32 @!p0 $0x100;
	s17 =	sshll.u32 @!p0 s16, $0x7  }
0x3a: {  	p1 =	sgt.s32 @!p0 s16, $0x7F;
	s16 =	ssub.s32 @!p0 $0x4000, s17;
	s17 =	sshll.u32 @!p0 s18, $0xE  }
0x3b: {  	p1 =	por !p1, p0;
	s18 =	sshll.u32 @!p0 s12, $0x5;
	s16 =	sand.u32 @!p0 $0x3FFFFF80, s16  }
0x3c: {  	s17 =	sand.u32 @!p0 $0x4000, s17;
	s18 =	sadd.s32 @!p0 s18, s7;
	s16 =	simm.s32 @!p1 $0x0  }
0x3d: {  	[tilespmem:s17], [sflag:$0x1] =	stream.strided.gather @!p0 [hbm4b:s18+s19], s16, s20, s19, $0x38;
	[tilespmem:$0x10000] =	vst v63  }
0x3e: {  	p0 =	sge.u32 s31, s6  }
.Ltmp2:
0x3f: {  	_ = 	snop;
	(pc) =	sbr.rel @p0 .LBB1_10-.Ltmp2, $1  }
0x40: {  	_ =	sdelay $0x3  }
0x41: {  	p0 =	sgt.s32 s11, $0xC2D0;
	s16 =	smov.u32 s11;
	s17 =	sshra.s32 s11, $0x1F  }
0x42: {  	s16 =	simm.s32 @!p0 $0xC2D0;
	s17 =	sand.u32 s17, s11  }
0x43: {  	s16 =	ssub.s32 s16, s17  }
0x44: {  	s16 =	sadd.s32 $0xFFFF3D30, s16  }
0x45: {  	s30 =	sshll.u32 s16, $0x7  }
0x46: {  	s17 =	ssub.s32 $0x4000, s30  }
0x47: {  	p0 =	sgt.s32 s16, $0x7F;
	s16 =	sand.u32 $0x3FFFFF80, s17;
	s17 =	sadd.s32 $0x80, s11  }
0x48: {  	s16 =	simm.s32 @p0 $0x0;
	p0 =	slt.s32 s17, $0xC350  }
0x49: {  	s17 =	simm.s32 @!p0 $0xC350  }
0x4a: {  	s20 =	ssub.s32 s17, s11  }
0x4b: {  	p0 =	slt.s32 s20, $0x1  }
.Ltmp3:
0x4c: {  	_ = 	snop;
	(pc) =	sbr.rel @p0 .LBB1_9-.Ltmp3, $4  }
0x4d: {  	_ = 	snop  }
0x4e: {  	s19 =	sshll.u32 s13, $0xE;
	_ =	swait.ge [sflag:s5], s16  }
0x4f: {  	s31 =	sand.u32 $0x4000, s19;
	s18 =	ssub.s32 $0x0, s16;
	[sflag:s5] =	ssyncset.done $0x0  }
0x50: {  	s17 =	sor.u32 $0x8000, s31;
	[sflag:s5] =	ssyncadd.s32 s18  }
0x51: {  	p1 =	sne.s32 s20, $0x1  }
.Ltmp4:
0x52: {  	v0 =	vmov s17;
	(pc) =	sbr.rel @!p1 .LBB1_4-.Ltmp4, $4  }
0x53: {  	_ = 	snop  }
0x54: {  	s18 =	sand.u32 $0x4000, s10  }
0x55: {  	s18 =	sor.u32 $0x40, s18  }
0x56: {  	s19 =	simm.s32 $0x0;
	s21 =	sadd.s32 $0xFFFFFFFF, s20;
	p0 =	por $0x0, $0x0;
	v1 =	vld [tilespmem:s18+$0x30]  }
0x57: {  	v4 =	vld [tilespmem:s18+$0xFFFFFFC0]  }
0x58: {  	v6 =	vld [tilespmem:s18+$0xFFFFFFD0]  }
0x59: {  	v7 =	vld [tilespmem:s18+$0xFFFFFFE0];
	p1 =	sne.s32 s21, $0x1  }
.Ltmp5:
0x5a: {  	v2 =	vld [tilespmem:s18+$0xFFFFFFF0];
	s20 =	sand.u32 $0x3F80, s19;
	(pc) =	sbr.rel @!p1 .LBB1_6-.Ltmp5, $4  }
0x5b: {  	v3 =	vld [tilespmem:s18+$0x0];
	[tilespmem:v0+s20+$0x70 ss:$0x1] =	vst.idx.msk $0xffff, v1  }
0x5c: {  	v5 =	vld [tilespmem:s18+$0x10];
	[tilespmem:v0+s20+$0x0 ss:$0x1] =	vst.idx.msk $0xffff, v4  }
0x5d: {  	v4 =	vld [tilespmem:s18+$0x20];
	[tilespmem:v0+s20+$0x10 ss:$0x1] =	vst.idx.msk $0xffff, v6;
	s18 =	sadd.s32 $0x80, s18  }
0x5e: {  	s22 =	sadd.s32 $0xFFFFFFFF, s21;
	p0 =	por $0x1, $0x1;
	s21 =	simm.s32 $0x0;
	[tilespmem:v0+s20+$0x20 ss:$0x1] =	vst.idx.msk $0xffff, v7;
	v1 =	vld [tilespmem:s18+$0x30]  }
.LBB1_7:
0x5f: {  	p1 =	sne.s32 s22, $0x1;
	v6 =	vld [tilespmem:s18+$0xFFFFFFC0];
	[tilespmem:v0+s20+$0x30 ss:$0x1] =	vst.idx.msk $0xffff, v2  }
0x60: {  	v7 =	vld [tilespmem:s18+$0xFFFFFFD0];
	[tilespmem:v0+s20+$0x40 ss:$0x1] =	vst.idx.msk $0xffff, v3  }
0x61: {  	s21 =	sadd.s32 $0x80, s21;
	v8 =	vld [tilespmem:s18+$0xFFFFFFE0];
	[tilespmem:v0+s20+$0x50 ss:$0x1] =	vst.idx.msk $0xffff, v5  }
.Ltmp6:
0x62: {  	v2 =	vld [tilespmem:s18+$0xFFFFFFF0];
	[tilespmem:v0+s20+$0x60 ss:$0x1] =	vst.idx.msk $0xffff, v4;
	s20 =	sand.u32 $0x3F80, s21;
	(pc) =	sbr.rel @p1 .LBB1_7-.Ltmp6, $4  }
0x63: {  	v3 =	vld [tilespmem:s18+$0x0];
	[tilespmem:v0+s20+$0x70 ss:$0x1] =	vst.idx.msk $0xffff, v1  }
0x64: {  	[tilespmem:v0+s20+$0x0 ss:$0x1] =	vst.idx.msk $0xffff, v6;
	v5 =	vld [tilespmem:s18+$0x10]  }
0x65: {  	[tilespmem:v0+s20+$0x10 ss:$0x1] =	vst.idx.msk $0xffff, v7;
	v4 =	vld [tilespmem:s18+$0x20];
	s18 =	sadd.s32 $0x80, s18  }
0x66: {  	s22 =	sadd.s32 $0xFFFFFFFF, s22;
	v1 =	vld [tilespmem:s18+$0x30];
	[tilespmem:v0+s20+$0x20 ss:$0x1] =	vst.idx.msk $0xffff, v8  }
.Ltmp7:
0x67: {  	_ = 	snop;
	(pc) =	sbr.rel .LBB1_8-.Ltmp7, $1  }
0x68: {  	_ =	sdelay $0x3  }
.LBB1_6:
.Ltmp8:
0x69: {  	(pc) =	sbr.rel .LBB1_8-.Ltmp8, $2  }
0x6a: {  	_ =	sdelay $0x2  }
0x6b: {  	s21 =	simm.s32 $0x0  }
.LBB1_11:
0x6c: {  	_ =	sfence.sel $0x180000  }
0x6d: {  	s2 =	simm.s32 $0x1;
	[bflag:$0x0] =	sbarrier.arrive $0xFFFF  }
0x6e: {  	s31 =	simm.s32 $0x2;
	[sflag:s2] =	ssyncpa.u1 $0x1  }
0x6f: {  	[sflag:s31] =	ssyncpa.u1 $0x1  }
0x70: {  	p0 =	sne.s32 s0, $0x0;
	_ =	strace $0x90000047  }
0x71: {  	s0 =	sadd.s32 @!p0 $0x100000, s1;
	[bflag:$0x2] =	sbarrier.arrive $0xFFFF  }
0x72: {  	[sflag:s0] =	ssyncadd.tile.s32 @!p0 $0x1;
	_ =	shalt  }
.Lfunc_end1:
_tile_overlayer_lowered:
.L_overlay_start_2:
0x73: {  	(tag) =	ssettag $0x2  }
0x74: {  	s0 =	rddreg [dreg:$0x0];
	s2 =	stileid.u32  }
0x75: {  	s1 =	rddreg [dreg:$0x1];
	p0 =	sne.s32 s2, $0x0  }
0x76: {  	s3 =	rddreg [dreg:$0x2];
	[bflag:$0x3] =	sbarrier.arrive $0xFFFF;
	s2 =	simm.s32 @!p0 $0x1C01  }
0x77: {  	[timem:s3], [sflag:s2] =	dma.local @!p0 [hbm:s0], s1  }
0x78: {  	s0 =	simm.s32 @!p0 $0x1  }
0x79: {  	_ =	swait.ge @!p0 [sflag:s0], s1  }
0x7a: {  	s1 =	ssub.s32 @!p0 $0x0, s1;
	[sflag:s0] =	ssyncset.done @!p0 $0x0  }
0x7b: {  	[sflag:s0] =	ssyncadd.s32 @!p0 s1  }
0x7c: {  	[bflag:$0x3] =	sbarrier.arrive $0xFFFF  }
0x7d: {  	_ =	shalt  }

</sc_bundles>
